<compile_context>
chip_gen: v7x
topology: tpu7x:2x2x1
jax: 0.10.2.dev20260603
libtpu: 0.0.44.dev20260713+nightly
codegen_flags: <defaults>
</compile_context>

<pallas_src>
import functools

import jax
import jax.numpy as jnp
from jax import lax
from jax.experimental import pallas as pl
from jax.experimental.pallas import tpu as pltpu
from jax.experimental.pallas import tpu_sc as plsc

NC = 2
NS = 16
LANES = 16
NB = 5


def _make_deg(n, e):
    epw = e // (NC * NS)
    rpt = n // NS
    wlo = rpt - 1
    dwin = n - (NS - 1) * wlo + LANES
    npad = n + LANES
    mesh = plsc.VectorSubcoreMesh(core_axis_name="c", subcore_axis_name="s")

    @functools.partial(
        pl.kernel,
        out_type=jax.ShapeDtypeStruct((NC, NS, dwin), jnp.float32),
        mesh=mesh,
        compiler_params=pltpu.CompilerParams(
            needs_layout_passes=False, use_tc_tiling_on_sc=False),
        scratch_types=[
            pltpu.VMEM((epw,), jnp.int32),
            pltpu.VMEM((n,), jnp.float32),
            pltpu.VMEM((dwin,), jnp.float32),
            pltpu.VMEM((dwin,), jnp.float32),
            pltpu.VMEM_SHARED((NS, npad), jnp.float32),
        ],
    )
    def deg_kernel(dstw_hbm, out_hbm, dst_v, hist_v, wsum_v, wtmp_v, deg_sh):
        c = lax.axis_index("c")
        s = lax.axis_index("s")
        w = c * NS + s
        pltpu.sync_copy(dstw_hbm.at[w], dst_v)

        def zero(i, carry):
            hist_v[pl.ds(i * LANES, LANES)] = jnp.zeros((LANES,), jnp.float32)
            return carry

        lax.fori_loop(0, n // LANES, zero, None)

        ones = jnp.ones((LANES,), jnp.float32)

        def hist(i, carry):
            idx = dst_v[pl.ds(i * LANES, LANES)]
            plsc.addupdate_scatter(hist_v, [idx], ones)
            return carry

        lax.fori_loop(0, epw // LANES, hist, None)
        pltpu.sync_copy(hist_v, deg_sh.at[s, pl.ds(0, n)])
        plsc.subcore_barrier()
        pltpu.sync_copy(deg_sh.at[0, pl.ds(s * wlo, dwin)], wsum_v)

        def accw(t, carry):
            pltpu.sync_copy(deg_sh.at[t, pl.ds(s * wlo, dwin)], wtmp_v)

            def addw(i, carry2):
                sl = pl.ds(i * LANES, LANES)
                wsum_v[sl] = wsum_v[sl] + wtmp_v[sl]
                return carry2

            lax.fori_loop(0, dwin // LANES, addw, None)
            return carry

        lax.fori_loop(1, NS, accw, None)
        pltpu.sync_copy(wsum_v, out_hbm.at[c, s])

    return deg_kernel


def _make_sc(n, e, dh, ch):
    eps = e // NS
    nch = eps // ch
    rpt = n // NS
    fch = rpt // 5
    wlo = rpt - 1
    dwin = n - (NS - 1) * wlo + LANES
    nw = NC * NS
    mesh = plsc.VectorSubcoreMesh(core_axis_name="c", subcore_axis_name="s")

    @functools.partial(
        pl.kernel,
        out_type=[
            jax.ShapeDtypeStruct((n, dh), jnp.float32),
            jax.ShapeDtypeStruct((n, dh), jnp.float32),
        ],
        mesh=mesh,
        compiler_params=pltpu.CompilerParams(
            use_tc_tiling_on_sc=False, needs_layout_passes=False),
        scratch_types=[
            pltpu.VMEM((nch, ch), jnp.int32),
            pltpu.VMEM((nch, ch), jnp.int32),
            pltpu.VMEM((NB, ch, dh), jnp.float32),
            pltpu.VMEM((fch, dh), jnp.float32),
            pltpu.VMEM((fch, dh), jnp.float32),
            pltpu.VMEM((NC, dwin), jnp.float32),
            pltpu.VMEM((dwin,), jnp.float32),
            pltpu.VMEM((dh,), jnp.float32),
            pltpu.VMEM_SHARED((n, dh), jnp.float32),
            pltpu.SemaphoreType.DMA,
            pltpu.SemaphoreType.DMA,
            pltpu.SemaphoreType.DMA,
            pltpu.SemaphoreType.DMA,
            pltpu.SemaphoreType.DMA,
        ],
    )
    def sc_kernel(xws_hbm, srcr_hbm, dstr_hbm, degp_hbm, b2_hbm, zrows_hbm,
                  o0_hbm, o1_hbm, src_v, dst_v, buf_v, acc_c, y_c, dwin_v,
                  dis_v, b_v, acc_sh, sem0, sem1, sem2, sem3, sem4):
        sems = (sem0, sem1, sem2, sem3, sem4)
        c = lax.axis_index("c")
        s = lax.axis_index("s")
        pltpu.sync_copy(srcr_hbm.at[s], src_v)
        pltpu.sync_copy(dstr_hbm.at[s], dst_v)
        pltpu.sync_copy(b2_hbm.at[c], b_v)
        pltpu.sync_copy(zrows_hbm, acc_sh.at[pl.ds(s * rpt, rpt)])

        pltpu.sync_copy(degp_hbm.at[0, s], dwin_v.at[0])
        pltpu.sync_copy(degp_hbm.at[1, s], dwin_v.at[1])

        def wsum(i, carry):
            sl = pl.ds(i * LANES, LANES)
            dis_v[sl] = dwin_v[0, sl] + dwin_v[1, sl]
            return carry

        lax.fori_loop(0, dwin // LANES, wsum, None)

        def newton(i, carry):
            sl = pl.ds(i * LANES, LANES)
            d = dis_v[sl] + 1.0
            bits = plsc.bitcast(d, jnp.int32)
            g = plsc.bitcast(
                jnp.int32(0x5F3759DF) - (bits >> 1), jnp.float32)
            hd = d * 0.5
            for _ in range(3):
                g = g * (1.5 - hd * g * g)
            dis_v[sl] = g
            return carry

        lax.fori_loop(0, dwin // LANES, newton, None)

        b_regs = [b_v[pl.ds(k * LANES, LANES)] for k in range(dh // LANES)]

        def run_phases(y_ref, cn):
            def scale_chunk(q, carry):
                base = s * rpt + q * fch
                pltpu.sync_copy(xws_hbm.at[pl.ds(cn + base, fch)], y_c)

                def scale_row(i, carry2):
                    dval = dis_v[pl.ds(s + q * fch + i, LANES)][0]
                    for k in range(dh // LANES):
                        sl = (i, pl.ds(k * LANES, LANES))
                        y_c[sl] = y_c[sl] * dval
                    return carry2

                lax.fori_loop(0, fch, scale_row, None)
                pltpu.sync_copy(y_c, y_ref.at[pl.ds(base, fch)])
                return carry

            lax.fori_loop(0, rpt // fch, scale_chunk, None)
            plsc.subcore_barrier()

            for b in range(NB):
                pltpu.async_copy(y_ref.at[src_v.at[b]], buf_v.at[b], sems[b])

            def group(g, carry):
                for b in range(NB):
                    j = g * NB + b
                    pltpu.make_async_copy(
                        y_ref.at[pl.ds(0, ch)], buf_v.at[b], sems[b]).wait()
                    pltpu.sync_copy(
                        buf_v.at[b], acc_sh.at[dst_v.at[j]], add=True)
                    jn = j + NB

                    @pl.when(jn < nch)
                    def _():
                        pltpu.async_copy(
                            y_ref.at[src_v.at[jn]], buf_v.at[b], sems[b])
                return carry

            lax.fori_loop(0, nch // NB, group, None)
            plsc.subcore_barrier()

            def fin_chunk(q, carry):
                base = s * rpt + q * fch
                pltpu.sync_copy(acc_sh.at[pl.ds(base, fch)], acc_c)
                pltpu.sync_copy(y_ref.at[pl.ds(base, fch)], y_c)

                def fin_row(i, carry2):
                    dval = dis_v[pl.ds(s + q * fch + i, LANES)][0]
                    for k in range(dh // LANES):
                        sl = (i, pl.ds(k * LANES, LANES))
                        acc_c[sl] = (acc_c[sl] + y_c[sl]) * dval + b_regs[k]
                    return carry2

                lax.fori_loop(0, fch, fin_row, None)
                pltpu.sync_copy(acc_c, y_ref.at[pl.ds(base, fch)])
                return carry

            lax.fori_loop(0, rpt // fch, fin_chunk, None)

        @pl.when(c == 0)
        def _():
            run_phases(o0_hbm, 0)

        @pl.when(c == 1)
        def _():
            run_phases(o1_hbm, n)

    return sc_kernel


def _mm_body(x_ref, w_ref, ys_ref):
    n = x_ref.shape[0]
    dh = w_ref.shape[1] // 2
    xw = jnp.dot(x_ref[...], w_ref[...], preferred_element_type=jnp.float32)
    ys_ref[0:n, :] = xw[:, :dh]
    ys_ref[n:2 * n, :] = xw[:, dh:]


def kernel(x, edge_index, W, b):
    n, d_in = x.shape
    d_out = W.shape[1]
    dh = d_out // 2
    e = edge_index.shape[1]
    ch = 80
    eps = e // NS

    src_r = edge_index[0].reshape(NS, eps // ch, ch)
    dst_r = edge_index[1].reshape(NS, eps // ch, ch)
    dst_w = edge_index[1].reshape(NC * NS, e // (NC * NS))

    deg_parts = _make_deg(n, e)(dst_w)
    xw_stack = pl.pallas_call(
        _mm_body,
        out_shape=jax.ShapeDtypeStruct((2 * n, dh), jnp.float32),
    )(x, W)

    zrows = jnp.zeros((n // NS, dh), jnp.float32)
    b2 = b.reshape(NC, dh)
    o0, o1 = _make_sc(n, e, dh, ch)(
        xw_stack, src_r, dst_r, deg_parts, b2, zrows)
    return jnp.concatenate([o0, o1], axis=1)

# --- scband reference (transcript-rebuilt; emitter-appended) ---
"""Pipeline reference for scband-one-layer-gcn-5566277615674 (READ-ONLY COPY).

The authoritative reference and input builder live on the scoring server;
editing this copy changes nothing except your own understanding.
"""

import jax, jax.numpy as jnp
import numpy as np

N = 10000
E = 320000
D_IN = 128
D_OUT = 128

def setup_inputs(seed: int = 0) -> dict:
    key = jax.random.key(seed)
    k1, k2, k3 = jax.random.split(key, 3)
    x = jax.random.normal(k1, (N, D_IN), dtype=jnp.float32)
    edge_index = jax.random.randint(k2, (2, E), 0, N, dtype=jnp.int32)
    limit = float(np.sqrt(6.0 / (D_IN + D_OUT)))
    W = jax.random.uniform(k3, (D_IN, D_OUT), dtype=jnp.float32, minval=-limit, maxval=limit)
    b = jnp.zeros((D_OUT,), dtype=jnp.float32)
    return {"x": x, "edge_index": edge_index, "W": W, "b": b}

def reference(x, edge_index, W, b):
    # GCNConv with add_self_loops=True, symmetric normalization (PyG semantics)
    n = x.shape[0]
    src = edge_index[0]
    dst = edge_index[1]
    loop = jnp.arange(n, dtype=src.dtype)
    src = jnp.concatenate([src, loop])
    dst = jnp.concatenate([dst, loop])
    # linear transform first (PyG applies lin before propagate)
    xw = x @ W
    # degree computed on target nodes (col) with unit edge weights
    deg = jnp.zeros((n,), dtype=xw.dtype).at[dst].add(1.0)
    deg_inv_sqrt = jnp.where(deg > 0, jax.lax.rsqrt(jnp.maximum(deg, 1e-12)), 0.0)
    norm = deg_inv_sqrt[src] * deg_inv_sqrt[dst]
    # message: gather source features, scale, scatter-add to targets
    msg = xw[src] * norm[:, None]
    out = jnp.zeros((n, xw.shape[1]), dtype=xw.dtype).at[dst].add(msg)
    return out + b

if __name__ == "__main__":
    import jax
    _d = setup_inputs()
    print(jax.jit(kernel)(*tuple(_d.values())))

</pallas_src>

<mosaic_0001>
#map = affine_map<(d0, d1) -> (0, 0)>
#map1 = affine_map<(d0, d1) -> (0, 0, 0)>
module attributes {stable_mosaic.version = 14 : i64} {
  func.func @deg_kernel(%arg0: i32, %arg1: i32, %arg2: memref<32x10000xi32, #tpu.memory_space<hbm>>, %arg3: memref<2x16x656xf32, #tpu.memory_space<hbm>>, %arg4: memref<10000xi32, #tpu.memory_space<vmem>>, %arg5: memref<10000xf32, #tpu.memory_space<vmem>>, %arg6: memref<656xf32, #tpu.memory_space<vmem>>, %arg7: memref<656xf32, #tpu.memory_space<vmem>>, %arg8: memref<16x10016xf32, #tpu.memory_space<vmem_shared>>) attributes {dimension_semantics = [#tpu.dimension_semantics<core_parallel>, #tpu.dimension_semantics<subcore_parallel>], iteration_bounds = array<i64: 2, 16>, scalar_prefetch = 0 : i64, scratch_operands = 5 : i64, tpu.core_type = #tpu.core_type<sc_vector_subcore>, window_params = [{transform_indices = #map}, {transform_indices = #map1}]} {
    %mul3A = arith.constant 16 : i32
    %mul3A_0 = arith.muli %arg0, %mul3A : i32
    %add3A = arith.addi %mul3A_0, %arg1 : i32
    "tpu.region"() ({
      %run_scoped3A_18 = tpu.sem_alloc : memref<!tpu.dma_semaphore, #tpu.memory_space<semaphore_mem>>
      %dma_start3A = arith.constant 0 : i32
      %dma_start3A_19 = tpu.memref_slice %arg2[%add3A, %dma_start3A] : memref<32x10000xi32, #tpu.memory_space<hbm>> -> memref<1x10000xi32, #tpu.memory_space<hbm>>
      %dma_start3A_20 = tpu.memref_squeeze %dma_start3A_19 : memref<1x10000xi32, #tpu.memory_space<hbm>> -> memref<10000xi32, #tpu.memory_space<hbm>>
      %dma_start3A_21 = arith.constant 0 : i32
      %dma_start3A_22 = tpu.memref_slice %arg2[%add3A, %dma_start3A_21] : memref<32x10000xi32, #tpu.memory_space<hbm>> -> memref<1x10000xi32, #tpu.memory_space<hbm>>
      %dma_start3A_23 = tpu.memref_squeeze %dma_start3A_22 : memref<1x10000xi32, #tpu.memory_space<hbm>> -> memref<10000xi32, #tpu.memory_space<hbm>>
      tpu.enqueue_dma source(%dma_start3A_23 : memref<10000xi32, #tpu.memory_space<hbm>>) target(%arg4 : memref<10000xi32, #tpu.memory_space<vmem>>) target_semaphore(%run_scoped3A_18 : memref<!tpu.dma_semaphore, #tpu.memory_space<semaphore_mem>>)
      %dma_wait3A = arith.constant 0 : i32
      %dma_wait3A_24 = tpu.memref_slice %arg2[%add3A, %dma_wait3A] : memref<32x10000xi32, #tpu.memory_space<hbm>> -> memref<1x10000xi32, #tpu.memory_space<hbm>>
      %dma_wait3A_25 = tpu.memref_squeeze %dma_wait3A_24 : memref<1x10000xi32, #tpu.memory_space<hbm>> -> memref<10000xi32, #tpu.memory_space<hbm>>
      %dma_wait3A_26 = arith.constant 0 : i32
      %dma_wait3A_27 = tpu.memref_slice %arg2[%add3A, %dma_wait3A_26] : memref<32x10000xi32, #tpu.memory_space<hbm>> -> memref<1x10000xi32, #tpu.memory_space<hbm>>
      %dma_wait3A_28 = tpu.memref_squeeze %dma_wait3A_27 : memref<1x10000xi32, #tpu.memory_space<hbm>> -> memref<10000xi32, #tpu.memory_space<hbm>>
      tpu.wait_dma2 semaphore(%run_scoped3A_18 : memref<!tpu.dma_semaphore, #tpu.memory_space<semaphore_mem>>) src(%dma_wait3A_28 : memref<10000xi32, #tpu.memory_space<hbm>>) dst(%arg4 : memref<10000xi32, #tpu.memory_space<vmem>>)
      tpu.yield
    }) : () -> ()
    %scan3A = arith.constant 0 : i32
    %scan3A_1 = arith.constant 625 : i32
    %scan3A_2 = arith.addi %scan3A, %scan3A_1 : i32
    %scan3A_3 = arith.constant 1 : i32
    scf.for %scan3A_18 = %scan3A to %scan3A_2 step %scan3A_3  : i32 {
      %broadcast_in_dim3A_19 = arith.constant 0.000000e+00 : f32
      %broadcast_in_dim3A_20 = vector.broadcast %broadcast_in_dim3A_19 : f32 to vector<16xf32>
      %mul3A_21 = arith.constant 16 : i32
      %mul3A_22 = arith.muli %scan3A_18, %mul3A_21 : i32
      %swap3A = arith.index_cast %mul3A_22 : i32 to index
      %swap3A_23 = tpu.vector_load %arg5[%swap3A] {strides = array<i32>} : memref<10000xf32, #tpu.memory_space<vmem>>, vector<16xf32>,
      tpu.vector_store %arg5[%swap3A], %broadcast_in_dim3A_20 {strides = array<i32>} : memref<10000xf32, #tpu.memory_space<vmem>>, vector<16xf32>,
    }
    %scan3A_4 = arith.constant 625 : i32
    %broadcast_in_dim3A = arith.constant 1.000000e+00 : f32
    %broadcast_in_dim3A_5 = vector.broadcast %broadcast_in_dim3A : f32 to vector<16xf32>
    %scan3A_6 = arith.constant 0 : i32
    %scan3A_7 = arith.constant 625 : i32
    %scan3A_8 = arith.addi %scan3A_6, %scan3A_7 : i32
    %scan3A_9 = arith.constant 1 : i32
    scf.for %scan3A_18 = %scan3A_6 to %scan3A_8 step %scan3A_9  : i32 {
      %mul3A_19 = arith.constant 16 : i32
      %mul3A_20 = arith.muli %scan3A_18, %mul3A_19 : i32
      %get3A = arith.index_cast %mul3A_20 : i32 to index
      %get3A_21 = tpu.vector_load %arg4[%get3A] {strides = array<i32>} : memref<10000xi32, #tpu.memory_space<vmem>>, vector<16xi32>,
      tpu.vector_store_idx %arg5[%get3A_21], %broadcast_in_dim3A_5 {add = true} : memref<10000xf32, #tpu.memory_space<vmem>>[vector<16xi32>], vector<16xf32>,
    }
    %scan3A_10 = arith.constant 625 : i32
    "tpu.region"() ({
      %run_scoped3A_18 = tpu.sem_alloc : memref<!tpu.dma_semaphore, #tpu.memory_space<semaphore_mem>>
      %dma_start3A = arith.constant 0 : i32
      %dma_start3A_19 = tpu.memref_slice %arg8[%arg1, %dma_start3A] : memref<16x10016xf32, #tpu.memory_space<vmem_shared>> -> memref<1x10000xf32, #tpu.memory_space<vmem_shared>>
      %dma_start3A_20 = tpu.memref_squeeze %dma_start3A_19 : memref<1x10000xf32, #tpu.memory_space<vmem_shared>> -> memref<10000xf32, #tpu.memory_space<vmem_shared>>
      %dma_start3A_21 = arith.constant 0 : i32
      %dma_start3A_22 = tpu.memref_slice %arg8[%arg1, %dma_start3A_21] : memref<16x10016xf32, #tpu.memory_space<vmem_shared>> -> memref<1x10000xf32, #tpu.memory_space<vmem_shared>>
      %dma_start3A_23 = tpu.memref_squeeze %dma_start3A_22 : memref<1x10000xf32, #tpu.memory_space<vmem_shared>> -> memref<10000xf32, #tpu.memory_space<vmem_shared>>
      tpu.enqueue_dma source(%arg5 : memref<10000xf32, #tpu.memory_space<vmem>>) target(%dma_start3A_23 : memref<10000xf32, #tpu.memory_space<vmem_shared>>) target_semaphore(%run_scoped3A_18 : memref<!tpu.dma_semaphore, #tpu.memory_space<semaphore_mem>>)
      %dma_wait3A = arith.constant 0 : i32
      %dma_wait3A_24 = tpu.memref_slice %arg8[%arg1, %dma_wait3A] : memref<16x10016xf32, #tpu.memory_space<vmem_shared>> -> memref<1x10000xf32, #tpu.memory_space<vmem_shared>>
      %dma_wait3A_25 = tpu.memref_squeeze %dma_wait3A_24 : memref<1x10000xf32, #tpu.memory_space<vmem_shared>> -> memref<10000xf32, #tpu.memory_space<vmem_shared>>
      %dma_wait3A_26 = arith.constant 0 : i32
      %dma_wait3A_27 = tpu.memref_slice %arg8[%arg1, %dma_wait3A_26] : memref<16x10016xf32, #tpu.memory_space<vmem_shared>> -> memref<1x10000xf32, #tpu.memory_space<vmem_shared>>
      %dma_wait3A_28 = tpu.memref_squeeze %dma_wait3A_27 : memref<1x10000xf32, #tpu.memory_space<vmem_shared>> -> memref<10000xf32, #tpu.memory_space<vmem_shared>>
      tpu.wait_dma2 semaphore(%run_scoped3A_18 : memref<!tpu.dma_semaphore, #tpu.memory_space<semaphore_mem>>) src(%arg5 : memref<10000xf32, #tpu.memory_space<vmem>>) dst(%dma_wait3A_28 : memref<10000xf32, #tpu.memory_space<vmem_shared>>)
      tpu.yield
    }) : () -> ()
    %barrier3A = arith.constant 0 : index
    tpu.barrier barrier_id(%barrier3A)
    %mul3A_11 = arith.constant 624 : i32
    %mul3A_12 = arith.muli %arg1, %mul3A_11 : i32
    %run_scoped3A = arith.constant 0 : i32
    "tpu.region"() ({
      %run_scoped3A_18 = tpu.sem_alloc : memref<!tpu.dma_semaphore, #tpu.memory_space<semaphore_mem>>
      %dma_start3A = tpu.memref_slice %arg8[%run_scoped3A, %mul3A_12] : memref<16x10016xf32, #tpu.memory_space<vmem_shared>> -> memref<1x656xf32, #tpu.memory_space<vmem_shared>>
      %dma_start3A_19 = tpu.memref_squeeze %dma_start3A : memref<1x656xf32, #tpu.memory_space<vmem_shared>> -> memref<656xf32, #tpu.memory_space<vmem_shared>>
      %dma_start3A_20 = tpu.memref_slice %arg8[%run_scoped3A, %mul3A_12] : memref<16x10016xf32, #tpu.memory_space<vmem_shared>> -> memref<1x656xf32, #tpu.memory_space<vmem_shared>>
      %dma_start3A_21 = tpu.memref_squeeze %dma_start3A_20 : memref<1x656xf32, #tpu.memory_space<vmem_shared>> -> memref<656xf32, #tpu.memory_space<vmem_shared>>
      tpu.enqueue_dma source(%dma_start3A_21 : memref<656xf32, #tpu.memory_space<vmem_shared>>) target(%arg6 : memref<656xf32, #tpu.memory_space<vmem>>) target_semaphore(%run_scoped3A_18 : memref<!tpu.dma_semaphore, #tpu.memory_space<semaphore_mem>>)
      %dma_wait3A = tpu.memref_slice %arg8[%run_scoped3A, %mul3A_12] : memref<16x10016xf32, #tpu.memory_space<vmem_shared>> -> memref<1x656xf32, #tpu.memory_space<vmem_shared>>
      %dma_wait3A_22 = tpu.memref_squeeze %dma_wait3A : memref<1x656xf32, #tpu.memory_space<vmem_shared>> -> memref<656xf32, #tpu.memory_space<vmem_shared>>
      %dma_wait3A_23 = tpu.memref_slice %arg8[%run_scoped3A, %mul3A_12] : memref<16x10016xf32, #tpu.memory_space<vmem_shared>> -> memref<1x656xf32, #tpu.memory_space<vmem_shared>>
      %dma_wait3A_24 = tpu.memref_squeeze %dma_wait3A_23 : memref<1x656xf32, #tpu.memory_space<vmem_shared>> -> memref<656xf32, #tpu.memory_space<vmem_shared>>
      tpu.wait_dma2 semaphore(%run_scoped3A_18 : memref<!tpu.dma_semaphore, #tpu.memory_space<semaphore_mem>>) src(%dma_wait3A_24 : memref<656xf32, #tpu.memory_space<vmem_shared>>) dst(%arg6 : memref<656xf32, #tpu.memory_space<vmem>>)
      tpu.yield
    }) : () -> ()
    %scan3A_13 = arith.constant 1 : i32
    %scan3A_14 = arith.constant 15 : i32
    %scan3A_15 = arith.addi %scan3A_13, %scan3A_14 : i32
    %scan3A_16 = arith.constant 1 : i32
    scf.for %scan3A_18 = %scan3A_13 to %scan3A_15 step %scan3A_16  : i32 {
      %mul3A_19 = arith.constant 624 : i32
      %mul3A_20 = arith.muli %arg1, %mul3A_19 : i32
      "tpu.region"() ({
        %run_scoped3A_26 = tpu.sem_alloc : memref<!tpu.dma_semaphore, #tpu.memory_space<semaphore_mem>>
        %dma_start3A = tpu.memref_slice %arg8[%scan3A_18, %mul3A_20] : memref<16x10016xf32, #tpu.memory_space<vmem_shared>> -> memref<1x656xf32, #tpu.memory_space<vmem_shared>>
        %dma_start3A_27 = tpu.memref_squeeze %dma_start3A : memref<1x656xf32, #tpu.memory_space<vmem_shared>> -> memref<656xf32, #tpu.memory_space<vmem_shared>>
        %dma_start3A_28 = tpu.memref_slice %arg8[%scan3A_18, %mul3A_20] : memref<16x10016xf32, #tpu.memory_space<vmem_shared>> -> memref<1x656xf32, #tpu.memory_space<vmem_shared>>
        %dma_start3A_29 = tpu.memref_squeeze %dma_start3A_28 : memref<1x656xf32, #tpu.memory_space<vmem_shared>> -> memref<656xf32, #tpu.memory_space<vmem_shared>>
        tpu.enqueue_dma source(%dma_start3A_29 : memref<656xf32, #tpu.memory_space<vmem_shared>>) target(%arg7 : memref<656xf32, #tpu.memory_space<vmem>>) target_semaphore(%run_scoped3A_26 : memref<!tpu.dma_semaphore, #tpu.memory_space<semaphore_mem>>)
        %dma_wait3A = tpu.memref_slice %arg8[%scan3A_18, %mul3A_20] : memref<16x10016xf32, #tpu.memory_space<vmem_shared>> -> memref<1x656xf32, #tpu.memory_space<vmem_shared>>
        %dma_wait3A_30 = tpu.memref_squeeze %dma_wait3A : memref<1x656xf32, #tpu.memory_space<vmem_shared>> -> memref<656xf32, #tpu.memory_space<vmem_shared>>
        %dma_wait3A_31 = tpu.memref_slice %arg8[%scan3A_18, %mul3A_20] : memref<16x10016xf32, #tpu.memory_space<vmem_shared>> -> memref<1x656xf32, #tpu.memory_space<vmem_shared>>
        %dma_wait3A_32 = tpu.memref_squeeze %dma_wait3A_31 : memref<1x656xf32, #tpu.memory_space<vmem_shared>> -> memref<656xf32, #tpu.memory_space<vmem_shared>>
        tpu.wait_dma2 semaphore(%run_scoped3A_26 : memref<!tpu.dma_semaphore, #tpu.memory_space<semaphore_mem>>) src(%dma_wait3A_32 : memref<656xf32, #tpu.memory_space<vmem_shared>>) dst(%arg7 : memref<656xf32, #tpu.memory_space<vmem>>)
        tpu.yield
      }) : () -> ()
      %scan3A_21 = arith.constant 0 : i32
      %scan3A_22 = arith.constant 41 : i32
      %scan3A_23 = arith.addi %scan3A_21, %scan3A_22 : i32
      %scan3A_24 = arith.constant 1 : i32
      scf.for %scan3A_26 = %scan3A_21 to %scan3A_23 step %scan3A_24  : i32 {
        %mul3A_27 = arith.constant 16 : i32
        %mul3A_28 = arith.muli %scan3A_26, %mul3A_27 : i32
        %get3A = arith.index_cast %mul3A_28 : i32 to index
        %get3A_29 = tpu.vector_load %arg6[%get3A] {strides = array<i32>} : memref<656xf32, #tpu.memory_space<vmem>>, vector<16xf32>,
        %get3A_30 = arith.index_cast %mul3A_28 : i32 to index
        %get3A_31 = tpu.vector_load %arg7[%get3A_30] {strides = array<i32>} : memref<656xf32, #tpu.memory_space<vmem>>, vector<16xf32>,
        %add3A_32 = arith.addf %get3A_29, %get3A_31 : vector<16xf32>
        %swap3A = arith.index_cast %mul3A_28 : i32 to index
        %swap3A_33 = tpu.vector_load %arg6[%swap3A] {strides = array<i32>} : memref<656xf32, #tpu.memory_space<vmem>>, vector<16xf32>,
        tpu.vector_store %arg6[%swap3A], %add3A_32 {strides = array<i32>} : memref<656xf32, #tpu.memory_space<vmem>>, vector<16xf32>,
      }
      %scan3A_25 = arith.constant 41 : i32
    }
    %scan3A_17 = arith.constant 15 : i32
    "tpu.region"() ({
      %run_scoped3A_18 = tpu.sem_alloc : memref<!tpu.dma_semaphore, #tpu.memory_space<semaphore_mem>>
      %dma_start3A = arith.constant 0 : i32
      %dma_start3A_19 = tpu.memref_slice %arg3[%arg0, %arg1, %dma_start3A] : memref<2x16x656xf32, #tpu.memory_space<hbm>> -> memref<1x1x656xf32, #tpu.memory_space<hbm>>
      %dma_start3A_20 = tpu.memref_squeeze %dma_start3A_19 : memref<1x1x656xf32, #tpu.memory_space<hbm>> -> memref<656xf32, #tpu.memory_space<hbm>>
      %dma_start3A_21 = arith.constant 0 : i32
      %dma_start3A_22 = tpu.memref_slice %arg3[%arg0, %arg1, %dma_start3A_21] : memref<2x16x656xf32, #tpu.memory_space<hbm>> -> memref<1x1x656xf32, #tpu.memory_space<hbm>>
      %dma_start3A_23 = tpu.memref_squeeze %dma_start3A_22 : memref<1x1x656xf32, #tpu.memory_space<hbm>> -> memref<656xf32, #tpu.memory_space<hbm>>
      tpu.enqueue_dma source(%arg6 : memref<656xf32, #tpu.memory_space<vmem>>) target(%dma_start3A_23 : memref<656xf32, #tpu.memory_space<hbm>>) target_semaphore(%run_scoped3A_18 : memref<!tpu.dma_semaphore, #tpu.memory_space<semaphore_mem>>)
      %dma_wait3A = arith.constant 0 : i32
      %dma_wait3A_24 = tpu.memref_slice %arg3[%arg0, %arg1, %dma_wait3A] : memref<2x16x656xf32, #tpu.memory_space<hbm>> -> memref<1x1x656xf32, #tpu.memory_space<hbm>>
      %dma_wait3A_25 = tpu.memref_squeeze %dma_wait3A_24 : memref<1x1x656xf32, #tpu.memory_space<hbm>> -> memref<656xf32, #tpu.memory_space<hbm>>
      %dma_wait3A_26 = arith.constant 0 : i32
      %dma_wait3A_27 = tpu.memref_slice %arg3[%arg0, %arg1, %dma_wait3A_26] : memref<2x16x656xf32, #tpu.memory_space<hbm>> -> memref<1x1x656xf32, #tpu.memory_space<hbm>>
      %dma_wait3A_28 = tpu.memref_squeeze %dma_wait3A_27 : memref<1x1x656xf32, #tpu.memory_space<hbm>> -> memref<656xf32, #tpu.memory_space<hbm>>
      tpu.wait_dma2 semaphore(%run_scoped3A_18 : memref<!tpu.dma_semaphore, #tpu.memory_space<semaphore_mem>>) src(%arg6 : memref<656xf32, #tpu.memory_space<vmem>>) dst(%dma_wait3A_28 : memref<656xf32, #tpu.memory_space<hbm>>)
      tpu.yield
    }) : () -> ()
    return
  }
}

#map = affine_map<(d0, d1) -> (0, 0)>
#map1 = affine_map<(d0, d1) -> (0, 0, 0)>
module attributes {stable_mosaic.version = 14 : i64} {
  func.func @sc_kernel(%arg0: i32, %arg1: i32, %arg2: memref<20000x64xf32, #tpu.memory_space<hbm>>, %arg3: memref<16x250x80xi32, #tpu.memory_space<hbm>>, %arg4: memref<16x250x80xi32, #tpu.memory_space<hbm>>, %arg5: memref<2x16x656xf32, #tpu.memory_space<hbm>>, %arg6: memref<2x64xf32, #tpu.memory_space<hbm>>, %arg7: memref<625x64xf32, #tpu.memory_space<hbm>>, %arg8: memref<10000x64xf32, #tpu.memory_space<hbm>>, %arg9: memref<10000x64xf32, #tpu.memory_space<hbm>>, %arg10: memref<250x80xi32, #tpu.memory_space<vmem>>, %arg11: memref<250x80xi32, #tpu.memory_space<vmem>>, %arg12: memref<5x80x64xf32, #tpu.memory_space<vmem>>, %arg13: memref<125x64xf32, #tpu.memory_space<vmem>>, %arg14: memref<125x64xf32, #tpu.memory_space<vmem>>, %arg15: memref<2x656xf32, #tpu.memory_space<vmem>>, %arg16: memref<656xf32, #tpu.memory_space<vmem>>, %arg17: memref<64xf32, #tpu.memory_space<vmem>>, %arg18: memref<10000x64xf32, #tpu.memory_space<vmem_shared>>, %arg19: memref<!tpu.dma_semaphore, #tpu.memory_space<semaphore_mem>>, %arg20: memref<!tpu.dma_semaphore, #tpu.memory_space<semaphore_mem>>, %arg21: memref<!tpu.dma_semaphore, #tpu.memory_space<semaphore_mem>>, %arg22: memref<!tpu.dma_semaphore, #tpu.memory_space<semaphore_mem>>, %arg23: memref<!tpu.dma_semaphore, #tpu.memory_space<semaphore_mem>>) attributes {dimension_semantics = [#tpu.dimension_semantics<core_parallel>, #tpu.dimension_semantics<subcore_parallel>], iteration_bounds = array<i64: 2, 16>, scalar_prefetch = 0 : i64, scratch_operands = 14 : i64, tpu.core_type = #tpu.core_type<sc_vector_subcore>, window_params = [{transform_indices = #map}, {transform_indices = #map1}, {transform_indices = #map1}, {transform_indices = #map1}, {transform_indices = #map}, {transform_indices = #map}, {transform_indices = #map}, {transform_indices = #map}]} {
    "tpu.region"() ({
      %run_scoped3A_27 = tpu.sem_alloc : memref<!tpu.dma_semaphore, #tpu.memory_space<semaphore_mem>>
      %dma_start3A = arith.constant 0 : i32
      %dma_start3A_28 = arith.constant 0 : i32
      %dma_start3A_29 = tpu.memref_slice %arg3[%arg1, %dma_start3A, %dma_start3A_28] : memref<16x250x80xi32, #tpu.memory_space<hbm>> -> memref<1x250x80xi32, #tpu.memory_space<hbm>>
      %dma_start3A_30 = tpu.memref_squeeze %dma_start3A_29 : memref<1x250x80xi32, #tpu.memory_space<hbm>> -> memref<250x80xi32, #tpu.memory_space<hbm>>
      %dma_start3A_31 = arith.constant 0 : i32
      %dma_start3A_32 = arith.constant 0 : i32
      %dma_start3A_33 = tpu.memref_slice %arg3[%arg1, %dma_start3A_31, %dma_start3A_32] : memref<16x250x80xi32, #tpu.memory_space<hbm>> -> memref<1x250x80xi32, #tpu.memory_space<hbm>>
      %dma_start3A_34 = tpu.memref_squeeze %dma_start3A_33 : memref<1x250x80xi32, #tpu.memory_space<hbm>> -> memref<250x80xi32, #tpu.memory_space<hbm>>
      tpu.enqueue_dma source(%dma_start3A_34 : memref<250x80xi32, #tpu.memory_space<hbm>>) target(%arg10 : memref<250x80xi32, #tpu.memory_space<vmem>>) target_semaphore(%run_scoped3A_27 : memref<!tpu.dma_semaphore, #tpu.memory_space<semaphore_mem>>)
      %dma_wait3A = arith.constant 0 : i32
      %dma_wait3A_35 = arith.constant 0 : i32
      %dma_wait3A_36 = tpu.memref_slice %arg3[%arg1, %dma_wait3A, %dma_wait3A_35] : memref<16x250x80xi32, #tpu.memory_space<hbm>> -> memref<1x250x80xi32, #tpu.memory_space<hbm>>
      %dma_wait3A_37 = tpu.memref_squeeze %dma_wait3A_36 : memref<1x250x80xi32, #tpu.memory_space<hbm>> -> memref<250x80xi32, #tpu.memory_space<hbm>>
      %dma_wait3A_38 = arith.constant 0 : i32
      %dma_wait3A_39 = arith.constant 0 : i32
      %dma_wait3A_40 = tpu.memref_slice %arg3[%arg1, %dma_wait3A_38, %dma_wait3A_39] : memref<16x250x80xi32, #tpu.memory_space<hbm>> -> memref<1x250x80xi32, #tpu.memory_space<hbm>>
      %dma_wait3A_41 = tpu.memref_squeeze %dma_wait3A_40 : memref<1x250x80xi32, #tpu.memory_space<hbm>> -> memref<250x80xi32, #tpu.memory_space<hbm>>
      tpu.wait_dma2 semaphore(%run_scoped3A_27 : memref<!tpu.dma_semaphore, #tpu.memory_space<semaphore_mem>>) src(%dma_wait3A_41 : memref<250x80xi32, #tpu.memory_space<hbm>>) dst(%arg10 : memref<250x80xi32, #tpu.memory_space<vmem>>)
      tpu.yield
    }) : () -> ()
    "tpu.region"() ({
      %run_scoped3A_27 = tpu.sem_alloc : memref<!tpu.dma_semaphore, #tpu.memory_space<semaphore_mem>>
      %dma_start3A = arith.constant 0 : i32
      %dma_start3A_28 = arith.constant 0 : i32
      %dma_start3A_29 = tpu.memref_slice %arg4[%arg1, %dma_start3A, %dma_start3A_28] : memref<16x250x80xi32, #tpu.memory_space<hbm>> -> memref<1x250x80xi32, #tpu.memory_space<hbm>>
      %dma_start3A_30 = tpu.memref_squeeze %dma_start3A_29 : memref<1x250x80xi32, #tpu.memory_space<hbm>> -> memref<250x80xi32, #tpu.memory_space<hbm>>
      %dma_start3A_31 = arith.constant 0 : i32
      %dma_start3A_32 = arith.constant 0 : i32
      %dma_start3A_33 = tpu.memref_slice %arg4[%arg1, %dma_start3A_31, %dma_start3A_32] : memref<16x250x80xi32, #tpu.memory_space<hbm>> -> memref<1x250x80xi32, #tpu.memory_space<hbm>>
      %dma_start3A_34 = tpu.memref_squeeze %dma_start3A_33 : memref<1x250x80xi32, #tpu.memory_space<hbm>> -> memref<250x80xi32, #tpu.memory_space<hbm>>
      tpu.enqueue_dma source(%dma_start3A_34 : memref<250x80xi32, #tpu.memory_space<hbm>>) target(%arg11 : memref<250x80xi32, #tpu.memory_space<vmem>>) target_semaphore(%run_scoped3A_27 : memref<!tpu.dma_semaphore, #tpu.memory_space<semaphore_mem>>)
      %dma_wait3A = arith.constant 0 : i32
      %dma_wait3A_35 = arith.constant 0 : i32
      %dma_wait3A_36 = tpu.memref_slice %arg4[%arg1, %dma_wait3A, %dma_wait3A_35] : memref<16x250x80xi32, #tpu.memory_space<hbm>> -> memref<1x250x80xi32, #tpu.memory_space<hbm>>
      %dma_wait3A_37 = tpu.memref_squeeze %dma_wait3A_36 : memref<1x250x80xi32, #tpu.memory_space<hbm>> -> memref<250x80xi32, #tpu.memory_space<hbm>>
      %dma_wait3A_38 = arith.constant 0 : i32
      %dma_wait3A_39 = arith.constant 0 : i32
      %dma_wait3A_40 = tpu.memref_slice %arg4[%arg1, %dma_wait3A_38, %dma_wait3A_39] : memref<16x250x80xi32, #tpu.memory_space<hbm>> -> memref<1x250x80xi32, #tpu.memory_space<hbm>>
      %dma_wait3A_41 = tpu.memref_squeeze %dma_wait3A_40 : memref<1x250x80xi32, #tpu.memory_space<hbm>> -> memref<250x80xi32, #tpu.memory_space<hbm>>
      tpu.wait_dma2 semaphore(%run_scoped3A_27 : memref<!tpu.dma_semaphore, #tpu.memory_space<semaphore_mem>>) src(%dma_wait3A_41 : memref<250x80xi32, #tpu.memory_space<hbm>>) dst(%arg11 : memref<250x80xi32, #tpu.memory_space<vmem>>)
      tpu.yield
    }) : () -> ()
    "tpu.region"() ({
      %run_scoped3A_27 = tpu.sem_alloc : memref<!tpu.dma_semaphore, #tpu.memory_space<semaphore_mem>>
      %dma_start3A = arith.constant 0 : i32
      %dma_start3A_28 = tpu.memref_slice %arg6[%arg0, %dma_start3A] : memref<2x64xf32, #tpu.memory_space<hbm>> -> memref<1x64xf32, #tpu.memory_space<hbm>>
      %dma_start3A_29 = tpu.memref_squeeze %dma_start3A_28 : memref<1x64xf32, #tpu.memory_space<hbm>> -> memref<64xf32, #tpu.memory_space<hbm>>
      %dma_start3A_30 = arith.constant 0 : i32
      %dma_start3A_31 = tpu.memref_slice %arg6[%arg0, %dma_start3A_30] : memref<2x64xf32, #tpu.memory_space<hbm>> -> memref<1x64xf32, #tpu.memory_space<hbm>>
      %dma_start3A_32 = tpu.memref_squeeze %dma_start3A_31 : memref<1x64xf32, #tpu.memory_space<hbm>> -> memref<64xf32, #tpu.memory_space<hbm>>
      tpu.enqueue_dma source(%dma_start3A_32 : memref<64xf32, #tpu.memory_space<hbm>>) target(%arg17 : memref<64xf32, #tpu.memory_space<vmem>>) target_semaphore(%run_scoped3A_27 : memref<!tpu.dma_semaphore, #tpu.memory_space<semaphore_mem>>)
      %dma_wait3A = arith.constant 0 : i32
      %dma_wait3A_33 = tpu.memref_slice %arg6[%arg0, %dma_wait3A] : memref<2x64xf32, #tpu.memory_space<hbm>> -> memref<1x64xf32, #tpu.memory_space<hbm>>
      %dma_wait3A_34 = tpu.memref_squeeze %dma_wait3A_33 : memref<1x64xf32, #tpu.memory_space<hbm>> -> memref<64xf32, #tpu.memory_space<hbm>>
      %dma_wait3A_35 = arith.constant 0 : i32
      %dma_wait3A_36 = tpu.memref_slice %arg6[%arg0, %dma_wait3A_35] : memref<2x64xf32, #tpu.memory_space<hbm>> -> memref<1x64xf32, #tpu.memory_space<hbm>>
      %dma_wait3A_37 = tpu.memref_squeeze %dma_wait3A_36 : memref<1x64xf32, #tpu.memory_space<hbm>> -> memref<64xf32, #tpu.memory_space<hbm>>
      tpu.wait_dma2 semaphore(%run_scoped3A_27 : memref<!tpu.dma_semaphore, #tpu.memory_space<semaphore_mem>>) src(%dma_wait3A_37 : memref<64xf32, #tpu.memory_space<hbm>>) dst(%arg17 : memref<64xf32, #tpu.memory_space<vmem>>)
      tpu.yield
    }) : () -> ()
    %mul3A = arith.constant 625 : i32
    %mul3A_0 = arith.muli %arg1, %mul3A : i32
    "tpu.region"() ({
      %run_scoped3A_27 = tpu.sem_alloc : memref<!tpu.dma_semaphore, #tpu.memory_space<semaphore_mem>>
      %dma_start3A = arith.constant 0 : i32
      %dma_start3A_28 = tpu.memref_slice %arg18[%mul3A_0, %dma_start3A] : memref<10000x64xf32, #tpu.memory_space<vmem_shared>> -> memref<625x64xf32, #tpu.memory_space<vmem_shared>>
      tpu.enqueue_dma source(%arg7 : memref<625x64xf32, #tpu.memory_space<hbm>>) target(%dma_start3A_28 : memref<625x64xf32, #tpu.memory_space<vmem_shared>>) target_semaphore(%run_scoped3A_27 : memref<!tpu.dma_semaphore, #tpu.memory_space<semaphore_mem>>)
      %dma_wait3A = arith.constant 0 : i32
      %dma_wait3A_29 = tpu.memref_slice %arg18[%mul3A_0, %dma_wait3A] : memref<10000x64xf32, #tpu.memory_space<vmem_shared>> -> memref<625x64xf32, #tpu.memory_space<vmem_shared>>
      tpu.wait_dma2 semaphore(%run_scoped3A_27 : memref<!tpu.dma_semaphore, #tpu.memory_space<semaphore_mem>>) src(%arg7 : memref<625x64xf32, #tpu.memory_space<hbm>>) dst(%dma_wait3A_29 : memref<625x64xf32, #tpu.memory_space<vmem_shared>>)
      tpu.yield
    }) : () -> ()
    %run_scoped3A = arith.constant 0 : i32
    %run_scoped3A_1 = arith.constant 0 : i32
    "tpu.region"() ({
      %run_scoped3A_27 = tpu.sem_alloc : memref<!tpu.dma_semaphore, #tpu.memory_space<semaphore_mem>>
      %dma_start3A = arith.constant 0 : i32
      %dma_start3A_28 = tpu.memref_slice %arg15[%run_scoped3A_1, %dma_start3A] : memref<2x656xf32, #tpu.memory_space<vmem>> -> memref<1x656xf32, #tpu.memory_space<vmem>>
      %dma_start3A_29 = tpu.memref_squeeze %dma_start3A_28 : memref<1x656xf32, #tpu.memory_space<vmem>> -> memref<656xf32, #tpu.memory_space<vmem>>
      %dma_start3A_30 = arith.constant 0 : i32
      %dma_start3A_31 = tpu.memref_slice %arg5[%run_scoped3A, %arg1, %dma_start3A_30] : memref<2x16x656xf32, #tpu.memory_space<hbm>> -> memref<1x1x656xf32, #tpu.memory_space<hbm>>
      %dma_start3A_32 = tpu.memref_squeeze %dma_start3A_31 : memref<1x1x656xf32, #tpu.memory_space<hbm>> -> memref<656xf32, #tpu.memory_space<hbm>>
      %dma_start3A_33 = arith.constant 0 : i32
      %dma_start3A_34 = tpu.memref_slice %arg15[%run_scoped3A_1, %dma_start3A_33] : memref<2x656xf32, #tpu.memory_space<vmem>> -> memref<1x656xf32, #tpu.memory_space<vmem>>
      %dma_start3A_35 = tpu.memref_squeeze %dma_start3A_34 : memref<1x656xf32, #tpu.memory_space<vmem>> -> memref<656xf32, #tpu.memory_space<vmem>>
      %dma_start3A_36 = arith.constant 0 : i32
      %dma_start3A_37 = tpu.memref_slice %arg5[%run_scoped3A, %arg1, %dma_start3A_36] : memref<2x16x656xf32, #tpu.memory_space<hbm>> -> memref<1x1x656xf32, #tpu.memory_space<hbm>>
      %dma_start3A_38 = tpu.memref_squeeze %dma_start3A_37 : memref<1x1x656xf32, #tpu.memory_space<hbm>> -> memref<656xf32, #tpu.memory_space<hbm>>
      tpu.enqueue_dma source(%dma_start3A_38 : memref<656xf32, #tpu.memory_space<hbm>>) target(%dma_start3A_35 : memref<656xf32, #tpu.memory_space<vmem>>) target_semaphore(%run_scoped3A_27 : memref<!tpu.dma_semaphore, #tpu.memory_space<semaphore_mem>>)
      %dma_wait3A = arith.constant 0 : i32
      %dma_wait3A_39 = tpu.memref_slice %arg15[%run_scoped3A_1, %dma_wait3A] : memref<2x656xf32, #tpu.memory_space<vmem>> -> memref<1x656xf32, #tpu.memory_space<vmem>>
      %dma_wait3A_40 = tpu.memref_squeeze %dma_wait3A_39 : memref<1x656xf32, #tpu.memory_space<vmem>> -> memref<656xf32, #tpu.memory_space<vmem>>
      %dma_wait3A_41 = arith.constant 0 : i32
      %dma_wait3A_42 = tpu.memref_slice %arg5[%run_scoped3A, %arg1, %dma_wait3A_41] : memref<2x16x656xf32, #tpu.memory_space<hbm>> -> memref<1x1x656xf32, #tpu.memory_space<hbm>>
      %dma_wait3A_43 = tpu.memref_squeeze %dma_wait3A_42 : memref<1x1x656xf32, #tpu.memory_space<hbm>> -> memref<656xf32, #tpu.memory_space<hbm>>
      %dma_wait3A_44 = arith.constant 0 : i32
      %dma_wait3A_45 = tpu.memref_slice %arg15[%run_scoped3A_1, %dma_wait3A_44] : memref<2x656xf32, #tpu.memory_space<vmem>> -> memref<1x656xf32, #tpu.memory_space<vmem>>
      %dma_wait3A_46 = tpu.memref_squeeze %dma_wait3A_45 : memref<1x656xf32, #tpu.memory_space<vmem>> -> memref<656xf32, #tpu.memory_space<vmem>>
      %dma_wait3A_47 = arith.constant 0 : i32
      %dma_wait3A_48 = tpu.memref_slice %arg5[%run_scoped3A, %arg1, %dma_wait3A_47] : memref<2x16x656xf32, #tpu.memory_space<hbm>> -> memref<1x1x656xf32, #tpu.memory_space<hbm>>
      %dma_wait3A_49 = tpu.memref_squeeze %dma_wait3A_48 : memref<1x1x656xf32, #tpu.memory_space<hbm>> -> memref<656xf32, #tpu.memory_space<hbm>>
      tpu.wait_dma2 semaphore(%run_scoped3A_27 : memref<!tpu.dma_semaphore, #tpu.memory_space<semaphore_mem>>) src(%dma_wait3A_49 : memref<656xf32, #tpu.memory_space<hbm>>) dst(%dma_wait3A_46 : memref<656xf32, #tpu.memory_space<vmem>>)
      tpu.yield
    }) : () -> ()
    %run_scoped3A_2 = arith.constant 1 : i32
    %run_scoped3A_3 = arith.constant 1 : i32
    "tpu.region"() ({
      %run_scoped3A_27 = tpu.sem_alloc : memref<!tpu.dma_semaphore, #tpu.memory_space<semaphore_mem>>
      %dma_start3A = arith.constant 0 : i32
      %dma_start3A_28 = tpu.memref_slice %arg15[%run_scoped3A_3, %dma_start3A] : memref<2x656xf32, #tpu.memory_space<vmem>> -> memref<1x656xf32, #tpu.memory_space<vmem>>
      %dma_start3A_29 = tpu.memref_squeeze %dma_start3A_28 : memref<1x656xf32, #tpu.memory_space<vmem>> -> memref<656xf32, #tpu.memory_space<vmem>>
      %dma_start3A_30 = arith.constant 0 : i32
      %dma_start3A_31 = tpu.memref_slice %arg5[%run_scoped3A_2, %arg1, %dma_start3A_30] : memref<2x16x656xf32, #tpu.memory_space<hbm>> -> memref<1x1x656xf32, #tpu.memory_space<hbm>>
      %dma_start3A_32 = tpu.memref_squeeze %dma_start3A_31 : memref<1x1x656xf32, #tpu.memory_space<hbm>> -> memref<656xf32, #tpu.memory_space<hbm>>
      %dma_start3A_33 = arith.constant 0 : i32
      %dma_start3A_34 = tpu.memref_slice %arg15[%run_scoped3A_3, %dma_start3A_33] : memref<2x656xf32, #tpu.memory_space<vmem>> -> memref<1x656xf32, #tpu.memory_space<vmem>>
      %dma_start3A_35 = tpu.memref_squeeze %dma_start3A_34 : memref<1x656xf32, #tpu.memory_space<vmem>> -> memref<656xf32, #tpu.memory_space<vmem>>
      %dma_start3A_36 = arith.constant 0 : i32
      %dma_start3A_37 = tpu.memref_slice %arg5[%run_scoped3A_2, %arg1, %dma_start3A_36] : memref<2x16x656xf32, #tpu.memory_space<hbm>> -> memref<1x1x656xf32, #tpu.memory_space<hbm>>
      %dma_start3A_38 = tpu.memref_squeeze %dma_start3A_37 : memref<1x1x656xf32, #tpu.memory_space<hbm>> -> memref<656xf32, #tpu.memory_space<hbm>>
      tpu.enqueue_dma source(%dma_start3A_38 : memref<656xf32, #tpu.memory_space<hbm>>) target(%dma_start3A_35 : memref<656xf32, #tpu.memory_space<vmem>>) target_semaphore(%run_scoped3A_27 : memref<!tpu.dma_semaphore, #tpu.memory_space<semaphore_mem>>)
      %dma_wait3A = arith.constant 0 : i32
      %dma_wait3A_39 = tpu.memref_slice %arg15[%run_scoped3A_3, %dma_wait3A] : memref<2x656xf32, #tpu.memory_space<vmem>> -> memref<1x656xf32, #tpu.memory_space<vmem>>
      %dma_wait3A_40 = tpu.memref_squeeze %dma_wait3A_39 : memref<1x656xf32, #tpu.memory_space<vmem>> -> memref<656xf32, #tpu.memory_space<vmem>>
      %dma_wait3A_41 = arith.constant 0 : i32
      %dma_wait3A_42 = tpu.memref_slice %arg5[%run_scoped3A_2, %arg1, %dma_wait3A_41] : memref<2x16x656xf32, #tpu.memory_space<hbm>> -> memref<1x1x656xf32, #tpu.memory_space<hbm>>
      %dma_wait3A_43 = tpu.memref_squeeze %dma_wait3A_42 : memref<1x1x656xf32, #tpu.memory_space<hbm>> -> memref<656xf32, #tpu.memory_space<hbm>>
      %dma_wait3A_44 = arith.constant 0 : i32
      %dma_wait3A_45 = tpu.memref_slice %arg15[%run_scoped3A_3, %dma_wait3A_44] : memref<2x656xf32, #tpu.memory_space<vmem>> -> memref<1x656xf32, #tpu.memory_space<vmem>>
      %dma_wait3A_46 = tpu.memref_squeeze %dma_wait3A_45 : memref<1x656xf32, #tpu.memory_space<vmem>> -> memref<656xf32, #tpu.memory_space<vmem>>
      %dma_wait3A_47 = arith.constant 0 : i32
      %dma_wait3A_48 = tpu.memref_slice %arg5[%run_scoped3A_2, %arg1, %dma_wait3A_47] : memref<2x16x656xf32, #tpu.memory_space<hbm>> -> memref<1x1x656xf32, #tpu.memory_space<hbm>>
      %dma_wait3A_49 = tpu.memref_squeeze %dma_wait3A_48 : memref<1x1x656xf32, #tpu.memory_space<hbm>> -> memref<656xf32, #tpu.memory_space<hbm>>
      tpu.wait_dma2 semaphore(%run_scoped3A_27 : memref<!tpu.dma_semaphore, #tpu.memory_space<semaphore_mem>>) src(%dma_wait3A_49 : memref<656xf32, #tpu.memory_space<hbm>>) dst(%dma_wait3A_46 : memref<656xf32, #tpu.memory_space<vmem>>)
      tpu.yield
    }) : () -> ()
    %scan3A = arith.constant 0 : i32
    %scan3A_4 = arith.constant 41 : i32
    %scan3A_5 = arith.addi %scan3A, %scan3A_4 : i32
    %scan3A_6 = arith.constant 1 : i32
    scf.for %scan3A_27 = %scan3A to %scan3A_5 step %scan3A_6  : i32 {
      %mul3A_28 = arith.constant 16 : i32
      %mul3A_29 = arith.muli %scan3A_27, %mul3A_28 : i32
      %get3A_30 = arith.constant 0 : i32
      %get3A_31 = arith.index_cast %get3A_30 : i32 to index
      %get3A_32 = arith.index_cast %mul3A_29 : i32 to index
      %get3A_33 = tpu.vector_load %arg15[%get3A_31, %get3A_32] {strides = array<i32>} : memref<2x656xf32, #tpu.memory_space<vmem>>, vector<16xf32>,
      %get3A_34 = arith.constant 1 : i32
      %get3A_35 = arith.index_cast %get3A_34 : i32 to index
      %get3A_36 = arith.index_cast %mul3A_29 : i32 to index
      %get3A_37 = tpu.vector_load %arg15[%get3A_35, %get3A_36] {strides = array<i32>} : memref<2x656xf32, #tpu.memory_space<vmem>>, vector<16xf32>,
      %add3A = arith.addf %get3A_33, %get3A_37 : vector<16xf32>
      %swap3A = arith.index_cast %mul3A_29 : i32 to index
      %swap3A_38 = tpu.vector_load %arg16[%swap3A] {strides = array<i32>} : memref<656xf32, #tpu.memory_space<vmem>>, vector<16xf32>,
      tpu.vector_store %arg16[%swap3A], %add3A {strides = array<i32>} : memref<656xf32, #tpu.memory_space<vmem>>, vector<16xf32>,
    }
    %scan3A_7 = arith.constant 41 : i32
    %scan3A_8 = arith.constant 0 : i32
    %scan3A_9 = arith.constant 41 : i32
    %scan3A_10 = arith.addi %scan3A_8, %scan3A_9 : i32
    %scan3A_11 = arith.constant 1 : i32
    scf.for %scan3A_27 = %scan3A_8 to %scan3A_10 step %scan3A_11  : i32 {
      %mul3A_28 = arith.constant 16 : i32
      %mul3A_29 = arith.muli %scan3A_27, %mul3A_28 : i32
      %get3A_30 = arith.index_cast %mul3A_29 : i32 to index
      %get3A_31 = tpu.vector_load %arg16[%get3A_30] {strides = array<i32>} : memref<656xf32, #tpu.memory_space<vmem>>, vector<16xf32>,
      %add3A = arith.constant 1.000000e+00 : f32
      %add3A_32 = vector.broadcast %add3A : f32 to vector<16xf32>
      %add3A_33 = arith.addf %get3A_31, %add3A_32 : vector<16xf32>
      %bitcast3A = vector.bitcast %add3A_33 : vector<16xf32> to vector<16xi32>
      %shift_right_arithmetic3A = arith.constant 1 : i32
      %shift_right_arithmetic3A_34 = vector.broadcast %shift_right_arithmetic3A : i32 to vector<16xi32>
      %shift_right_arithmetic3A_35 = arith.shrsi %bitcast3A, %shift_right_arithmetic3A_34 : vector<16xi32>
      %sub3A = arith.constant 1597463007 : i32
      %sub3A_36 = vector.broadcast %sub3A : i32 to vector<16xi32>
      %sub3A_37 = arith.subi %sub3A_36, %shift_right_arithmetic3A_35 : vector<16xi32>
      %bitcast3A_38 = vector.bitcast %sub3A_37 : vector<16xi32> to vector<16xf32>
      %mul3A_39 = arith.constant 5.000000e-01 : f32
      %mul3A_40 = vector.broadcast %mul3A_39 : f32 to vector<16xf32>
      %mul3A_41 = arith.mulf %add3A_33, %mul3A_40 : vector<16xf32>
      %mul3A_42 = arith.mulf %mul3A_41, %bitcast3A_38 : vector<16xf32>
      %mul3A_43 = arith.mulf %mul3A_42, %bitcast3A_38 : vector<16xf32>
      %sub3A_44 = arith.constant 1.500000e+00 : f32
      %sub3A_45 = vector.broadcast %sub3A_44 : f32 to vector<16xf32>
      %sub3A_46 = arith.subf %sub3A_45, %mul3A_43 : vector<16xf32>
      %mul3A_47 = arith.mulf %bitcast3A_38, %sub3A_46 : vector<16xf32>
      %mul3A_48 = arith.mulf %mul3A_41, %mul3A_47 : vector<16xf32>
      %mul3A_49 = arith.mulf %mul3A_48, %mul3A_47 : vector<16xf32>
      %sub3A_50 = arith.constant 1.500000e+00 : f32
      %sub3A_51 = vector.broadcast %sub3A_50 : f32 to vector<16xf32>
      %sub3A_52 = arith.subf %sub3A_51, %mul3A_49 : vector<16xf32>
      %mul3A_53 = arith.mulf %mul3A_47, %sub3A_52 : vector<16xf32>
      %mul3A_54 = arith.mulf %mul3A_41, %mul3A_53 : vector<16xf32>
      %mul3A_55 = arith.mulf %mul3A_54, %mul3A_53 : vector<16xf32>
      %sub3A_56 = arith.constant 1.500000e+00 : f32
      %sub3A_57 = vector.broadcast %sub3A_56 : f32 to vector<16xf32>
      %sub3A_58 = arith.subf %sub3A_57, %mul3A_55 : vector<16xf32>
      %mul3A_59 = arith.mulf %mul3A_53, %sub3A_58 : vector<16xf32>
      %swap3A = arith.index_cast %mul3A_29 : i32 to index
      %swap3A_60 = tpu.vector_load %arg16[%swap3A] {strides = array<i32>} : memref<656xf32, #tpu.memory_space<vmem>>, vector<16xf32>,
      tpu.vector_store %arg16[%swap3A], %mul3A_59 {strides = array<i32>} : memref<656xf32, #tpu.memory_space<vmem>>, vector<16xf32>,
    }
    %scan3A_12 = arith.constant 41 : i32
    %get3A = arith.constant 0 : index
    %get3A_13 = tpu.vector_load %arg17[%get3A] {strides = array<i32>} : memref<64xf32, #tpu.memory_space<vmem>>, vector<16xf32>,
    %get3A_14 = arith.constant 16 : index
    %get3A_15 = tpu.vector_load %arg17[%get3A_14] {strides = array<i32>} : memref<64xf32, #tpu.memory_space<vmem>>, vector<16xf32>,
    %get3A_16 = arith.constant 32 : index
    %get3A_17 = tpu.vector_load %arg17[%get3A_16] {strides = array<i32>} : memref<64xf32, #tpu.memory_space<vmem>>, vector<16xf32>,
    %get3A_18 = arith.constant 48 : index
    %get3A_19 = tpu.vector_load %arg17[%get3A_18] {strides = array<i32>} : memref<64xf32, #tpu.memory_space<vmem>>, vector<16xf32>,
    %eq3A = arith.constant 0 : i32
    %eq3A_20 = arith.cmpi eq, %arg0, %eq3A : i32
    %convert_element_type3A = arith.extui %eq3A_20 : i1 to i32
    %cond3A = arith.constant 0 : i32
    %cond3A_21 = arith.cmpi ne, %convert_element_type3A, %cond3A : i32
    scf.if %cond3A_21 {
      %scan3A_27 = arith.constant 0 : i32
      %scan3A_28 = arith.constant 5 : i32
      %scan3A_29 = arith.addi %scan3A_27, %scan3A_28 : i32
      %scan3A_30 = arith.constant 1 : i32
      scf.for %scan3A_102 = %scan3A_27 to %scan3A_29 step %scan3A_30  : i32 {
        %mul3A_103 = arith.constant 625 : i32
        %mul3A_104 = arith.muli %arg1, %mul3A_103 : i32
        %mul3A_105 = arith.constant 125 : i32
        %mul3A_106 = arith.muli %scan3A_102, %mul3A_105 : i32
        %add3A = arith.addi %mul3A_104, %mul3A_106 : i32
        %add3A_107 = arith.constant 0 : i32
        %add3A_108 = arith.addi %add3A_107, %add3A : i32
        "tpu.region"() ({
          %run_scoped3A_114 = tpu.sem_alloc : memref<!tpu.dma_semaphore, #tpu.memory_space<semaphore_mem>>
          %dma_start3A_115 = arith.constant 0 : i32
          %dma_start3A_116 = tpu.memref_slice %arg2[%add3A_108, %dma_start3A_115] : memref<20000x64xf32, #tpu.memory_space<hbm>> -> memref<125x64xf32, #tpu.memory_space<hbm>>
          %dma_start3A_117 = arith.constant 0 : i32
          %dma_start3A_118 = tpu.memref_slice %arg2[%add3A_108, %dma_start3A_117] : memref<20000x64xf32, #tpu.memory_space<hbm>> -> memref<125x64xf32, #tpu.memory_space<hbm>>
          tpu.enqueue_dma source(%dma_start3A_118 : memref<125x64xf32, #tpu.memory_space<hbm>>) target(%arg14 : memref<125x64xf32, #tpu.memory_space<vmem>>) target_semaphore(%run_scoped3A_114 : memref<!tpu.dma_semaphore, #tpu.memory_space<semaphore_mem>>)
          %dma_wait3A = arith.constant 0 : i32
          %dma_wait3A_119 = tpu.memref_slice %arg2[%add3A_108, %dma_wait3A] : memref<20000x64xf32, #tpu.memory_space<hbm>> -> memref<125x64xf32, #tpu.memory_space<hbm>>
          %dma_wait3A_120 = arith.constant 0 : i32
          %dma_wait3A_121 = tpu.memref_slice %arg2[%add3A_108, %dma_wait3A_120] : memref<20000x64xf32, #tpu.memory_space<hbm>> -> memref<125x64xf32, #tpu.memory_space<hbm>>
          tpu.wait_dma2 semaphore(%run_scoped3A_114 : memref<!tpu.dma_semaphore, #tpu.memory_space<semaphore_mem>>) src(%dma_wait3A_121 : memref<125x64xf32, #tpu.memory_space<hbm>>) dst(%arg14 : memref<125x64xf32, #tpu.memory_space<vmem>>)
          tpu.yield
        }) : () -> ()
        %scan3A_109 = arith.constant 0 : i32
        %scan3A_110 = arith.constant 125 : i32
        %scan3A_111 = arith.addi %scan3A_109, %scan3A_110 : i32
        %scan3A_112 = arith.constant 1 : i32
        scf.for %scan3A_114 = %scan3A_109 to %scan3A_111 step %scan3A_112  : i32 {
          %mul3A_115 = arith.constant 125 : i32
          %mul3A_116 = arith.muli %scan3A_102, %mul3A_115 : i32
          %add3A_117 = arith.addi %arg1, %mul3A_116 : i32
          %add3A_118 = arith.addi %add3A_117, %scan3A_114 : i32
          %get3A_119 = arith.index_cast %add3A_118 : i32 to index
          %get3A_120 = tpu.vector_load %arg16[%get3A_119] {strides = array<i32>} : memref<656xf32, #tpu.memory_space<vmem>>, vector<16xf32>,
          %slice3A = vector.extract_strided_slice %get3A_120 {offsets = [0], sizes = [1], strides = [1]} : vector<16xf32> to vector<1xf32>
          %squeeze3A = vector.extract %slice3A[0] : f32 from vector<1xf32>
          %get3A_121 = arith.index_cast %scan3A_114 : i32 to index
          %get3A_122 = arith.constant 0 : index
          %get3A_123 = tpu.vector_load %arg14[%get3A_121, %get3A_122] {strides = array<i32>} : memref<125x64xf32, #tpu.memory_space<vmem>>, vector<16xf32>,
          %mul3A_124 = vector.broadcast %squeeze3A : f32 to vector<16xf32>
          %mul3A_125 = arith.mulf %get3A_123, %mul3A_124 : vector<16xf32>
          %swap3A = arith.index_cast %scan3A_114 : i32 to index
          %swap3A_126 = arith.constant 0 : index
          %swap3A_127 = tpu.vector_load %arg14[%swap3A, %swap3A_126] {strides = array<i32>} : memref<125x64xf32, #tpu.memory_space<vmem>>, vector<16xf32>,
          tpu.vector_store %arg14[%swap3A, %swap3A_126], %mul3A_125 {strides = array<i32>} : memref<125x64xf32, #tpu.memory_space<vmem>>, vector<16xf32>,
          %get3A_128 = arith.index_cast %scan3A_114 : i32 to index
          %get3A_129 = arith.constant 16 : index
          %get3A_130 = tpu.vector_load %arg14[%get3A_128, %get3A_129] {strides = array<i32>} : memref<125x64xf32, #tpu.memory_space<vmem>>, vector<16xf32>,
          %mul3A_131 = vector.broadcast %squeeze3A : f32 to vector<16xf32>
          %mul3A_132 = arith.mulf %get3A_130, %mul3A_131 : vector<16xf32>
          %swap3A_133 = arith.index_cast %scan3A_114 : i32 to index
          %swap3A_134 = arith.constant 16 : index
          %swap3A_135 = tpu.vector_load %arg14[%swap3A_133, %swap3A_134] {strides = array<i32>} : memref<125x64xf32, #tpu.memory_space<vmem>>, vector<16xf32>,
          tpu.vector_store %arg14[%swap3A_133, %swap3A_134], %mul3A_132 {strides = array<i32>} : memref<125x64xf32, #tpu.memory_space<vmem>>, vector<16xf32>,
          %get3A_136 = arith.index_cast %scan3A_114 : i32 to index
          %get3A_137 = arith.constant 32 : index
          %get3A_138 = tpu.vector_load %arg14[%get3A_136, %get3A_137] {strides = array<i32>} : memref<125x64xf32, #tpu.memory_space<vmem>>, vector<16xf32>,
          %mul3A_139 = vector.broadcast %squeeze3A : f32 to vector<16xf32>
          %mul3A_140 = arith.mulf %get3A_138, %mul3A_139 : vector<16xf32>
          %swap3A_141 = arith.index_cast %scan3A_114 : i32 to index
          %swap3A_142 = arith.constant 32 : index
          %swap3A_143 = tpu.vector_load %arg14[%swap3A_141, %swap3A_142] {strides = array<i32>} : memref<125x64xf32, #tpu.memory_space<vmem>>, vector<16xf32>,
          tpu.vector_store %arg14[%swap3A_141, %swap3A_142], %mul3A_140 {strides = array<i32>} : memref<125x64xf32, #tpu.memory_space<vmem>>, vector<16xf32>,
          %get3A_144 = arith.index_cast %scan3A_114 : i32 to index
          %get3A_145 = arith.constant 48 : index
          %get3A_146 = tpu.vector_load %arg14[%get3A_144, %get3A_145] {strides = array<i32>} : memref<125x64xf32, #tpu.memory_space<vmem>>, vector<16xf32>,
          %mul3A_147 = vector.broadcast %squeeze3A : f32 to vector<16xf32>
          %mul3A_148 = arith.mulf %get3A_146, %mul3A_147 : vector<16xf32>
          %swap3A_149 = arith.index_cast %scan3A_114 : i32 to index
          %swap3A_150 = arith.constant 48 : index
          %swap3A_151 = tpu.vector_load %arg14[%swap3A_149, %swap3A_150] {strides = array<i32>} : memref<125x64xf32, #tpu.memory_space<vmem>>, vector<16xf32>,
          tpu.vector_store %arg14[%swap3A_149, %swap3A_150], %mul3A_148 {strides = array<i32>} : memref<125x64xf32, #tpu.memory_space<vmem>>, vector<16xf32>,
        }
        %scan3A_113 = arith.constant 125 : i32
        "tpu.region"() ({
          %run_scoped3A_114 = tpu.sem_alloc : memref<!tpu.dma_semaphore, #tpu.memory_space<semaphore_mem>>
          %dma_start3A_115 = arith.constant 0 : i32
          %dma_start3A_116 = tpu.memref_slice %arg8[%add3A, %dma_start3A_115] : memref<10000x64xf32, #tpu.memory_space<hbm>> -> memref<125x64xf32, #tpu.memory_space<hbm>>
          %dma_start3A_117 = arith.constant 0 : i32
          %dma_start3A_118 = tpu.memref_slice %arg8[%add3A, %dma_start3A_117] : memref<10000x64xf32, #tpu.memory_space<hbm>> -> memref<125x64xf32, #tpu.memory_space<hbm>>
          tpu.enqueue_dma source(%arg14 : memref<125x64xf32, #tpu.memory_space<vmem>>) target(%dma_start3A_118 : memref<125x64xf32, #tpu.memory_space<hbm>>) target_semaphore(%run_scoped3A_114 : memref<!tpu.dma_semaphore, #tpu.memory_space<semaphore_mem>>)
          %dma_wait3A = arith.constant 0 : i32
          %dma_wait3A_119 = tpu.memref_slice %arg8[%add3A, %dma_wait3A] : memref<10000x64xf32, #tpu.memory_space<hbm>> -> memref<125x64xf32, #tpu.memory_space<hbm>>
          %dma_wait3A_120 = arith.constant 0 : i32
          %dma_wait3A_121 = tpu.memref_slice %arg8[%add3A, %dma_wait3A_120] : memref<10000x64xf32, #tpu.memory_space<hbm>> -> memref<125x64xf32, #tpu.memory_space<hbm>>
          tpu.wait_dma2 semaphore(%run_scoped3A_114 : memref<!tpu.dma_semaphore, #tpu.memory_space<semaphore_mem>>) src(%arg14 : memref<125x64xf32, #tpu.memory_space<vmem>>) dst(%dma_wait3A_121 : memref<125x64xf32, #tpu.memory_space<hbm>>)
          tpu.yield
        }) : () -> ()
      }
      %scan3A_31 = arith.constant 5 : i32
      %barrier3A = arith.constant 0 : index
      tpu.barrier barrier_id(%barrier3A)
      %dma_start3A = arith.constant 0 : i32
      %dma_start3A_32 = arith.constant 0 : i32
      %dma_start3A_33 = arith.constant 0 : i32
      %dma_start3A_34 = arith.constant 0 : i32
      %dma_start3A_35 = tpu.memref_slice %arg12[%dma_start3A_32, %dma_start3A_33, %dma_start3A_34] : memref<5x80x64xf32, #tpu.memory_space<vmem>> -> memref<1x80x64xf32, #tpu.memory_space<vmem>>
      %dma_start3A_36 = tpu.memref_squeeze %dma_start3A_35 : memref<1x80x64xf32, #tpu.memory_space<vmem>> -> memref<80x64xf32, #tpu.memory_space<vmem>>
      %dma_start3A_37 = arith.constant 0 : i32
      %dma_start3A_38 = tpu.memref_slice %arg10[%dma_start3A, %dma_start3A_37] : memref<250x80xi32, #tpu.memory_space<vmem>> -> memref<1x80xi32, #tpu.memory_space<vmem>>
      %dma_start3A_39 = tpu.memref_squeeze %dma_start3A_38 : memref<1x80xi32, #tpu.memory_space<vmem>> -> memref<80xi32, #tpu.memory_space<vmem>>
      %dma_start3A_40 = arith.constant 0 : i32
      %dma_start3A_41 = arith.constant 0 : i32
      %dma_start3A_42 = tpu.memref_slice %arg8[%dma_start3A_40, %dma_start3A_41] : memref<10000x64xf32, #tpu.memory_space<hbm>> -> memref<10000x64xf32, #tpu.memory_space<hbm>>
      tpu.enqueue_indirect_dma source(%dma_start3A_42 : memref<10000x64xf32, #tpu.memory_space<hbm>>) target(%dma_start3A_36 : memref<80x64xf32, #tpu.memory_space<vmem>>) offsets(%dma_start3A_39 : memref<80xi32, #tpu.memory_space<vmem>>) semaphore(%arg19 : memref<!tpu.dma_semaphore, #tpu.memory_space<semaphore_mem>>)
      %dma_start3A_43 = arith.constant 1 : i32
      %dma_start3A_44 = arith.constant 1 : i32
      %dma_start3A_45 = arith.constant 0 : i32
      %dma_start3A_46 = arith.constant 0 : i32
      %dma_start3A_47 = tpu.memref_slice %arg12[%dma_start3A_44, %dma_start3A_45, %dma_start3A_46] : memref<5x80x64xf32, #tpu.memory_space<vmem>> -> memref<1x80x64xf32, #tpu.memory_space<vmem>>
      %dma_start3A_48 = tpu.memref_squeeze %dma_start3A_47 : memref<1x80x64xf32, #tpu.memory_space<vmem>> -> memref<80x64xf32, #tpu.memory_space<vmem>>
      %dma_start3A_49 = arith.constant 0 : i32
      %dma_start3A_50 = tpu.memref_slice %arg10[%dma_start3A_43, %dma_start3A_49] : memref<250x80xi32, #tpu.memory_space<vmem>> -> memref<1x80xi32, #tpu.memory_space<vmem>>
      %dma_start3A_51 = tpu.memref_squeeze %dma_start3A_50 : memref<1x80xi32, #tpu.memory_space<vmem>> -> memref<80xi32, #tpu.memory_space<vmem>>
      %dma_start3A_52 = arith.constant 0 : i32
      %dma_start3A_53 = arith.constant 0 : i32
      %dma_start3A_54 = tpu.memref_slice %arg8[%dma_start3A_52, %dma_start3A_53] : memref<10000x64xf32, #tpu.memory_space<hbm>> -> memref<10000x64xf32, #tpu.memory_space<hbm>>
      tpu.enqueue_indirect_dma source(%dma_start3A_54 : memref<10000x64xf32, #tpu.memory_space<hbm>>) target(%dma_start3A_48 : memref<80x64xf32, #tpu.memory_space<vmem>>) offsets(%dma_start3A_51 : memref<80xi32, #tpu.memory_space<vmem>>) semaphore(%arg20 : memref<!tpu.dma_semaphore, #tpu.memory_space<semaphore_mem>>)
      %dma_start3A_55 = arith.constant 2 : i32
      %dma_start3A_56 = arith.constant 2 : i32
      %dma_start3A_57 = arith.constant 0 : i32
      %dma_start3A_58 = arith.constant 0 : i32
      %dma_start3A_59 = tpu.memref_slice %arg12[%dma_start3A_56, %dma_start3A_57, %dma_start3A_58] : memref<5x80x64xf32, #tpu.memory_space<vmem>> -> memref<1x80x64xf32, #tpu.memory_space<vmem>>
      %dma_start3A_60 = tpu.memref_squeeze %dma_start3A_59 : memref<1x80x64xf32, #tpu.memory_space<vmem>> -> memref<80x64xf32, #tpu.memory_space<vmem>>
      %dma_start3A_61 = arith.constant 0 : i32
      %dma_start3A_62 = tpu.memref_slice %arg10[%dma_start3A_55, %dma_start3A_61] : memref<250x80xi32, #tpu.memory_space<vmem>> -> memref<1x80xi32, #tpu.memory_space<vmem>>
      %dma_start3A_63 = tpu.memref_squeeze %dma_start3A_62 : memref<1x80xi32, #tpu.memory_space<vmem>> -> memref<80xi32, #tpu.memory_space<vmem>>
      %dma_start3A_64 = arith.constant 0 : i32
      %dma_start3A_65 = arith.constant 0 : i32
      %dma_start3A_66 = tpu.memref_slice %arg8[%dma_start3A_64, %dma_start3A_65] : memref<10000x64xf32, #tpu.memory_space<hbm>> -> memref<10000x64xf32, #tpu.memory_space<hbm>>
      tpu.enqueue_indirect_dma source(%dma_start3A_66 : memref<10000x64xf32, #tpu.memory_space<hbm>>) target(%dma_start3A_60 : memref<80x64xf32, #tpu.memory_space<vmem>>) offsets(%dma_start3A_63 : memref<80xi32, #tpu.memory_space<vmem>>) semaphore(%arg21 : memref<!tpu.dma_semaphore, #tpu.memory_space<semaphore_mem>>)
      %dma_start3A_67 = arith.constant 3 : i32
      %dma_start3A_68 = arith.constant 3 : i32
      %dma_start3A_69 = arith.constant 0 : i32
      %dma_start3A_70 = arith.constant 0 : i32
      %dma_start3A_71 = tpu.memref_slice %arg12[%dma_start3A_68, %dma_start3A_69, %dma_start3A_70] : memref<5x80x64xf32, #tpu.memory_space<vmem>> -> memref<1x80x64xf32, #tpu.memory_space<vmem>>
      %dma_start3A_72 = tpu.memref_squeeze %dma_start3A_71 : memref<1x80x64xf32, #tpu.memory_space<vmem>> -> memref<80x64xf32, #tpu.memory_space<vmem>>
      %dma_start3A_73 = arith.constant 0 : i32
      %dma_start3A_74 = tpu.memref_slice %arg10[%dma_start3A_67, %dma_start3A_73] : memref<250x80xi32, #tpu.memory_space<vmem>> -> memref<1x80xi32, #tpu.memory_space<vmem>>
      %dma_start3A_75 = tpu.memref_squeeze %dma_start3A_74 : memref<1x80xi32, #tpu.memory_space<vmem>> -> memref<80xi32, #tpu.memory_space<vmem>>
      %dma_start3A_76 = arith.constant 0 : i32
      %dma_start3A_77 = arith.constant 0 : i32
      %dma_start3A_78 = tpu.memref_slice %arg8[%dma_start3A_76, %dma_start3A_77] : memref<10000x64xf32, #tpu.memory_space<hbm>> -> memref<10000x64xf32, #tpu.memory_space<hbm>>
      tpu.enqueue_indirect_dma source(%dma_start3A_78 : memref<10000x64xf32, #tpu.memory_space<hbm>>) target(%dma_start3A_72 : memref<80x64xf32, #tpu.memory_space<vmem>>) offsets(%dma_start3A_75 : memref<80xi32, #tpu.memory_space<vmem>>) semaphore(%arg22 : memref<!tpu.dma_semaphore, #tpu.memory_space<semaphore_mem>>)
      %dma_start3A_79 = arith.constant 4 : i32
      %dma_start3A_80 = arith.constant 4 : i32
      %dma_start3A_81 = arith.constant 0 : i32
      %dma_start3A_82 = arith.constant 0 : i32
      %dma_start3A_83 = tpu.memref_slice %arg12[%dma_start3A_80, %dma_start3A_81, %dma_start3A_82] : memref<5x80x64xf32, #tpu.memory_space<vmem>> -> memref<1x80x64xf32, #tpu.memory_space<vmem>>
      %dma_start3A_84 = tpu.memref_squeeze %dma_start3A_83 : memref<1x80x64xf32, #tpu.memory_space<vmem>> -> memref<80x64xf32, #tpu.memory_space<vmem>>
      %dma_start3A_85 = arith.constant 0 : i32
      %dma_start3A_86 = tpu.memref_slice %arg10[%dma_start3A_79, %dma_start3A_85] : memref<250x80xi32, #tpu.memory_space<vmem>> -> memref<1x80xi32, #tpu.memory_space<vmem>>
      %dma_start3A_87 = tpu.memref_squeeze %dma_start3A_86 : memref<1x80xi32, #tpu.memory_space<vmem>> -> memref<80xi32, #tpu.memory_space<vmem>>
      %dma_start3A_88 = arith.constant 0 : i32
      %dma_start3A_89 = arith.constant 0 : i32
      %dma_start3A_90 = tpu.memref_slice %arg8[%dma_start3A_88, %dma_start3A_89] : memref<10000x64xf32, #tpu.memory_space<hbm>> -> memref<10000x64xf32, #tpu.memory_space<hbm>>
      tpu.enqueue_indirect_dma source(%dma_start3A_90 : memref<10000x64xf32, #tpu.memory_space<hbm>>) target(%dma_start3A_84 : memref<80x64xf32, #tpu.memory_space<vmem>>) offsets(%dma_start3A_87 : memref<80xi32, #tpu.memory_space<vmem>>) semaphore(%arg23 : memref<!tpu.dma_semaphore, #tpu.memory_space<semaphore_mem>>)
      %scan3A_91 = arith.constant 0 : i32
      %scan3A_92 = arith.constant 50 : i32
      %scan3A_93 = arith.addi %scan3A_91, %scan3A_92 : i32
      %scan3A_94 = arith.constant 1 : i32
      scf.for %scan3A_102 = %scan3A_91 to %scan3A_93 step %scan3A_94  : i32 {
        %mul3A_103 = arith.constant 5 : i32
        %mul3A_104 = arith.muli %scan3A_102, %mul3A_103 : i32
        %add3A = arith.constant 0 : i32
        %add3A_105 = arith.addi %mul3A_104, %add3A : i32
        %dma_wait3A = arith.constant 0 : i32
        %dma_wait3A_106 = arith.constant 0 : i32
        %dma_wait3A_107 = arith.constant 0 : i32
        %dma_wait3A_108 = tpu.memref_slice %arg12[%dma_wait3A, %dma_wait3A_106, %dma_wait3A_107] : memref<5x80x64xf32, #tpu.memory_space<vmem>> -> memref<1x80x64xf32, #tpu.memory_space<vmem>>
        %dma_wait3A_109 = tpu.memref_squeeze %dma_wait3A_108 : memref<1x80x64xf32, #tpu.memory_space<vmem>> -> memref<80x64xf32, #tpu.memory_space<vmem>>
        %dma_wait3A_110 = arith.constant 0 : i32
        %dma_wait3A_111 = arith.constant 0 : i32
        %dma_wait3A_112 = tpu.memref_slice %arg8[%dma_wait3A_110, %dma_wait3A_111] : memref<10000x64xf32, #tpu.memory_space<hbm>> -> memref<80x64xf32, #tpu.memory_space<hbm>>
        %dma_wait3A_113 = arith.constant 0 : i32
        %dma_wait3A_114 = arith.constant 0 : i32
        %dma_wait3A_115 = tpu.memref_slice %arg12[%dma_wait3A, %dma_wait3A_113, %dma_wait3A_114] : memref<5x80x64xf32, #tpu.memory_space<vmem>> -> memref<1x80x64xf32, #tpu.memory_space<vmem>>
        %dma_wait3A_116 = tpu.memref_squeeze %dma_wait3A_115 : memref<1x80x64xf32, #tpu.memory_space<vmem>> -> memref<80x64xf32, #tpu.memory_space<vmem>>
        %dma_wait3A_117 = arith.constant 0 : i32
        %dma_wait3A_118 = arith.constant 0 : i32
        %dma_wait3A_119 = tpu.memref_slice %arg8[%dma_wait3A_117, %dma_wait3A_118] : memref<10000x64xf32, #tpu.memory_space<hbm>> -> memref<80x64xf32, #tpu.memory_space<hbm>>
        tpu.wait_dma2 semaphore(%arg19 : memref<!tpu.dma_semaphore, #tpu.memory_space<semaphore_mem>>) src(%dma_wait3A_119 : memref<80x64xf32, #tpu.memory_space<hbm>>) dst(%dma_wait3A_116 : memref<80x64xf32, #tpu.memory_space<vmem>>)
        %run_scoped3A_120 = arith.constant 0 : i32
        "tpu.region"() ({
          %run_scoped3A_235 = tpu.sem_alloc : memref<!tpu.dma_semaphore, #tpu.memory_space<semaphore_mem>>
          %dma_start3A_236 = arith.constant 0 : i32
          %dma_start3A_237 = arith.constant 0 : i32
          %dma_start3A_238 = tpu.memref_slice %arg12[%run_scoped3A_120, %dma_start3A_236, %dma_start3A_237] : memref<5x80x64xf32, #tpu.memory_space<vmem>> -> memref<1x80x64xf32, #tpu.memory_space<vmem>>
          %dma_start3A_239 = tpu.memref_squeeze %dma_start3A_238 : memref<1x80x64xf32, #tpu.memory_space<vmem>> -> memref<80x64xf32, #tpu.memory_space<vmem>>
          %dma_start3A_240 = arith.constant 0 : i32
          %dma_start3A_241 = tpu.memref_slice %arg11[%add3A_105, %dma_start3A_240] : memref<250x80xi32, #tpu.memory_space<vmem>> -> memref<1x80xi32, #tpu.memory_space<vmem>>
          %dma_start3A_242 = tpu.memref_squeeze %dma_start3A_241 : memref<1x80xi32, #tpu.memory_space<vmem>> -> memref<80xi32, #tpu.memory_space<vmem>>
          %dma_start3A_243 = arith.constant 0 : i32
          %dma_start3A_244 = arith.constant 0 : i32
          %dma_start3A_245 = tpu.memref_slice %arg18[%dma_start3A_243, %dma_start3A_244] : memref<10000x64xf32, #tpu.memory_space<vmem_shared>> -> memref<10000x64xf32, #tpu.memory_space<vmem_shared>>
          tpu.enqueue_indirect_dma source(%dma_start3A_239 : memref<80x64xf32, #tpu.memory_space<vmem>>) target(%dma_start3A_245 : memref<10000x64xf32, #tpu.memory_space<vmem_shared>>) offsets(%dma_start3A_242 : memref<80xi32, #tpu.memory_space<vmem>>) semaphore(%run_scoped3A_235 : memref<!tpu.dma_semaphore, #tpu.memory_space<semaphore_mem>>) {add = true}
          %dma_wait3A_246 = arith.constant 0 : i32
          %dma_wait3A_247 = arith.constant 0 : i32
          %dma_wait3A_248 = tpu.memref_slice %arg12[%run_scoped3A_120, %dma_wait3A_246, %dma_wait3A_247] : memref<5x80x64xf32, #tpu.memory_space<vmem>> -> memref<1x80x64xf32, #tpu.memory_space<vmem>>
          %dma_wait3A_249 = tpu.memref_squeeze %dma_wait3A_248 : memref<1x80x64xf32, #tpu.memory_space<vmem>> -> memref<80x64xf32, #tpu.memory_space<vmem>>
          %dma_wait3A_250 = arith.constant 0 : i32
          %dma_wait3A_251 = tpu.memref_slice %arg11[%add3A_105, %dma_wait3A_250] : memref<250x80xi32, #tpu.memory_space<vmem>> -> memref<1x80xi32, #tpu.memory_space<vmem>>
          %dma_wait3A_252 = tpu.memref_squeeze %dma_wait3A_251 : memref<1x80xi32, #tpu.memory_space<vmem>> -> memref<80xi32, #tpu.memory_space<vmem>>
          %dma_wait3A_253 = arith.constant 0 : i32
          %dma_wait3A_254 = arith.constant 0 : i32
          %dma_wait3A_255 = tpu.memref_slice %arg18[%dma_wait3A_253, %dma_wait3A_254] : memref<10000x64xf32, #tpu.memory_space<vmem_shared>> -> memref<10000x64xf32, #tpu.memory_space<vmem_shared>>
          tpu.wait_indirect_dma semaphore(%run_scoped3A_235 : memref<!tpu.dma_semaphore, #tpu.memory_space<semaphore_mem>>) src(%dma_wait3A_249 : memref<80x64xf32, #tpu.memory_space<vmem>>) dst(%dma_wait3A_255 : memref<10000x64xf32, #tpu.memory_space<vmem_shared>>)
          tpu.yield
        }) : () -> ()
        %add3A_121 = arith.constant 5 : i32
        %add3A_122 = arith.addi %add3A_105, %add3A_121 : i32
        %lt3A = arith.constant 250 : i32
        %lt3A_123 = arith.cmpi slt, %add3A_122, %lt3A : i32
        %convert_element_type3A_124 = arith.extui %lt3A_123 : i1 to i32
        %cond3A_125 = arith.constant 0 : i32
        %cond3A_126 = arith.cmpi ne, %convert_element_type3A_124, %cond3A_125 : i32
        scf.if %cond3A_126 {
          %dma_start3A_235 = arith.constant 0 : i32
          %dma_start3A_236 = arith.constant 0 : i32
          %dma_start3A_237 = arith.constant 0 : i32
          %dma_start3A_238 = tpu.memref_slice %arg12[%dma_start3A_235, %dma_start3A_236, %dma_start3A_237] : memref<5x80x64xf32, #tpu.memory_space<vmem>> -> memref<1x80x64xf32, #tpu.memory_space<vmem>>
          %dma_start3A_239 = tpu.memref_squeeze %dma_start3A_238 : memref<1x80x64xf32, #tpu.memory_space<vmem>> -> memref<80x64xf32, #tpu.memory_space<vmem>>
          %dma_start3A_240 = arith.constant 0 : i32
          %dma_start3A_241 = tpu.memref_slice %arg10[%add3A_122, %dma_start3A_240] : memref<250x80xi32, #tpu.memory_space<vmem>> -> memref<1x80xi32, #tpu.memory_space<vmem>>
          %dma_start3A_242 = tpu.memref_squeeze %dma_start3A_241 : memref<1x80xi32, #tpu.memory_space<vmem>> -> memref<80xi32, #tpu.memory_space<vmem>>
          %dma_start3A_243 = arith.constant 0 : i32
          %dma_start3A_244 = arith.constant 0 : i32
          %dma_start3A_245 = tpu.memref_slice %arg8[%dma_start3A_243, %dma_start3A_244] : memref<10000x64xf32, #tpu.memory_space<hbm>> -> memref<10000x64xf32, #tpu.memory_space<hbm>>
          tpu.enqueue_indirect_dma source(%dma_start3A_245 : memref<10000x64xf32, #tpu.memory_space<hbm>>) target(%dma_start3A_239 : memref<80x64xf32, #tpu.memory_space<vmem>>) offsets(%dma_start3A_242 : memref<80xi32, #tpu.memory_space<vmem>>) semaphore(%arg19 : memref<!tpu.dma_semaphore, #tpu.memory_space<semaphore_mem>>)
        } else {
        }
        %mul3A_127 = arith.constant 5 : i32
        %mul3A_128 = arith.muli %scan3A_102, %mul3A_127 : i32
        %add3A_129 = arith.constant 1 : i32
        %add3A_130 = arith.addi %mul3A_128, %add3A_129 : i32
        %dma_wait3A_131 = arith.constant 1 : i32
        %dma_wait3A_132 = arith.constant 0 : i32
        %dma_wait3A_133 = arith.constant 0 : i32
        %dma_wait3A_134 = tpu.memref_slice %arg12[%dma_wait3A_131, %dma_wait3A_132, %dma_wait3A_133] : memref<5x80x64xf32, #tpu.memory_space<vmem>> -> memref<1x80x64xf32, #tpu.memory_space<vmem>>
        %dma_wait3A_135 = tpu.memref_squeeze %dma_wait3A_134 : memref<1x80x64xf32, #tpu.memory_space<vmem>> -> memref<80x64xf32, #tpu.memory_space<vmem>>
        %dma_wait3A_136 = arith.constant 0 : i32
        %dma_wait3A_137 = arith.constant 0 : i32
        %dma_wait3A_138 = tpu.memref_slice %arg8[%dma_wait3A_136, %dma_wait3A_137] : memref<10000x64xf32, #tpu.memory_space<hbm>> -> memref<80x64xf32, #tpu.memory_space<hbm>>
        %dma_wait3A_139 = arith.constant 0 : i32
        %dma_wait3A_140 = arith.constant 0 : i32
        %dma_wait3A_141 = tpu.memref_slice %arg12[%dma_wait3A_131, %dma_wait3A_139, %dma_wait3A_140] : memref<5x80x64xf32, #tpu.memory_space<vmem>> -> memref<1x80x64xf32, #tpu.memory_space<vmem>>
        %dma_wait3A_142 = tpu.memref_squeeze %dma_wait3A_141 : memref<1x80x64xf32, #tpu.memory_space<vmem>> -> memref<80x64xf32, #tpu.memory_space<vmem>>
        %dma_wait3A_143 = arith.constant 0 : i32
        %dma_wait3A_144 = arith.constant 0 : i32
        %dma_wait3A_145 = tpu.memref_slice %arg8[%dma_wait3A_143, %dma_wait3A_144] : memref<10000x64xf32, #tpu.memory_space<hbm>> -> memref<80x64xf32, #tpu.memory_space<hbm>>
        tpu.wait_dma2 semaphore(%arg20 : memref<!tpu.dma_semaphore, #tpu.memory_space<semaphore_mem>>) src(%dma_wait3A_145 : memref<80x64xf32, #tpu.memory_space<hbm>>) dst(%dma_wait3A_142 : memref<80x64xf32, #tpu.memory_space<vmem>>)
        %run_scoped3A_146 = arith.constant 1 : i32
        "tpu.region"() ({
          %run_scoped3A_235 = tpu.sem_alloc : memref<!tpu.dma_semaphore, #tpu.memory_space<semaphore_mem>>
          %dma_start3A_236 = arith.constant 0 : i32
          %dma_start3A_237 = arith.constant 0 : i32
          %dma_start3A_238 = tpu.memref_slice %arg12[%run_scoped3A_146, %dma_start3A_236, %dma_start3A_237] : memref<5x80x64xf32, #tpu.memory_space<vmem>> -> memref<1x80x64xf32, #tpu.memory_space<vmem>>
          %dma_start3A_239 = tpu.memref_squeeze %dma_start3A_238 : memref<1x80x64xf32, #tpu.memory_space<vmem>> -> memref<80x64xf32, #tpu.memory_space<vmem>>
          %dma_start3A_240 = arith.constant 0 : i32
          %dma_start3A_241 = tpu.memref_slice %arg11[%add3A_130, %dma_start3A_240] : memref<250x80xi32, #tpu.memory_space<vmem>> -> memref<1x80xi32, #tpu.memory_space<vmem>>
          %dma_start3A_242 = tpu.memref_squeeze %dma_start3A_241 : memref<1x80xi32, #tpu.memory_space<vmem>> -> memref<80xi32, #tpu.memory_space<vmem>>
          %dma_start3A_243 = arith.constant 0 : i32
          %dma_start3A_244 = arith.constant 0 : i32
          %dma_start3A_245 = tpu.memref_slice %arg18[%dma_start3A_243, %dma_start3A_244] : memref<10000x64xf32, #tpu.memory_space<vmem_shared>> -> memref<10000x64xf32, #tpu.memory_space<vmem_shared>>
          tpu.enqueue_indirect_dma source(%dma_start3A_239 : memref<80x64xf32, #tpu.memory_space<vmem>>) target(%dma_start3A_245 : memref<10000x64xf32, #tpu.memory_space<vmem_shared>>) offsets(%dma_start3A_242 : memref<80xi32, #tpu.memory_space<vmem>>) semaphore(%run_scoped3A_235 : memref<!tpu.dma_semaphore, #tpu.memory_space<semaphore_mem>>) {add = true}
          %dma_wait3A_246 = arith.constant 0 : i32
          %dma_wait3A_247 = arith.constant 0 : i32
          %dma_wait3A_248 = tpu.memref_slice %arg12[%run_scoped3A_146, %dma_wait3A_246, %dma_wait3A_247] : memref<5x80x64xf32, #tpu.memory_space<vmem>> -> memref<1x80x64xf32, #tpu.memory_space<vmem>>
          %dma_wait3A_249 = tpu.memref_squeeze %dma_wait3A_248 : memref<1x80x64xf32, #tpu.memory_space<vmem>> -> memref<80x64xf32, #tpu.memory_space<vmem>>
          %dma_wait3A_250 = arith.constant 0 : i32
          %dma_wait3A_251 = tpu.memref_slice %arg11[%add3A_130, %dma_wait3A_250] : memref<250x80xi32, #tpu.memory_space<vmem>> -> memref<1x80xi32, #tpu.memory_space<vmem>>
          %dma_wait3A_252 = tpu.memref_squeeze %dma_wait3A_251 : memref<1x80xi32, #tpu.memory_space<vmem>> -> memref<80xi32, #tpu.memory_space<vmem>>
          %dma_wait3A_253 = arith.constant 0 : i32
          %dma_wait3A_254 = arith.constant 0 : i32
          %dma_wait3A_255 = tpu.memref_slice %arg18[%dma_wait3A_253, %dma_wait3A_254] : memref<10000x64xf32, #tpu.memory_space<vmem_shared>> -> memref<10000x64xf32, #tpu.memory_space<vmem_shared>>
          tpu.wait_indirect_dma semaphore(%run_scoped3A_235 : memref<!tpu.dma_semaphore, #tpu.memory_space<semaphore_mem>>) src(%dma_wait3A_249 : memref<80x64xf32, #tpu.memory_space<vmem>>) dst(%dma_wait3A_255 : memref<10000x64xf32, #tpu.memory_space<vmem_shared>>)
          tpu.yield
        }) : () -> ()
        %add3A_147 = arith.constant 5 : i32
        %add3A_148 = arith.addi %add3A_130, %add3A_147 : i32
        %lt3A_149 = arith.constant 250 : i32
        %lt3A_150 = arith.cmpi slt, %add3A_148, %lt3A_149 : i32
        %convert_element_type3A_151 = arith.extui %lt3A_150 : i1 to i32
        %cond3A_152 = arith.constant 0 : i32
        %cond3A_153 = arith.cmpi ne, %convert_element_type3A_151, %cond3A_152 : i32
        scf.if %cond3A_153 {
          %dma_start3A_235 = arith.constant 1 : i32
          %dma_start3A_236 = arith.constant 0 : i32
          %dma_start3A_237 = arith.constant 0 : i32
          %dma_start3A_238 = tpu.memref_slice %arg12[%dma_start3A_235, %dma_start3A_236, %dma_start3A_237] : memref<5x80x64xf32, #tpu.memory_space<vmem>> -> memref<1x80x64xf32, #tpu.memory_space<vmem>>
          %dma_start3A_239 = tpu.memref_squeeze %dma_start3A_238 : memref<1x80x64xf32, #tpu.memory_space<vmem>> -> memref<80x64xf32, #tpu.memory_space<vmem>>
          %dma_start3A_240 = arith.constant 0 : i32
          %dma_start3A_241 = tpu.memref_slice %arg10[%add3A_148, %dma_start3A_240] : memref<250x80xi32, #tpu.memory_space<vmem>> -> memref<1x80xi32, #tpu.memory_space<vmem>>
          %dma_start3A_242 = tpu.memref_squeeze %dma_start3A_241 : memref<1x80xi32, #tpu.memory_space<vmem>> -> memref<80xi32, #tpu.memory_space<vmem>>
          %dma_start3A_243 = arith.constant 0 : i32
          %dma_start3A_244 = arith.constant 0 : i32
          %dma_start3A_245 = tpu.memref_slice %arg8[%dma_start3A_243, %dma_start3A_244] : memref<10000x64xf32, #tpu.memory_space<hbm>> -> memref<10000x64xf32, #tpu.memory_space<hbm>>
          tpu.enqueue_indirect_dma source(%dma_start3A_245 : memref<10000x64xf32, #tpu.memory_space<hbm>>) target(%dma_start3A_239 : memref<80x64xf32, #tpu.memory_space<vmem>>) offsets(%dma_start3A_242 : memref<80xi32, #tpu.memory_space<vmem>>) semaphore(%arg20 : memref<!tpu.dma_semaphore, #tpu.memory_space<semaphore_mem>>)
        } else {
        }
        %mul3A_154 = arith.constant 5 : i32
        %mul3A_155 = arith.muli %scan3A_102, %mul3A_154 : i32
        %add3A_156 = arith.constant 2 : i32
        %add3A_157 = arith.addi %mul3A_155, %add3A_156 : i32
        %dma_wait3A_158 = arith.constant 2 : i32
        %dma_wait3A_159 = arith.constant 0 : i32
        %dma_wait3A_160 = arith.constant 0 : i32
        %dma_wait3A_161 = tpu.memref_slice %arg12[%dma_wait3A_158, %dma_wait3A_159, %dma_wait3A_160] : memref<5x80x64xf32, #tpu.memory_space<vmem>> -> memref<1x80x64xf32, #tpu.memory_space<vmem>>
        %dma_wait3A_162 = tpu.memref_squeeze %dma_wait3A_161 : memref<1x80x64xf32, #tpu.memory_space<vmem>> -> memref<80x64xf32, #tpu.memory_space<vmem>>
        %dma_wait3A_163 = arith.constant 0 : i32
        %dma_wait3A_164 = arith.constant 0 : i32
        %dma_wait3A_165 = tpu.memref_slice %arg8[%dma_wait3A_163, %dma_wait3A_164] : memref<10000x64xf32, #tpu.memory_space<hbm>> -> memref<80x64xf32, #tpu.memory_space<hbm>>
        %dma_wait3A_166 = arith.constant 0 : i32
        %dma_wait3A_167 = arith.constant 0 : i32
        %dma_wait3A_168 = tpu.memref_slice %arg12[%dma_wait3A_158, %dma_wait3A_166, %dma_wait3A_167] : memref<5x80x64xf32, #tpu.memory_space<vmem>> -> memref<1x80x64xf32, #tpu.memory_space<vmem>>
        %dma_wait3A_169 = tpu.memref_squeeze %dma_wait3A_168 : memref<1x80x64xf32, #tpu.memory_space<vmem>> -> memref<80x64xf32, #tpu.memory_space<vmem>>
        %dma_wait3A_170 = arith.constant 0 : i32
        %dma_wait3A_171 = arith.constant 0 : i32
        %dma_wait3A_172 = tpu.memref_slice %arg8[%dma_wait3A_170, %dma_wait3A_171] : memref<10000x64xf32, #tpu.memory_space<hbm>> -> memref<80x64xf32, #tpu.memory_space<hbm>>
        tpu.wait_dma2 semaphore(%arg21 : memref<!tpu.dma_semaphore, #tpu.memory_space<semaphore_mem>>) src(%dma_wait3A_172 : memref<80x64xf32, #tpu.memory_space<hbm>>) dst(%dma_wait3A_169 : memref<80x64xf32, #tpu.memory_space<vmem>>)
        %run_scoped3A_173 = arith.constant 2 : i32
        "tpu.region"() ({
          %run_scoped3A_235 = tpu.sem_alloc : memref<!tpu.dma_semaphore, #tpu.memory_space<semaphore_mem>>
          %dma_start3A_236 = arith.constant 0 : i32
          %dma_start3A_237 = arith.constant 0 : i32
          %dma_start3A_238 = tpu.memref_slice %arg12[%run_scoped3A_173, %dma_start3A_236, %dma_start3A_237] : memref<5x80x64xf32, #tpu.memory_space<vmem>> -> memref<1x80x64xf32, #tpu.memory_space<vmem>>
          %dma_start3A_239 = tpu.memref_squeeze %dma_start3A_238 : memref<1x80x64xf32, #tpu.memory_space<vmem>> -> memref<80x64xf32, #tpu.memory_space<vmem>>
          %dma_start3A_240 = arith.constant 0 : i32
          %dma_start3A_241 = tpu.memref_slice %arg11[%add3A_157, %dma_start3A_240] : memref<250x80xi32, #tpu.memory_space<vmem>> -> memref<1x80xi32, #tpu.memory_space<vmem>>
          %dma_start3A_242 = tpu.memref_squeeze %dma_start3A_241 : memref<1x80xi32, #tpu.memory_space<vmem>> -> memref<80xi32, #tpu.memory_space<vmem>>
          %dma_start3A_243 = arith.constant 0 : i32
          %dma_start3A_244 = arith.constant 0 : i32
          %dma_start3A_245 = tpu.memref_slice %arg18[%dma_start3A_243, %dma_start3A_244] : memref<10000x64xf32, #tpu.memory_space<vmem_shared>> -> memref<10000x64xf32, #tpu.memory_space<vmem_shared>>
          tpu.enqueue_indirect_dma source(%dma_start3A_239 : memref<80x64xf32, #tpu.memory_space<vmem>>) target(%dma_start3A_245 : memref<10000x64xf32, #tpu.memory_space<vmem_shared>>) offsets(%dma_start3A_242 : memref<80xi32, #tpu.memory_space<vmem>>) semaphore(%run_scoped3A_235 : memref<!tpu.dma_semaphore, #tpu.memory_space<semaphore_mem>>) {add = true}
          %dma_wait3A_246 = arith.constant 0 : i32
          %dma_wait3A_247 = arith.constant 0 : i32
          %dma_wait3A_248 = tpu.memref_slice %arg12[%run_scoped3A_173, %dma_wait3A_246, %dma_wait3A_247] : memref<5x80x64xf32, #tpu.memory_space<vmem>> -> memref<1x80x64xf32, #tpu.memory_space<vmem>>
          %dma_wait3A_249 = tpu.memref_squeeze %dma_wait3A_248 : memref<1x80x64xf32, #tpu.memory_space<vmem>> -> memref<80x64xf32, #tpu.memory_space<vmem>>
          %dma_wait3A_250 = arith.constant 0 : i32
          %dma_wait3A_251 = tpu.memref_slice %arg11[%add3A_157, %dma_wait3A_250] : memref<250x80xi32, #tpu.memory_space<vmem>> -> memref<1x80xi32, #tpu.memory_space<vmem>>
          %dma_wait3A_252 = tpu.memref_squeeze %dma_wait3A_251 : memref<1x80xi32, #tpu.memory_space<vmem>> -> memref<80xi32, #tpu.memory_space<vmem>>
          %dma_wait3A_253 = arith.constant 0 : i32
          %dma_wait3A_254 = arith.constant 0 : i32
          %dma_wait3A_255 = tpu.memref_slice %arg18[%dma_wait3A_253, %dma_wait3A_254] : memref<10000x64xf32, #tpu.memory_space<vmem_shared>> -> memref<10000x64xf32, #tpu.memory_space<vmem_shared>>
          tpu.wait_indirect_dma semaphore(%run_scoped3A_235 : memref<!tpu.dma_semaphore, #tpu.memory_space<semaphore_mem>>) src(%dma_wait3A_249 : memref<80x64xf32, #tpu.memory_space<vmem>>) dst(%dma_wait3A_255 : memref<10000x64xf32, #tpu.memory_space<vmem_shared>>)
          tpu.yield
        }) : () -> ()
        %add3A_174 = arith.constant 5 : i32
        %add3A_175 = arith.addi %add3A_157, %add3A_174 : i32
        %lt3A_176 = arith.constant 250 : i32
        %lt3A_177 = arith.cmpi slt, %add3A_175, %lt3A_176 : i32
        %convert_element_type3A_178 = arith.extui %lt3A_177 : i1 to i32
        %cond3A_179 = arith.constant 0 : i32
        %cond3A_180 = arith.cmpi ne, %convert_element_type3A_178, %cond3A_179 : i32
        scf.if %cond3A_180 {
          %dma_start3A_235 = arith.constant 2 : i32
          %dma_start3A_236 = arith.constant 0 : i32
          %dma_start3A_237 = arith.constant 0 : i32
          %dma_start3A_238 = tpu.memref_slice %arg12[%dma_start3A_235, %dma_start3A_236, %dma_start3A_237] : memref<5x80x64xf32, #tpu.memory_space<vmem>> -> memref<1x80x64xf32, #tpu.memory_space<vmem>>
          %dma_start3A_239 = tpu.memref_squeeze %dma_start3A_238 : memref<1x80x64xf32, #tpu.memory_space<vmem>> -> memref<80x64xf32, #tpu.memory_space<vmem>>
          %dma_start3A_240 = arith.constant 0 : i32
          %dma_start3A_241 = tpu.memref_slice %arg10[%add3A_175, %dma_start3A_240] : memref<250x80xi32, #tpu.memory_space<vmem>> -> memref<1x80xi32, #tpu.memory_space<vmem>>
          %dma_start3A_242 = tpu.memref_squeeze %dma_start3A_241 : memref<1x80xi32, #tpu.memory_space<vmem>> -> memref<80xi32, #tpu.memory_space<vmem>>
          %dma_start3A_243 = arith.constant 0 : i32
          %dma_start3A_244 = arith.constant 0 : i32
          %dma_start3A_245 = tpu.memref_slice %arg8[%dma_start3A_243, %dma_start3A_244] : memref<10000x64xf32, #tpu.memory_space<hbm>> -> memref<10000x64xf32, #tpu.memory_space<hbm>>
          tpu.enqueue_indirect_dma source(%dma_start3A_245 : memref<10000x64xf32, #tpu.memory_space<hbm>>) target(%dma_start3A_239 : memref<80x64xf32, #tpu.memory_space<vmem>>) offsets(%dma_start3A_242 : memref<80xi32, #tpu.memory_space<vmem>>) semaphore(%arg21 : memref<!tpu.dma_semaphore, #tpu.memory_space<semaphore_mem>>)
        } else {
        }
        %mul3A_181 = arith.constant 5 : i32
        %mul3A_182 = arith.muli %scan3A_102, %mul3A_181 : i32
        %add3A_183 = arith.constant 3 : i32
        %add3A_184 = arith.addi %mul3A_182, %add3A_183 : i32
        %dma_wait3A_185 = arith.constant 3 : i32
        %dma_wait3A_186 = arith.constant 0 : i32
        %dma_wait3A_187 = arith.constant 0 : i32
        %dma_wait3A_188 = tpu.memref_slice %arg12[%dma_wait3A_185, %dma_wait3A_186, %dma_wait3A_187] : memref<5x80x64xf32, #tpu.memory_space<vmem>> -> memref<1x80x64xf32, #tpu.memory_space<vmem>>
        %dma_wait3A_189 = tpu.memref_squeeze %dma_wait3A_188 : memref<1x80x64xf32, #tpu.memory_space<vmem>> -> memref<80x64xf32, #tpu.memory_space<vmem>>
        %dma_wait3A_190 = arith.constant 0 : i32
        %dma_wait3A_191 = arith.constant 0 : i32
        %dma_wait3A_192 = tpu.memref_slice %arg8[%dma_wait3A_190, %dma_wait3A_191] : memref<10000x64xf32, #tpu.memory_space<hbm>> -> memref<80x64xf32, #tpu.memory_space<hbm>>
        %dma_wait3A_193 = arith.constant 0 : i32
        %dma_wait3A_194 = arith.constant 0 : i32
        %dma_wait3A_195 = tpu.memref_slice %arg12[%dma_wait3A_185, %dma_wait3A_193, %dma_wait3A_194] : memref<5x80x64xf32, #tpu.memory_space<vmem>> -> memref<1x80x64xf32, #tpu.memory_space<vmem>>
        %dma_wait3A_196 = tpu.memref_squeeze %dma_wait3A_195 : memref<1x80x64xf32, #tpu.memory_space<vmem>> -> memref<80x64xf32, #tpu.memory_space<vmem>>
        %dma_wait3A_197 = arith.constant 0 : i32
        %dma_wait3A_198 = arith.constant 0 : i32
        %dma_wait3A_199 = tpu.memref_slice %arg8[%dma_wait3A_197, %dma_wait3A_198] : memref<10000x64xf32, #tpu.memory_space<hbm>> -> memref<80x64xf32, #tpu.memory_space<hbm>>
        tpu.wait_dma2 semaphore(%arg22 : memref<!tpu.dma_semaphore, #tpu.memory_space<semaphore_mem>>) src(%dma_wait3A_199 : memref<80x64xf32, #tpu.memory_space<hbm>>) dst(%dma_wait3A_196 : memref<80x64xf32, #tpu.memory_space<vmem>>)
        %run_scoped3A_200 = arith.constant 3 : i32
        "tpu.region"() ({
          %run_scoped3A_235 = tpu.sem_alloc : memref<!tpu.dma_semaphore, #tpu.memory_space<semaphore_mem>>
          %dma_start3A_236 = arith.constant 0 : i32
          %dma_start3A_237 = arith.constant 0 : i32
          %dma_start3A_238 = tpu.memref_slice %arg12[%run_scoped3A_200, %dma_start3A_236, %dma_start3A_237] : memref<5x80x64xf32, #tpu.memory_space<vmem>> -> memref<1x80x64xf32, #tpu.memory_space<vmem>>
          %dma_start3A_239 = tpu.memref_squeeze %dma_start3A_238 : memref<1x80x64xf32, #tpu.memory_space<vmem>> -> memref<80x64xf32, #tpu.memory_space<vmem>>
          %dma_start3A_240 = arith.constant 0 : i32
          %dma_start3A_241 = tpu.memref_slice %arg11[%add3A_184, %dma_start3A_240] : memref<250x80xi32, #tpu.memory_space<vmem>> -> memref<1x80xi32, #tpu.memory_space<vmem>>
          %dma_start3A_242 = tpu.memref_squeeze %dma_start3A_241 : memref<1x80xi32, #tpu.memory_space<vmem>> -> memref<80xi32, #tpu.memory_space<vmem>>
          %dma_start3A_243 = arith.constant 0 : i32
          %dma_start3A_244 = arith.constant 0 : i32
          %dma_start3A_245 = tpu.memref_slice %arg18[%dma_start3A_243, %dma_start3A_244] : memref<10000x64xf32, #tpu.memory_space<vmem_shared>> -> memref<10000x64xf32, #tpu.memory_space<vmem_shared>>
          tpu.enqueue_indirect_dma source(%dma_start3A_239 : memref<80x64xf32, #tpu.memory_space<vmem>>) target(%dma_start3A_245 : memref<10000x64xf32, #tpu.memory_space<vmem_shared>>) offsets(%dma_start3A_242 : memref<80xi32, #tpu.memory_space<vmem>>) semaphore(%run_scoped3A_235 : memref<!tpu.dma_semaphore, #tpu.memory_space<semaphore_mem>>) {add = true}
          %dma_wait3A_246 = arith.constant 0 : i32
          %dma_wait3A_247 = arith.constant 0 : i32
          %dma_wait3A_248 = tpu.memref_slice %arg12[%run_scoped3A_200, %dma_wait3A_246, %dma_wait3A_247] : memref<5x80x64xf32, #tpu.memory_space<vmem>> -> memref<1x80x64xf32, #tpu.memory_space<vmem>>
          %dma_wait3A_249 = tpu.memref_squeeze %dma_wait3A_248 : memref<1x80x64xf32, #tpu.memory_space<vmem>> -> memref<80x64xf32, #tpu.memory_space<vmem>>
          %dma_wait3A_250 = arith.constant 0 : i32
          %dma_wait3A_251 = tpu.memref_slice %arg11[%add3A_184, %dma_wait3A_250] : memref<250x80xi32, #tpu.memory_space<vmem>> -> memref<1x80xi32, #tpu.memory_space<vmem>>
          %dma_wait3A_252 = tpu.memref_squeeze %dma_wait3A_251 : memref<1x80xi32, #tpu.memory_space<vmem>> -> memref<80xi32, #tpu.memory_space<vmem>>
          %dma_wait3A_253 = arith.constant 0 : i32
          %dma_wait3A_254 = arith.constant 0 : i32
          %dma_wait3A_255 = tpu.memref_slice %arg18[%dma_wait3A_253, %dma_wait3A_254] : memref<10000x64xf32, #tpu.memory_space<vmem_shared>> -> memref<10000x64xf32, #tpu.memory_space<vmem_shared>>
          tpu.wait_indirect_dma semaphore(%run_scoped3A_235 : memref<!tpu.dma_semaphore, #tpu.memory_space<semaphore_mem>>) src(%dma_wait3A_249 : memref<80x64xf32, #tpu.memory_space<vmem>>) dst(%dma_wait3A_255 : memref<10000x64xf32, #tpu.memory_space<vmem_shared>>)
          tpu.yield
        }) : () -> ()
        %add3A_201 = arith.constant 5 : i32
        %add3A_202 = arith.addi %add3A_184, %add3A_201 : i32
        %lt3A_203 = arith.constant 250 : i32
        %lt3A_204 = arith.cmpi slt, %add3A_202, %lt3A_203 : i32
        %convert_element_type3A_205 = arith.extui %lt3A_204 : i1 to i32
        %cond3A_206 = arith.constant 0 : i32
        %cond3A_207 = arith.cmpi ne, %convert_element_type3A_205, %cond3A_206 : i32
        scf.if %cond3A_207 {
          %dma_start3A_235 = arith.constant 3 : i32
          %dma_start3A_236 = arith.constant 0 : i32
          %dma_start3A_237 = arith.constant 0 : i32
          %dma_start3A_238 = tpu.memref_slice %arg12[%dma_start3A_235, %dma_start3A_236, %dma_start3A_237] : memref<5x80x64xf32, #tpu.memory_space<vmem>> -> memref<1x80x64xf32, #tpu.memory_space<vmem>>
          %dma_start3A_239 = tpu.memref_squeeze %dma_start3A_238 : memref<1x80x64xf32, #tpu.memory_space<vmem>> -> memref<80x64xf32, #tpu.memory_space<vmem>>
          %dma_start3A_240 = arith.constant 0 : i32
          %dma_start3A_241 = tpu.memref_slice %arg10[%add3A_202, %dma_start3A_240] : memref<250x80xi32, #tpu.memory_space<vmem>> -> memref<1x80xi32, #tpu.memory_space<vmem>>
          %dma_start3A_242 = tpu.memref_squeeze %dma_start3A_241 : memref<1x80xi32, #tpu.memory_space<vmem>> -> memref<80xi32, #tpu.memory_space<vmem>>
          %dma_start3A_243 = arith.constant 0 : i32
          %dma_start3A_244 = arith.constant 0 : i32
          %dma_start3A_245 = tpu.memref_slice %arg8[%dma_start3A_243, %dma_start3A_244] : memref<10000x64xf32, #tpu.memory_space<hbm>> -> memref<10000x64xf32, #tpu.memory_space<hbm>>
          tpu.enqueue_indirect_dma source(%dma_start3A_245 : memref<10000x64xf32, #tpu.memory_space<hbm>>) target(%dma_start3A_239 : memref<80x64xf32, #tpu.memory_space<vmem>>) offsets(%dma_start3A_242 : memref<80xi32, #tpu.memory_space<vmem>>) semaphore(%arg22 : memref<!tpu.dma_semaphore, #tpu.memory_space<semaphore_mem>>)
        } else {
        }
        %mul3A_208 = arith.constant 5 : i32
        %mul3A_209 = arith.muli %scan3A_102, %mul3A_208 : i32
        %add3A_210 = arith.constant 4 : i32
        %add3A_211 = arith.addi %mul3A_209, %add3A_210 : i32
        %dma_wait3A_212 = arith.constant 4 : i32
        %dma_wait3A_213 = arith.constant 0 : i32
        %dma_wait3A_214 = arith.constant 0 : i32
        %dma_wait3A_215 = tpu.memref_slice %arg12[%dma_wait3A_212, %dma_wait3A_213, %dma_wait3A_214] : memref<5x80x64xf32, #tpu.memory_space<vmem>> -> memref<1x80x64xf32, #tpu.memory_space<vmem>>
        %dma_wait3A_216 = tpu.memref_squeeze %dma_wait3A_215 : memref<1x80x64xf32, #tpu.memory_space<vmem>> -> memref<80x64xf32, #tpu.memory_space<vmem>>
        %dma_wait3A_217 = arith.constant 0 : i32
        %dma_wait3A_218 = arith.constant 0 : i32
        %dma_wait3A_219 = tpu.memref_slice %arg8[%dma_wait3A_217, %dma_wait3A_218] : memref<10000x64xf32, #tpu.memory_space<hbm>> -> memref<80x64xf32, #tpu.memory_space<hbm>>
        %dma_wait3A_220 = arith.constant 0 : i32
        %dma_wait3A_221 = arith.constant 0 : i32
        %dma_wait3A_222 = tpu.memref_slice %arg12[%dma_wait3A_212, %dma_wait3A_220, %dma_wait3A_221] : memref<5x80x64xf32, #tpu.memory_space<vmem>> -> memref<1x80x64xf32, #tpu.memory_space<vmem>>
        %dma_wait3A_223 = tpu.memref_squeeze %dma_wait3A_222 : memref<1x80x64xf32, #tpu.memory_space<vmem>> -> memref<80x64xf32, #tpu.memory_space<vmem>>
        %dma_wait3A_224 = arith.constant 0 : i32
        %dma_wait3A_225 = arith.constant 0 : i32
        %dma_wait3A_226 = tpu.memref_slice %arg8[%dma_wait3A_224, %dma_wait3A_225] : memref<10000x64xf32, #tpu.memory_space<hbm>> -> memref<80x64xf32, #tpu.memory_space<hbm>>
        tpu.wait_dma2 semaphore(%arg23 : memref<!tpu.dma_semaphore, #tpu.memory_space<semaphore_mem>>) src(%dma_wait3A_226 : memref<80x64xf32, #tpu.memory_space<hbm>>) dst(%dma_wait3A_223 : memref<80x64xf32, #tpu.memory_space<vmem>>)
        %run_scoped3A_227 = arith.constant 4 : i32
        "tpu.region"() ({
          %run_scoped3A_235 = tpu.sem_alloc : memref<!tpu.dma_semaphore, #tpu.memory_space<semaphore_mem>>
          %dma_start3A_236 = arith.constant 0 : i32
          %dma_start3A_237 = arith.constant 0 : i32
          %dma_start3A_238 = tpu.memref_slice %arg12[%run_scoped3A_227, %dma_start3A_236, %dma_start3A_237] : memref<5x80x64xf32, #tpu.memory_space<vmem>> -> memref<1x80x64xf32, #tpu.memory_space<vmem>>
          %dma_start3A_239 = tpu.memref_squeeze %dma_start3A_238 : memref<1x80x64xf32, #tpu.memory_space<vmem>> -> memref<80x64xf32, #tpu.memory_space<vmem>>
          %dma_start3A_240 = arith.constant 0 : i32
          %dma_start3A_241 = tpu.memref_slice %arg11[%add3A_211, %dma_start3A_240] : memref<250x80xi32, #tpu.memory_space<vmem>> -> memref<1x80xi32, #tpu.memory_space<vmem>>
          %dma_start3A_242 = tpu.memref_squeeze %dma_start3A_241 : memref<1x80xi32, #tpu.memory_space<vmem>> -> memref<80xi32, #tpu.memory_space<vmem>>
          %dma_start3A_243 = arith.constant 0 : i32
          %dma_start3A_244 = arith.constant 0 : i32
          %dma_start3A_245 = tpu.memref_slice %arg18[%dma_start3A_243, %dma_start3A_244] : memref<10000x64xf32, #tpu.memory_space<vmem_shared>> -> memref<10000x64xf32, #tpu.memory_space<vmem_shared>>
          tpu.enqueue_indirect_dma source(%dma_start3A_239 : memref<80x64xf32, #tpu.memory_space<vmem>>) target(%dma_start3A_245 : memref<10000x64xf32, #tpu.memory_space<vmem_shared>>) offsets(%dma_start3A_242 : memref<80xi32, #tpu.memory_space<vmem>>) semaphore(%run_scoped3A_235 : memref<!tpu.dma_semaphore, #tpu.memory_space<semaphore_mem>>) {add = true}
          %dma_wait3A_246 = arith.constant 0 : i32
          %dma_wait3A_247 = arith.constant 0 : i32
          %dma_wait3A_248 = tpu.memref_slice %arg12[%run_scoped3A_227, %dma_wait3A_246, %dma_wait3A_247] : memref<5x80x64xf32, #tpu.memory_space<vmem>> -> memref<1x80x64xf32, #tpu.memory_space<vmem>>
          %dma_wait3A_249 = tpu.memref_squeeze %dma_wait3A_248 : memref<1x80x64xf32, #tpu.memory_space<vmem>> -> memref<80x64xf32, #tpu.memory_space<vmem>>
          %dma_wait3A_250 = arith.constant 0 : i32
          %dma_wait3A_251 = tpu.memref_slice %arg11[%add3A_211, %dma_wait3A_250] : memref<250x80xi32, #tpu.memory_space<vmem>> -> memref<1x80xi32, #tpu.memory_space<vmem>>
          %dma_wait3A_252 = tpu.memref_squeeze %dma_wait3A_251 : memref<1x80xi32, #tpu.memory_space<vmem>> -> memref<80xi32, #tpu.memory_space<vmem>>
          %dma_wait3A_253 = arith.constant 0 : i32
          %dma_wait3A_254 = arith.constant 0 : i32
          %dma_wait3A_255 = tpu.memref_slice %arg18[%dma_wait3A_253, %dma_wait3A_254] : memref<10000x64xf32, #tpu.memory_space<vmem_shared>> -> memref<10000x64xf32, #tpu.memory_space<vmem_shared>>
          tpu.wait_indirect_dma semaphore(%run_scoped3A_235 : memref<!tpu.dma_semaphore, #tpu.memory_space<semaphore_mem>>) src(%dma_wait3A_249 : memref<80x64xf32, #tpu.memory_space<vmem>>) dst(%dma_wait3A_255 : memref<10000x64xf32, #tpu.memory_space<vmem_shared>>)
          tpu.yield
        }) : () -> ()
        %add3A_228 = arith.constant 5 : i32
        %add3A_229 = arith.addi %add3A_211, %add3A_228 : i32
        %lt3A_230 = arith.constant 250 : i32
        %lt3A_231 = arith.cmpi slt, %add3A_229, %lt3A_230 : i32
        %convert_element_type3A_232 = arith.extui %lt3A_231 : i1 to i32
        %cond3A_233 = arith.constant 0 : i32
        %cond3A_234 = arith.cmpi ne, %convert_element_type3A_232, %cond3A_233 : i32
        scf.if %cond3A_234 {
          %dma_start3A_235 = arith.constant 4 : i32
          %dma_start3A_236 = arith.constant 0 : i32
          %dma_start3A_237 = arith.constant 0 : i32
          %dma_start3A_238 = tpu.memref_slice %arg12[%dma_start3A_235, %dma_start3A_236, %dma_start3A_237] : memref<5x80x64xf32, #tpu.memory_space<vmem>> -> memref<1x80x64xf32, #tpu.memory_space<vmem>>
          %dma_start3A_239 = tpu.memref_squeeze %dma_start3A_238 : memref<1x80x64xf32, #tpu.memory_space<vmem>> -> memref<80x64xf32, #tpu.memory_space<vmem>>
          %dma_start3A_240 = arith.constant 0 : i32
          %dma_start3A_241 = tpu.memref_slice %arg10[%add3A_229, %dma_start3A_240] : memref<250x80xi32, #tpu.memory_space<vmem>> -> memref<1x80xi32, #tpu.memory_space<vmem>>
          %dma_start3A_242 = tpu.memref_squeeze %dma_start3A_241 : memref<1x80xi32, #tpu.memory_space<vmem>> -> memref<80xi32, #tpu.memory_space<vmem>>
          %dma_start3A_243 = arith.constant 0 : i32
          %dma_start3A_244 = arith.constant 0 : i32
          %dma_start3A_245 = tpu.memref_slice %arg8[%dma_start3A_243, %dma_start3A_244] : memref<10000x64xf32, #tpu.memory_space<hbm>> -> memref<10000x64xf32, #tpu.memory_space<hbm>>
          tpu.enqueue_indirect_dma source(%dma_start3A_245 : memref<10000x64xf32, #tpu.memory_space<hbm>>) target(%dma_start3A_239 : memref<80x64xf32, #tpu.memory_space<vmem>>) offsets(%dma_start3A_242 : memref<80xi32, #tpu.memory_space<vmem>>) semaphore(%arg23 : memref<!tpu.dma_semaphore, #tpu.memory_space<semaphore_mem>>)
        } else {
        }
      }
      %scan3A_95 = arith.constant 50 : i32
      %barrier3A_96 = arith.constant 0 : index
      tpu.barrier barrier_id(%barrier3A_96)
      %scan3A_97 = arith.constant 0 : i32
      %scan3A_98 = arith.constant 5 : i32
      %scan3A_99 = arith.addi %scan3A_97, %scan3A_98 : i32
      %scan3A_100 = arith.constant 1 : i32
      scf.for %scan3A_102 = %scan3A_97 to %scan3A_99 step %scan3A_100  : i32 {
        %mul3A_103 = arith.constant 625 : i32
        %mul3A_104 = arith.muli %arg1, %mul3A_103 : i32
        %mul3A_105 = arith.constant 125 : i32
        %mul3A_106 = arith.muli %scan3A_102, %mul3A_105 : i32
        %add3A = arith.addi %mul3A_104, %mul3A_106 : i32
        "tpu.region"() ({
          %run_scoped3A_112 = tpu.sem_alloc : memref<!tpu.dma_semaphore, #tpu.memory_space<semaphore_mem>>
          %dma_start3A_113 = arith.constant 0 : i32
          %dma_start3A_114 = tpu.memref_slice %arg18[%add3A, %dma_start3A_113] : memref<10000x64xf32, #tpu.memory_space<vmem_shared>> -> memref<125x64xf32, #tpu.memory_space<vmem_shared>>
          %dma_start3A_115 = arith.constant 0 : i32
          %dma_start3A_116 = tpu.memref_slice %arg18[%add3A, %dma_start3A_115] : memref<10000x64xf32, #tpu.memory_space<vmem_shared>> -> memref<125x64xf32, #tpu.memory_space<vmem_shared>>
          tpu.enqueue_dma source(%dma_start3A_116 : memref<125x64xf32, #tpu.memory_space<vmem_shared>>) target(%arg13 : memref<125x64xf32, #tpu.memory_space<vmem>>) target_semaphore(%run_scoped3A_112 : memref<!tpu.dma_semaphore, #tpu.memory_space<semaphore_mem>>)
          %dma_wait3A = arith.constant 0 : i32
          %dma_wait3A_117 = tpu.memref_slice %arg18[%add3A, %dma_wait3A] : memref<10000x64xf32, #tpu.memory_space<vmem_shared>> -> memref<125x64xf32, #tpu.memory_space<vmem_shared>>
          %dma_wait3A_118 = arith.constant 0 : i32
          %dma_wait3A_119 = tpu.memref_slice %arg18[%add3A, %dma_wait3A_118] : memref<10000x64xf32, #tpu.memory_space<vmem_shared>> -> memref<125x64xf32, #tpu.memory_space<vmem_shared>>
          tpu.wait_dma2 semaphore(%run_scoped3A_112 : memref<!tpu.dma_semaphore, #tpu.memory_space<semaphore_mem>>) src(%dma_wait3A_119 : memref<125x64xf32, #tpu.memory_space<vmem_shared>>) dst(%arg13 : memref<125x64xf32, #tpu.memory_space<vmem>>)
          tpu.yield
        }) : () -> ()
        "tpu.region"() ({
          %run_scoped3A_112 = tpu.sem_alloc : memref<!tpu.dma_semaphore, #tpu.memory_space<semaphore_mem>>
          %dma_start3A_113 = arith.constant 0 : i32
          %dma_start3A_114 = tpu.memref_slice %arg8[%add3A, %dma_start3A_113] : memref<10000x64xf32, #tpu.memory_space<hbm>> -> memref<125x64xf32, #tpu.memory_space<hbm>>
          %dma_start3A_115 = arith.constant 0 : i32
          %dma_start3A_116 = tpu.memref_slice %arg8[%add3A, %dma_start3A_115] : memref<10000x64xf32, #tpu.memory_space<hbm>> -> memref<125x64xf32, #tpu.memory_space<hbm>>
          tpu.enqueue_dma source(%dma_start3A_116 : memref<125x64xf32, #tpu.memory_space<hbm>>) target(%arg14 : memref<125x64xf32, #tpu.memory_space<vmem>>) target_semaphore(%run_scoped3A_112 : memref<!tpu.dma_semaphore, #tpu.memory_space<semaphore_mem>>)
          %dma_wait3A = arith.constant 0 : i32
          %dma_wait3A_117 = tpu.memref_slice %arg8[%add3A, %dma_wait3A] : memref<10000x64xf32, #tpu.memory_space<hbm>> -> memref<125x64xf32, #tpu.memory_space<hbm>>
          %dma_wait3A_118 = arith.constant 0 : i32
          %dma_wait3A_119 = tpu.memref_slice %arg8[%add3A, %dma_wait3A_118] : memref<10000x64xf32, #tpu.memory_space<hbm>> -> memref<125x64xf32, #tpu.memory_space<hbm>>
          tpu.wait_dma2 semaphore(%run_scoped3A_112 : memref<!tpu.dma_semaphore, #tpu.memory_space<semaphore_mem>>) src(%dma_wait3A_119 : memref<125x64xf32, #tpu.memory_space<hbm>>) dst(%arg14 : memref<125x64xf32, #tpu.memory_space<vmem>>)
          tpu.yield
        }) : () -> ()
        %scan3A_107 = arith.constant 0 : i32
        %scan3A_108 = arith.constant 125 : i32
        %scan3A_109 = arith.addi %scan3A_107, %scan3A_108 : i32
        %scan3A_110 = arith.constant 1 : i32
        scf.for %scan3A_112 = %scan3A_107 to %scan3A_109 step %scan3A_110  : i32 {
          %mul3A_113 = arith.constant 125 : i32
          %mul3A_114 = arith.muli %scan3A_102, %mul3A_113 : i32
          %add3A_115 = arith.addi %arg1, %mul3A_114 : i32
          %add3A_116 = arith.addi %add3A_115, %scan3A_112 : i32
          %get3A_117 = arith.index_cast %add3A_116 : i32 to index
          %get3A_118 = tpu.vector_load %arg16[%get3A_117] {strides = array<i32>} : memref<656xf32, #tpu.memory_space<vmem>>, vector<16xf32>,
          %slice3A = vector.extract_strided_slice %get3A_118 {offsets = [0], sizes = [1], strides = [1]} : vector<16xf32> to vector<1xf32>
          %squeeze3A = vector.extract %slice3A[0] : f32 from vector<1xf32>
          %get3A_119 = arith.index_cast %scan3A_112 : i32 to index
          %get3A_120 = arith.constant 0 : index
          %get3A_121 = tpu.vector_load %arg13[%get3A_119, %get3A_120] {strides = array<i32>} : memref<125x64xf32, #tpu.memory_space<vmem>>, vector<16xf32>,
          %get3A_122 = arith.index_cast %scan3A_112 : i32 to index
          %get3A_123 = arith.constant 0 : index
          %get3A_124 = tpu.vector_load %arg14[%get3A_122, %get3A_123] {strides = array<i32>} : memref<125x64xf32, #tpu.memory_space<vmem>>, vector<16xf32>,
          %add3A_125 = arith.addf %get3A_121, %get3A_124 : vector<16xf32>
          %mul3A_126 = vector.broadcast %squeeze3A : f32 to vector<16xf32>
          %mul3A_127 = arith.mulf %add3A_125, %mul3A_126 : vector<16xf32>
          %add3A_128 = arith.addf %mul3A_127, %get3A_13 : vector<16xf32>
          %swap3A = arith.index_cast %scan3A_112 : i32 to index
          %swap3A_129 = arith.constant 0 : index
          %swap3A_130 = tpu.vector_load %arg13[%swap3A, %swap3A_129] {strides = array<i32>} : memref<125x64xf32, #tpu.memory_space<vmem>>, vector<16xf32>,
          tpu.vector_store %arg13[%swap3A, %swap3A_129], %add3A_128 {strides = array<i32>} : memref<125x64xf32, #tpu.memory_space<vmem>>, vector<16xf32>,
          %get3A_131 = arith.index_cast %scan3A_112 : i32 to index
          %get3A_132 = arith.constant 16 : index
          %get3A_133 = tpu.vector_load %arg13[%get3A_131, %get3A_132] {strides = array<i32>} : memref<125x64xf32, #tpu.memory_space<vmem>>, vector<16xf32>,
          %get3A_134 = arith.index_cast %scan3A_112 : i32 to index
          %get3A_135 = arith.constant 16 : index
          %get3A_136 = tpu.vector_load %arg14[%get3A_134, %get3A_135] {strides = array<i32>} : memref<125x64xf32, #tpu.memory_space<vmem>>, vector<16xf32>,
          %add3A_137 = arith.addf %get3A_133, %get3A_136 : vector<16xf32>
          %mul3A_138 = vector.broadcast %squeeze3A : f32 to vector<16xf32>
          %mul3A_139 = arith.mulf %add3A_137, %mul3A_138 : vector<16xf32>
          %add3A_140 = arith.addf %mul3A_139, %get3A_15 : vector<16xf32>
          %swap3A_141 = arith.index_cast %scan3A_112 : i32 to index
          %swap3A_142 = arith.constant 16 : index
          %swap3A_143 = tpu.vector_load %arg13[%swap3A_141, %swap3A_142] {strides = array<i32>} : memref<125x64xf32, #tpu.memory_space<vmem>>, vector<16xf32>,
          tpu.vector_store %arg13[%swap3A_141, %swap3A_142], %add3A_140 {strides = array<i32>} : memref<125x64xf32, #tpu.memory_space<vmem>>, vector<16xf32>,
          %get3A_144 = arith.index_cast %scan3A_112 : i32 to index
          %get3A_145 = arith.constant 32 : index
          %get3A_146 = tpu.vector_load %arg13[%get3A_144, %get3A_145] {strides = array<i32>} : memref<125x64xf32, #tpu.memory_space<vmem>>, vector<16xf32>,
          %get3A_147 = arith.index_cast %scan3A_112 : i32 to index
          %get3A_148 = arith.constant 32 : index
          %get3A_149 = tpu.vector_load %arg14[%get3A_147, %get3A_148] {strides = array<i32>} : memref<125x64xf32, #tpu.memory_space<vmem>>, vector<16xf32>,
          %add3A_150 = arith.addf %get3A_146, %get3A_149 : vector<16xf32>
          %mul3A_151 = vector.broadcast %squeeze3A : f32 to vector<16xf32>
          %mul3A_152 = arith.mulf %add3A_150, %mul3A_151 : vector<16xf32>
          %add3A_153 = arith.addf %mul3A_152, %get3A_17 : vector<16xf32>
          %swap3A_154 = arith.index_cast %scan3A_112 : i32 to index
          %swap3A_155 = arith.constant 32 : index
          %swap3A_156 = tpu.vector_load %arg13[%swap3A_154, %swap3A_155] {strides = array<i32>} : memref<125x64xf32, #tpu.memory_space<vmem>>, vector<16xf32>,
          tpu.vector_store %arg13[%swap3A_154, %swap3A_155], %add3A_153 {strides = array<i32>} : memref<125x64xf32, #tpu.memory_space<vmem>>, vector<16xf32>,
          %get3A_157 = arith.index_cast %scan3A_112 : i32 to index
          %get3A_158 = arith.constant 48 : index
          %get3A_159 = tpu.vector_load %arg13[%get3A_157, %get3A_158] {strides = array<i32>} : memref<125x64xf32, #tpu.memory_space<vmem>>, vector<16xf32>,
          %get3A_160 = arith.index_cast %scan3A_112 : i32 to index
          %get3A_161 = arith.constant 48 : index
          %get3A_162 = tpu.vector_load %arg14[%get3A_160, %get3A_161] {strides = array<i32>} : memref<125x64xf32, #tpu.memory_space<vmem>>, vector<16xf32>,
          %add3A_163 = arith.addf %get3A_159, %get3A_162 : vector<16xf32>
          %mul3A_164 = vector.broadcast %squeeze3A : f32 to vector<16xf32>
          %mul3A_165 = arith.mulf %add3A_163, %mul3A_164 : vector<16xf32>
          %add3A_166 = arith.addf %mul3A_165, %get3A_19 : vector<16xf32>
          %swap3A_167 = arith.index_cast %scan3A_112 : i32 to index
          %swap3A_168 = arith.constant 48 : index
          %swap3A_169 = tpu.vector_load %arg13[%swap3A_167, %swap3A_168] {strides = array<i32>} : memref<125x64xf32, #tpu.memory_space<vmem>>, vector<16xf32>,
          tpu.vector_store %arg13[%swap3A_167, %swap3A_168], %add3A_166 {strides = array<i32>} : memref<125x64xf32, #tpu.memory_space<vmem>>, vector<16xf32>,
        }
        %scan3A_111 = arith.constant 125 : i32
        "tpu.region"() ({
          %run_scoped3A_112 = tpu.sem_alloc : memref<!tpu.dma_semaphore, #tpu.memory_space<semaphore_mem>>
          %dma_start3A_113 = arith.constant 0 : i32
          %dma_start3A_114 = tpu.memref_slice %arg8[%add3A, %dma_start3A_113] : memref<10000x64xf32, #tpu.memory_space<hbm>> -> memref<125x64xf32, #tpu.memory_space<hbm>>
          %dma_start3A_115 = arith.constant 0 : i32
          %dma_start3A_116 = tpu.memref_slice %arg8[%add3A, %dma_start3A_115] : memref<10000x64xf32, #tpu.memory_space<hbm>> -> memref<125x64xf32, #tpu.memory_space<hbm>>
          tpu.enqueue_dma source(%arg13 : memref<125x64xf32, #tpu.memory_space<vmem>>) target(%dma_start3A_116 : memref<125x64xf32, #tpu.memory_space<hbm>>) target_semaphore(%run_scoped3A_112 : memref<!tpu.dma_semaphore, #tpu.memory_space<semaphore_mem>>)
          %dma_wait3A = arith.constant 0 : i32
          %dma_wait3A_117 = tpu.memref_slice %arg8[%add3A, %dma_wait3A] : memref<10000x64xf32, #tpu.memory_space<hbm>> -> memref<125x64xf32, #tpu.memory_space<hbm>>
          %dma_wait3A_118 = arith.constant 0 : i32
          %dma_wait3A_119 = tpu.memref_slice %arg8[%add3A, %dma_wait3A_118] : memref<10000x64xf32, #tpu.memory_space<hbm>> -> memref<125x64xf32, #tpu.memory_space<hbm>>
          tpu.wait_dma2 semaphore(%run_scoped3A_112 : memref<!tpu.dma_semaphore, #tpu.memory_space<semaphore_mem>>) src(%arg13 : memref<125x64xf32, #tpu.memory_space<vmem>>) dst(%dma_wait3A_119 : memref<125x64xf32, #tpu.memory_space<hbm>>)
          tpu.yield
        }) : () -> ()
      }
      %scan3A_101 = arith.constant 5 : i32
    } else {
    }
    %eq3A_22 = arith.constant 1 : i32
    %eq3A_23 = arith.cmpi eq, %arg0, %eq3A_22 : i32
    %convert_element_type3A_24 = arith.extui %eq3A_23 : i1 to i32
    %cond3A_25 = arith.constant 0 : i32
    %cond3A_26 = arith.cmpi ne, %convert_element_type3A_24, %cond3A_25 : i32
    scf.if %cond3A_26 {
      %scan3A_27 = arith.constant 0 : i32
      %scan3A_28 = arith.constant 5 : i32
      %scan3A_29 = arith.addi %scan3A_27, %scan3A_28 : i32
      %scan3A_30 = arith.constant 1 : i32
      scf.for %scan3A_102 = %scan3A_27 to %scan3A_29 step %scan3A_30  : i32 {
        %mul3A_103 = arith.constant 625 : i32
        %mul3A_104 = arith.muli %arg1, %mul3A_103 : i32
        %mul3A_105 = arith.constant 125 : i32
        %mul3A_106 = arith.muli %scan3A_102, %mul3A_105 : i32
        %add3A = arith.addi %mul3A_104, %mul3A_106 : i32
        %add3A_107 = arith.constant 10000 : i32
        %add3A_108 = arith.addi %add3A_107, %add3A : i32
        "tpu.region"() ({
          %run_scoped3A_114 = tpu.sem_alloc : memref<!tpu.dma_semaphore, #tpu.memory_space<semaphore_mem>>
          %dma_start3A_115 = arith.constant 0 : i32
          %dma_start3A_116 = tpu.memref_slice %arg2[%add3A_108, %dma_start3A_115] : memref<20000x64xf32, #tpu.memory_space<hbm>> -> memref<125x64xf32, #tpu.memory_space<hbm>>
          %dma_start3A_117 = arith.constant 0 : i32
          %dma_start3A_118 = tpu.memref_slice %arg2[%add3A_108, %dma_start3A_117] : memref<20000x64xf32, #tpu.memory_space<hbm>> -> memref<125x64xf32, #tpu.memory_space<hbm>>
          tpu.enqueue_dma source(%dma_start3A_118 : memref<125x64xf32, #tpu.memory_space<hbm>>) target(%arg14 : memref<125x64xf32, #tpu.memory_space<vmem>>) target_semaphore(%run_scoped3A_114 : memref<!tpu.dma_semaphore, #tpu.memory_space<semaphore_mem>>)
          %dma_wait3A = arith.constant 0 : i32
          %dma_wait3A_119 = tpu.memref_slice %arg2[%add3A_108, %dma_wait3A] : memref<20000x64xf32, #tpu.memory_space<hbm>> -> memref<125x64xf32, #tpu.memory_space<hbm>>
          %dma_wait3A_120 = arith.constant 0 : i32
          %dma_wait3A_121 = tpu.memref_slice %arg2[%add3A_108, %dma_wait3A_120] : memref<20000x64xf32, #tpu.memory_space<hbm>> -> memref<125x64xf32, #tpu.memory_space<hbm>>
          tpu.wait_dma2 semaphore(%run_scoped3A_114 : memref<!tpu.dma_semaphore, #tpu.memory_space<semaphore_mem>>) src(%dma_wait3A_121 : memref<125x64xf32, #tpu.memory_space<hbm>>) dst(%arg14 : memref<125x64xf32, #tpu.memory_space<vmem>>)
          tpu.yield
        }) : () -> ()
        %scan3A_109 = arith.constant 0 : i32
        %scan3A_110 = arith.constant 125 : i32
        %scan3A_111 = arith.addi %scan3A_109, %scan3A_110 : i32
        %scan3A_112 = arith.constant 1 : i32
        scf.for %scan3A_114 = %scan3A_109 to %scan3A_111 step %scan3A_112  : i32 {
          %mul3A_115 = arith.constant 125 : i32
          %mul3A_116 = arith.muli %scan3A_102, %mul3A_115 : i32
          %add3A_117 = arith.addi %arg1, %mul3A_116 : i32
          %add3A_118 = arith.addi %add3A_117, %scan3A_114 : i32
          %get3A_119 = arith.index_cast %add3A_118 : i32 to index
          %get3A_120 = tpu.vector_load %arg16[%get3A_119] {strides = array<i32>} : memref<656xf32, #tpu.memory_space<vmem>>, vector<16xf32>,
          %slice3A = vector.extract_strided_slice %get3A_120 {offsets = [0], sizes = [1], strides = [1]} : vector<16xf32> to vector<1xf32>
          %squeeze3A = vector.extract %slice3A[0] : f32 from vector<1xf32>
          %get3A_121 = arith.index_cast %scan3A_114 : i32 to index
          %get3A_122 = arith.constant 0 : index
          %get3A_123 = tpu.vector_load %arg14[%get3A_121, %get3A_122] {strides = array<i32>} : memref<125x64xf32, #tpu.memory_space<vmem>>, vector<16xf32>,
          %mul3A_124 = vector.broadcast %squeeze3A : f32 to vector<16xf32>
          %mul3A_125 = arith.mulf %get3A_123, %mul3A_124 : vector<16xf32>
          %swap3A = arith.index_cast %scan3A_114 : i32 to index
          %swap3A_126 = arith.constant 0 : index
          %swap3A_127 = tpu.vector_load %arg14[%swap3A, %swap3A_126] {strides = array<i32>} : memref<125x64xf32, #tpu.memory_space<vmem>>, vector<16xf32>,
          tpu.vector_store %arg14[%swap3A, %swap3A_126], %mul3A_125 {strides = array<i32>} : memref<125x64xf32, #tpu.memory_space<vmem>>, vector<16xf32>,
          %get3A_128 = arith.index_cast %scan3A_114 : i32 to index
          %get3A_129 = arith.constant 16 : index
          %get3A_130 = tpu.vector_load %arg14[%get3A_128, %get3A_129] {strides = array<i32>} : memref<125x64xf32, #tpu.memory_space<vmem>>, vector<16xf32>,
          %mul3A_131 = vector.broadcast %squeeze3A : f32 to vector<16xf32>
          %mul3A_132 = arith.mulf %get3A_130, %mul3A_131 : vector<16xf32>
          %swap3A_133 = arith.index_cast %scan3A_114 : i32 to index
          %swap3A_134 = arith.constant 16 : index
          %swap3A_135 = tpu.vector_load %arg14[%swap3A_133, %swap3A_134] {strides = array<i32>} : memref<125x64xf32, #tpu.memory_space<vmem>>, vector<16xf32>,
          tpu.vector_store %arg14[%swap3A_133, %swap3A_134], %mul3A_132 {strides = array<i32>} : memref<125x64xf32, #tpu.memory_space<vmem>>, vector<16xf32>,
          %get3A_136 = arith.index_cast %scan3A_114 : i32 to index
          %get3A_137 = arith.constant 32 : index
          %get3A_138 = tpu.vector_load %arg14[%get3A_136, %get3A_137] {strides = array<i32>} : memref<125x64xf32, #tpu.memory_space<vmem>>, vector<16xf32>,
          %mul3A_139 = vector.broadcast %squeeze3A : f32 to vector<16xf32>
          %mul3A_140 = arith.mulf %get3A_138, %mul3A_139 : vector<16xf32>
          %swap3A_141 = arith.index_cast %scan3A_114 : i32 to index
          %swap3A_142 = arith.constant 32 : index
          %swap3A_143 = tpu.vector_load %arg14[%swap3A_141, %swap3A_142] {strides = array<i32>} : memref<125x64xf32, #tpu.memory_space<vmem>>, vector<16xf32>,
          tpu.vector_store %arg14[%swap3A_141, %swap3A_142], %mul3A_140 {strides = array<i32>} : memref<125x64xf32, #tpu.memory_space<vmem>>, vector<16xf32>,
          %get3A_144 = arith.index_cast %scan3A_114 : i32 to index
          %get3A_145 = arith.constant 48 : index
          %get3A_146 = tpu.vector_load %arg14[%get3A_144, %get3A_145] {strides = array<i32>} : memref<125x64xf32, #tpu.memory_space<vmem>>, vector<16xf32>,
          %mul3A_147 = vector.broadcast %squeeze3A : f32 to vector<16xf32>
          %mul3A_148 = arith.mulf %get3A_146, %mul3A_147 : vector<16xf32>
          %swap3A_149 = arith.index_cast %scan3A_114 : i32 to index
          %swap3A_150 = arith.constant 48 : index
          %swap3A_151 = tpu.vector_load %arg14[%swap3A_149, %swap3A_150] {strides = array<i32>} : memref<125x64xf32, #tpu.memory_space<vmem>>, vector<16xf32>,
          tpu.vector_store %arg14[%swap3A_149, %swap3A_150], %mul3A_148 {strides = array<i32>} : memref<125x64xf32, #tpu.memory_space<vmem>>, vector<16xf32>,
        }
        %scan3A_113 = arith.constant 125 : i32
        "tpu.region"() ({
          %run_scoped3A_114 = tpu.sem_alloc : memref<!tpu.dma_semaphore, #tpu.memory_space<semaphore_mem>>
          %dma_start3A_115 = arith.constant 0 : i32
          %dma_start3A_116 = tpu.memref_slice %arg9[%add3A, %dma_start3A_115] : memref<10000x64xf32, #tpu.memory_space<hbm>> -> memref<125x64xf32, #tpu.memory_space<hbm>>
          %dma_start3A_117 = arith.constant 0 : i32
          %dma_start3A_118 = tpu.memref_slice %arg9[%add3A, %dma_start3A_117] : memref<10000x64xf32, #tpu.memory_space<hbm>> -> memref<125x64xf32, #tpu.memory_space<hbm>>
          tpu.enqueue_dma source(%arg14 : memref<125x64xf32, #tpu.memory_space<vmem>>) target(%dma_start3A_118 : memref<125x64xf32, #tpu.memory_space<hbm>>) target_semaphore(%run_scoped3A_114 : memref<!tpu.dma_semaphore, #tpu.memory_space<semaphore_mem>>)
          %dma_wait3A = arith.constant 0 : i32
          %dma_wait3A_119 = tpu.memref_slice %arg9[%add3A, %dma_wait3A] : memref<10000x64xf32, #tpu.memory_space<hbm>> -> memref<125x64xf32, #tpu.memory_space<hbm>>
          %dma_wait3A_120 = arith.constant 0 : i32
          %dma_wait3A_121 = tpu.memref_slice %arg9[%add3A, %dma_wait3A_120] : memref<10000x64xf32, #tpu.memory_space<hbm>> -> memref<125x64xf32, #tpu.memory_space<hbm>>
          tpu.wait_dma2 semaphore(%run_scoped3A_114 : memref<!tpu.dma_semaphore, #tpu.memory_space<semaphore_mem>>) src(%arg14 : memref<125x64xf32, #tpu.memory_space<vmem>>) dst(%dma_wait3A_121 : memref<125x64xf32, #tpu.memory_space<hbm>>)
          tpu.yield
        }) : () -> ()
      }
      %scan3A_31 = arith.constant 5 : i32
      %barrier3A = arith.constant 0 : index
      tpu.barrier barrier_id(%barrier3A)
      %dma_start3A = arith.constant 0 : i32
      %dma_start3A_32 = arith.constant 0 : i32
      %dma_start3A_33 = arith.constant 0 : i32
      %dma_start3A_34 = arith.constant 0 : i32
      %dma_start3A_35 = tpu.memref_slice %arg12[%dma_start3A_32, %dma_start3A_33, %dma_start3A_34] : memref<5x80x64xf32, #tpu.memory_space<vmem>> -> memref<1x80x64xf32, #tpu.memory_space<vmem>>
      %dma_start3A_36 = tpu.memref_squeeze %dma_start3A_35 : memref<1x80x64xf32, #tpu.memory_space<vmem>> -> memref<80x64xf32, #tpu.memory_space<vmem>>
      %dma_start3A_37 = arith.constant 0 : i32
      %dma_start3A_38 = tpu.memref_slice %arg10[%dma_start3A, %dma_start3A_37] : memref<250x80xi32, #tpu.memory_space<vmem>> -> memref<1x80xi32, #tpu.memory_space<vmem>>
      %dma_start3A_39 = tpu.memref_squeeze %dma_start3A_38 : memref<1x80xi32, #tpu.memory_space<vmem>> -> memref<80xi32, #tpu.memory_space<vmem>>
      %dma_start3A_40 = arith.constant 0 : i32
      %dma_start3A_41 = arith.constant 0 : i32
      %dma_start3A_42 = tpu.memref_slice %arg9[%dma_start3A_40, %dma_start3A_41] : memref<10000x64xf32, #tpu.memory_space<hbm>> -> memref<10000x64xf32, #tpu.memory_space<hbm>>
      tpu.enqueue_indirect_dma source(%dma_start3A_42 : memref<10000x64xf32, #tpu.memory_space<hbm>>) target(%dma_start3A_36 : memref<80x64xf32, #tpu.memory_space<vmem>>) offsets(%dma_start3A_39 : memref<80xi32, #tpu.memory_space<vmem>>) semaphore(%arg19 : memref<!tpu.dma_semaphore, #tpu.memory_space<semaphore_mem>>)
      %dma_start3A_43 = arith.constant 1 : i32
      %dma_start3A_44 = arith.constant 1 : i32
      %dma_start3A_45 = arith.constant 0 : i32
      %dma_start3A_46 = arith.constant 0 : i32
      %dma_start3A_47 = tpu.memref_slice %arg12[%dma_start3A_44, %dma_start3A_45, %dma_start3A_46] : memref<5x80x64xf32, #tpu.memory_space<vmem>> -> memref<1x80x64xf32, #tpu.memory_space<vmem>>
      %dma_start3A_48 = tpu.memref_squeeze %dma_start3A_47 : memref<1x80x64xf32, #tpu.memory_space<vmem>> -> memref<80x64xf32, #tpu.memory_space<vmem>>
      %dma_start3A_49 = arith.constant 0 : i32
      %dma_start3A_50 = tpu.memref_slice %arg10[%dma_start3A_43, %dma_start3A_49] : memref<250x80xi32, #tpu.memory_space<vmem>> -> memref<1x80xi32, #tpu.memory_space<vmem>>
      %dma_start3A_51 = tpu.memref_squeeze %dma_start3A_50 : memref<1x80xi32, #tpu.memory_space<vmem>> -> memref<80xi32, #tpu.memory_space<vmem>>
      %dma_start3A_52 = arith.constant 0 : i32
      %dma_start3A_53 = arith.constant 0 : i32
      %dma_start3A_54 = tpu.memref_slice %arg9[%dma_start3A_52, %dma_start3A_53] : memref<10000x64xf32, #tpu.memory_space<hbm>> -> memref<10000x64xf32, #tpu.memory_space<hbm>>
      tpu.enqueue_indirect_dma source(%dma_start3A_54 : memref<10000x64xf32, #tpu.memory_space<hbm>>) target(%dma_start3A_48 : memref<80x64xf32, #tpu.memory_space<vmem>>) offsets(%dma_start3A_51 : memref<80xi32, #tpu.memory_space<vmem>>) semaphore(%arg20 : memref<!tpu.dma_semaphore, #tpu.memory_space<semaphore_mem>>)
      %dma_start3A_55 = arith.constant 2 : i32
      %dma_start3A_56 = arith.constant 2 : i32
      %dma_start3A_57 = arith.constant 0 : i32
      %dma_start3A_58 = arith.constant 0 : i32
      %dma_start3A_59 = tpu.memref_slice %arg12[%dma_start3A_56, %dma_start3A_57, %dma_start3A_58] : memref<5x80x64xf32, #tpu.memory_space<vmem>> -> memref<1x80x64xf32, #tpu.memory_space<vmem>>
      %dma_start3A_60 = tpu.memref_squeeze %dma_start3A_59 : memref<1x80x64xf32, #tpu.memory_space<vmem>> -> memref<80x64xf32, #tpu.memory_space<vmem>>
      %dma_start3A_61 = arith.constant 0 : i32
      %dma_start3A_62 = tpu.memref_slice %arg10[%dma_start3A_55, %dma_start3A_61] : memref<250x80xi32, #tpu.memory_space<vmem>> -> memref<1x80xi32, #tpu.memory_space<vmem>>
      %dma_start3A_63 = tpu.memref_squeeze %dma_start3A_62 : memref<1x80xi32, #tpu.memory_space<vmem>> -> memref<80xi32, #tpu.memory_space<vmem>>
      %dma_start3A_64 = arith.constant 0 : i32
      %dma_start3A_65 = arith.constant 0 : i32
      %dma_start3A_66 = tpu.memref_slice %arg9[%dma_start3A_64, %dma_start3A_65] : memref<10000x64xf32, #tpu.memory_space<hbm>> -> memref<10000x64xf32, #tpu.memory_space<hbm>>
      tpu.enqueue_indirect_dma source(%dma_start3A_66 : memref<10000x64xf32, #tpu.memory_space<hbm>>) target(%dma_start3A_60 : memref<80x64xf32, #tpu.memory_space<vmem>>) offsets(%dma_start3A_63 : memref<80xi32, #tpu.memory_space<vmem>>) semaphore(%arg21 : memref<!tpu.dma_semaphore, #tpu.memory_space<semaphore_mem>>)
      %dma_start3A_67 = arith.constant 3 : i32
      %dma_start3A_68 = arith.constant 3 : i32
      %dma_start3A_69 = arith.constant 0 : i32
      %dma_start3A_70 = arith.constant 0 : i32
      %dma_start3A_71 = tpu.memref_slice %arg12[%dma_start3A_68, %dma_start3A_69, %dma_start3A_70] : memref<5x80x64xf32, #tpu.memory_space<vmem>> -> memref<1x80x64xf32, #tpu.memory_space<vmem>>
      %dma_start3A_72 = tpu.memref_squeeze %dma_start3A_71 : memref<1x80x64xf32, #tpu.memory_space<vmem>> -> memref<80x64xf32, #tpu.memory_space<vmem>>
      %dma_start3A_73 = arith.constant 0 : i32
      %dma_start3A_74 = tpu.memref_slice %arg10[%dma_start3A_67, %dma_start3A_73] : memref<250x80xi32, #tpu.memory_space<vmem>> -> memref<1x80xi32, #tpu.memory_space<vmem>>
      %dma_start3A_75 = tpu.memref_squeeze %dma_start3A_74 : memref<1x80xi32, #tpu.memory_space<vmem>> -> memref<80xi32, #tpu.memory_space<vmem>>
      %dma_start3A_76 = arith.constant 0 : i32
      %dma_start3A_77 = arith.constant 0 : i32
      %dma_start3A_78 = tpu.memref_slice %arg9[%dma_start3A_76, %dma_start3A_77] : memref<10000x64xf32, #tpu.memory_space<hbm>> -> memref<10000x64xf32, #tpu.memory_space<hbm>>
      tpu.enqueue_indirect_dma source(%dma_start3A_78 : memref<10000x64xf32, #tpu.memory_space<hbm>>) target(%dma_start3A_72 : memref<80x64xf32, #tpu.memory_space<vmem>>) offsets(%dma_start3A_75 : memref<80xi32, #tpu.memory_space<vmem>>) semaphore(%arg22 : memref<!tpu.dma_semaphore, #tpu.memory_space<semaphore_mem>>)
      %dma_start3A_79 = arith.constant 4 : i32
      %dma_start3A_80 = arith.constant 4 : i32
      %dma_start3A_81 = arith.constant 0 : i32
      %dma_start3A_82 = arith.constant 0 : i32
      %dma_start3A_83 = tpu.memref_slice %arg12[%dma_start3A_80, %dma_start3A_81, %dma_start3A_82] : memref<5x80x64xf32, #tpu.memory_space<vmem>> -> memref<1x80x64xf32, #tpu.memory_space<vmem>>
      %dma_start3A_84 = tpu.memref_squeeze %dma_start3A_83 : memref<1x80x64xf32, #tpu.memory_space<vmem>> -> memref<80x64xf32, #tpu.memory_space<vmem>>
      %dma_start3A_85 = arith.constant 0 : i32
      %dma_start3A_86 = tpu.memref_slice %arg10[%dma_start3A_79, %dma_start3A_85] : memref<250x80xi32, #tpu.memory_space<vmem>> -> memref<1x80xi32, #tpu.memory_space<vmem>>
      %dma_start3A_87 = tpu.memref_squeeze %dma_start3A_86 : memref<1x80xi32, #tpu.memory_space<vmem>> -> memref<80xi32, #tpu.memory_space<vmem>>
      %dma_start3A_88 = arith.constant 0 : i32
      %dma_start3A_89 = arith.constant 0 : i32
      %dma_start3A_90 = tpu.memref_slice %arg9[%dma_start3A_88, %dma_start3A_89] : memref<10000x64xf32, #tpu.memory_space<hbm>> -> memref<10000x64xf32, #tpu.memory_space<hbm>>
      tpu.enqueue_indirect_dma source(%dma_start3A_90 : memref<10000x64xf32, #tpu.memory_space<hbm>>) target(%dma_start3A_84 : memref<80x64xf32, #tpu.memory_space<vmem>>) offsets(%dma_start3A_87 : memref<80xi32, #tpu.memory_space<vmem>>) semaphore(%arg23 : memref<!tpu.dma_semaphore, #tpu.memory_space<semaphore_mem>>)
      %scan3A_91 = arith.constant 0 : i32
      %scan3A_92 = arith.constant 50 : i32
      %scan3A_93 = arith.addi %scan3A_91, %scan3A_92 : i32
      %scan3A_94 = arith.constant 1 : i32
      scf.for %scan3A_102 = %scan3A_91 to %scan3A_93 step %scan3A_94  : i32 {
        %mul3A_103 = arith.constant 5 : i32
        %mul3A_104 = arith.muli %scan3A_102, %mul3A_103 : i32
        %add3A = arith.constant 0 : i32
        %add3A_105 = arith.addi %mul3A_104, %add3A : i32
        %dma_wait3A = arith.constant 0 : i32
        %dma_wait3A_106 = arith.constant 0 : i32
        %dma_wait3A_107 = arith.constant 0 : i32
        %dma_wait3A_108 = tpu.memref_slice %arg12[%dma_wait3A, %dma_wait3A_106, %dma_wait3A_107] : memref<5x80x64xf32, #tpu.memory_space<vmem>> -> memref<1x80x64xf32, #tpu.memory_space<vmem>>
        %dma_wait3A_109 = tpu.memref_squeeze %dma_wait3A_108 : memref<1x80x64xf32, #tpu.memory_space<vmem>> -> memref<80x64xf32, #tpu.memory_space<vmem>>
        %dma_wait3A_110 = arith.constant 0 : i32
        %dma_wait3A_111 = arith.constant 0 : i32
        %dma_wait3A_112 = tpu.memref_slice %arg9[%dma_wait3A_110, %dma_wait3A_111] : memref<10000x64xf32, #tpu.memory_space<hbm>> -> memref<80x64xf32, #tpu.memory_space<hbm>>
        %dma_wait3A_113 = arith.constant 0 : i32
        %dma_wait3A_114 = arith.constant 0 : i32
        %dma_wait3A_115 = tpu.memref_slice %arg12[%dma_wait3A, %dma_wait3A_113, %dma_wait3A_114] : memref<5x80x64xf32, #tpu.memory_space<vmem>> -> memref<1x80x64xf32, #tpu.memory_space<vmem>>
        %dma_wait3A_116 = tpu.memref_squeeze %dma_wait3A_115 : memref<1x80x64xf32, #tpu.memory_space<vmem>> -> memref<80x64xf32, #tpu.memory_space<vmem>>
        %dma_wait3A_117 = arith.constant 0 : i32
        %dma_wait3A_118 = arith.constant 0 : i32
        %dma_wait3A_119 = tpu.memref_slice %arg9[%dma_wait3A_117, %dma_wait3A_118] : memref<10000x64xf32, #tpu.memory_space<hbm>> -> memref<80x64xf32, #tpu.memory_space<hbm>>
        tpu.wait_dma2 semaphore(%arg19 : memref<!tpu.dma_semaphore, #tpu.memory_space<semaphore_mem>>) src(%dma_wait3A_119 : memref<80x64xf32, #tpu.memory_space<hbm>>) dst(%dma_wait3A_116 : memref<80x64xf32, #tpu.memory_space<vmem>>)
        %run_scoped3A_120 = arith.constant 0 : i32
        "tpu.region"() ({
          %run_scoped3A_235 = tpu.sem_alloc : memref<!tpu.dma_semaphore, #tpu.memory_space<semaphore_mem>>
          %dma_start3A_236 = arith.constant 0 : i32
          %dma_start3A_237 = arith.constant 0 : i32
          %dma_start3A_238 = tpu.memref_slice %arg12[%run_scoped3A_120, %dma_start3A_236, %dma_start3A_237] : memref<5x80x64xf32, #tpu.memory_space<vmem>> -> memref<1x80x64xf32, #tpu.memory_space<vmem>>
          %dma_start3A_239 = tpu.memref_squeeze %dma_start3A_238 : memref<1x80x64xf32, #tpu.memory_space<vmem>> -> memref<80x64xf32, #tpu.memory_space<vmem>>
          %dma_start3A_240 = arith.constant 0 : i32
          %dma_start3A_241 = tpu.memref_slice %arg11[%add3A_105, %dma_start3A_240] : memref<250x80xi32, #tpu.memory_space<vmem>> -> memref<1x80xi32, #tpu.memory_space<vmem>>
          %dma_start3A_242 = tpu.memref_squeeze %dma_start3A_241 : memref<1x80xi32, #tpu.memory_space<vmem>> -> memref<80xi32, #tpu.memory_space<vmem>>
          %dma_start3A_243 = arith.constant 0 : i32
          %dma_start3A_244 = arith.constant 0 : i32
          %dma_start3A_245 = tpu.memref_slice %arg18[%dma_start3A_243, %dma_start3A_244] : memref<10000x64xf32, #tpu.memory_space<vmem_shared>> -> memref<10000x64xf32, #tpu.memory_space<vmem_shared>>
          tpu.enqueue_indirect_dma source(%dma_start3A_239 : memref<80x64xf32, #tpu.memory_space<vmem>>) target(%dma_start3A_245 : memref<10000x64xf32, #tpu.memory_space<vmem_shared>>) offsets(%dma_start3A_242 : memref<80xi32, #tpu.memory_space<vmem>>) semaphore(%run_scoped3A_235 : memref<!tpu.dma_semaphore, #tpu.memory_space<semaphore_mem>>) {add = true}
          %dma_wait3A_246 = arith.constant 0 : i32
          %dma_wait3A_247 = arith.constant 0 : i32
          %dma_wait3A_248 = tpu.memref_slice %arg12[%run_scoped3A_120, %dma_wait3A_246, %dma_wait3A_247] : memref<5x80x64xf32, #tpu.memory_space<vmem>> -> memref<1x80x64xf32, #tpu.memory_space<vmem>>
          %dma_wait3A_249 = tpu.memref_squeeze %dma_wait3A_248 : memref<1x80x64xf32, #tpu.memory_space<vmem>> -> memref<80x64xf32, #tpu.memory_space<vmem>>
          %dma_wait3A_250 = arith.constant 0 : i32
          %dma_wait3A_251 = tpu.memref_slice %arg11[%add3A_105, %dma_wait3A_250] : memref<250x80xi32, #tpu.memory_space<vmem>> -> memref<1x80xi32, #tpu.memory_space<vmem>>
          %dma_wait3A_252 = tpu.memref_squeeze %dma_wait3A_251 : memref<1x80xi32, #tpu.memory_space<vmem>> -> memref<80xi32, #tpu.memory_space<vmem>>
          %dma_wait3A_253 = arith.constant 0 : i32
          %dma_wait3A_254 = arith.constant 0 : i32
          %dma_wait3A_255 = tpu.memref_slice %arg18[%dma_wait3A_253, %dma_wait3A_254] : memref<10000x64xf32, #tpu.memory_space<vmem_shared>> -> memref<10000x64xf32, #tpu.memory_space<vmem_shared>>
          tpu.wait_indirect_dma semaphore(%run_scoped3A_235 : memref<!tpu.dma_semaphore, #tpu.memory_space<semaphore_mem>>) src(%dma_wait3A_249 : memref<80x64xf32, #tpu.memory_space<vmem>>) dst(%dma_wait3A_255 : memref<10000x64xf32, #tpu.memory_space<vmem_shared>>)
          tpu.yield
        }) : () -> ()
        %add3A_121 = arith.constant 5 : i32
        %add3A_122 = arith.addi %add3A_105, %add3A_121 : i32
        %lt3A = arith.constant 250 : i32
        %lt3A_123 = arith.cmpi slt, %add3A_122, %lt3A : i32
        %convert_element_type3A_124 = arith.extui %lt3A_123 : i1 to i32
        %cond3A_125 = arith.constant 0 : i32
        %cond3A_126 = arith.cmpi ne, %convert_element_type3A_124, %cond3A_125 : i32
        scf.if %cond3A_126 {
          %dma_start3A_235 = arith.constant 0 : i32
          %dma_start3A_236 = arith.constant 0 : i32
          %dma_start3A_237 = arith.constant 0 : i32
          %dma_start3A_238 = tpu.memref_slice %arg12[%dma_start3A_235, %dma_start3A_236, %dma_start3A_237] : memref<5x80x64xf32, #tpu.memory_space<vmem>> -> memref<1x80x64xf32, #tpu.memory_space<vmem>>
          %dma_start3A_239 = tpu.memref_squeeze %dma_start3A_238 : memref<1x80x64xf32, #tpu.memory_space<vmem>> -> memref<80x64xf32, #tpu.memory_space<vmem>>
          %dma_start3A_240 = arith.constant 0 : i32
          %dma_start3A_241 = tpu.memref_slice %arg10[%add3A_122, %dma_start3A_240] : memref<250x80xi32, #tpu.memory_space<vmem>> -> memref<1x80xi32, #tpu.memory_space<vmem>>
          %dma_start3A_242 = tpu.memref_squeeze %dma_start3A_241 : memref<1x80xi32, #tpu.memory_space<vmem>> -> memref<80xi32, #tpu.memory_space<vmem>>
          %dma_start3A_243 = arith.constant 0 : i32
          %dma_start3A_244 = arith.constant 0 : i32
          %dma_start3A_245 = tpu.memref_slice %arg9[%dma_start3A_243, %dma_start3A_244] : memref<10000x64xf32, #tpu.memory_space<hbm>> -> memref<10000x64xf32, #tpu.memory_space<hbm>>
          tpu.enqueue_indirect_dma source(%dma_start3A_245 : memref<10000x64xf32, #tpu.memory_space<hbm>>) target(%dma_start3A_239 : memref<80x64xf32, #tpu.memory_space<vmem>>) offsets(%dma_start3A_242 : memref<80xi32, #tpu.memory_space<vmem>>) semaphore(%arg19 : memref<!tpu.dma_semaphore, #tpu.memory_space<semaphore_mem>>)
        } else {
        }
        %mul3A_127 = arith.constant 5 : i32
        %mul3A_128 = arith.muli %scan3A_102, %mul3A_127 : i32
        %add3A_129 = arith.constant 1 : i32
        %add3A_130 = arith.addi %mul3A_128, %add3A_129 : i32
        %dma_wait3A_131 = arith.constant 1 : i32
        %dma_wait3A_132 = arith.constant 0 : i32
        %dma_wait3A_133 = arith.constant 0 : i32
        %dma_wait3A_134 = tpu.memref_slice %arg12[%dma_wait3A_131, %dma_wait3A_132, %dma_wait3A_133] : memref<5x80x64xf32, #tpu.memory_space<vmem>> -> memref<1x80x64xf32, #tpu.memory_space<vmem>>
        %dma_wait3A_135 = tpu.memref_squeeze %dma_wait3A_134 : memref<1x80x64xf32, #tpu.memory_space<vmem>> -> memref<80x64xf32, #tpu.memory_space<vmem>>
        %dma_wait3A_136 = arith.constant 0 : i32
        %dma_wait3A_137 = arith.constant 0 : i32
        %dma_wait3A_138 = tpu.memref_slice %arg9[%dma_wait3A_136, %dma_wait3A_137] : memref<10000x64xf32, #tpu.memory_space<hbm>> -> memref<80x64xf32, #tpu.memory_space<hbm>>
        %dma_wait3A_139 = arith.constant 0 : i32
        %dma_wait3A_140 = arith.constant 0 : i32
        %dma_wait3A_141 = tpu.memref_slice %arg12[%dma_wait3A_131, %dma_wait3A_139, %dma_wait3A_140] : memref<5x80x64xf32, #tpu.memory_space<vmem>> -> memref<1x80x64xf32, #tpu.memory_space<vmem>>
        %dma_wait3A_142 = tpu.memref_squeeze %dma_wait3A_141 : memref<1x80x64xf32, #tpu.memory_space<vmem>> -> memref<80x64xf32, #tpu.memory_space<vmem>>
        %dma_wait3A_143 = arith.constant 0 : i32
        %dma_wait3A_144 = arith.constant 0 : i32
        %dma_wait3A_145 = tpu.memref_slice %arg9[%dma_wait3A_143, %dma_wait3A_144] : memref<10000x64xf32, #tpu.memory_space<hbm>> -> memref<80x64xf32, #tpu.memory_space<hbm>>
        tpu.wait_dma2 semaphore(%arg20 : memref<!tpu.dma_semaphore, #tpu.memory_space<semaphore_mem>>) src(%dma_wait3A_145 : memref<80x64xf32, #tpu.memory_space<hbm>>) dst(%dma_wait3A_142 : memref<80x64xf32, #tpu.memory_space<vmem>>)
        %run_scoped3A_146 = arith.constant 1 : i32
        "tpu.region"() ({
          %run_scoped3A_235 = tpu.sem_alloc : memref<!tpu.dma_semaphore, #tpu.memory_space<semaphore_mem>>
          %dma_start3A_236 = arith.constant 0 : i32
          %dma_start3A_237 = arith.constant 0 : i32
          %dma_start3A_238 = tpu.memref_slice %arg12[%run_scoped3A_146, %dma_start3A_236, %dma_start3A_237] : memref<5x80x64xf32, #tpu.memory_space<vmem>> -> memref<1x80x64xf32, #tpu.memory_space<vmem>>
          %dma_start3A_239 = tpu.memref_squeeze %dma_start3A_238 : memref<1x80x64xf32, #tpu.memory_space<vmem>> -> memref<80x64xf32, #tpu.memory_space<vmem>>
          %dma_start3A_240 = arith.constant 0 : i32
          %dma_start3A_241 = tpu.memref_slice %arg11[%add3A_130, %dma_start3A_240] : memref<250x80xi32, #tpu.memory_space<vmem>> -> memref<1x80xi32, #tpu.memory_space<vmem>>
          %dma_start3A_242 = tpu.memref_squeeze %dma_start3A_241 : memref<1x80xi32, #tpu.memory_space<vmem>> -> memref<80xi32, #tpu.memory_space<vmem>>
          %dma_start3A_243 = arith.constant 0 : i32
          %dma_start3A_244 = arith.constant 0 : i32
          %dma_start3A_245 = tpu.memref_slice %arg18[%dma_start3A_243, %dma_start3A_244] : memref<10000x64xf32, #tpu.memory_space<vmem_shared>> -> memref<10000x64xf32, #tpu.memory_space<vmem_shared>>
          tpu.enqueue_indirect_dma source(%dma_start3A_239 : memref<80x64xf32, #tpu.memory_space<vmem>>) target(%dma_start3A_245 : memref<10000x64xf32, #tpu.memory_space<vmem_shared>>) offsets(%dma_start3A_242 : memref<80xi32, #tpu.memory_space<vmem>>) semaphore(%run_scoped3A_235 : memref<!tpu.dma_semaphore, #tpu.memory_space<semaphore_mem>>) {add = true}
          %dma_wait3A_246 = arith.constant 0 : i32
          %dma_wait3A_247 = arith.constant 0 : i32
          %dma_wait3A_248 = tpu.memref_slice %arg12[%run_scoped3A_146, %dma_wait3A_246, %dma_wait3A_247] : memref<5x80x64xf32, #tpu.memory_space<vmem>> -> memref<1x80x64xf32, #tpu.memory_space<vmem>>
          %dma_wait3A_249 = tpu.memref_squeeze %dma_wait3A_248 : memref<1x80x64xf32, #tpu.memory_space<vmem>> -> memref<80x64xf32, #tpu.memory_space<vmem>>
          %dma_wait3A_250 = arith.constant 0 : i32
          %dma_wait3A_251 = tpu.memref_slice %arg11[%add3A_130, %dma_wait3A_250] : memref<250x80xi32, #tpu.memory_space<vmem>> -> memref<1x80xi32, #tpu.memory_space<vmem>>
          %dma_wait3A_252 = tpu.memref_squeeze %dma_wait3A_251 : memref<1x80xi32, #tpu.memory_space<vmem>> -> memref<80xi32, #tpu.memory_space<vmem>>
          %dma_wait3A_253 = arith.constant 0 : i32
          %dma_wait3A_254 = arith.constant 0 : i32
          %dma_wait3A_255 = tpu.memref_slice %arg18[%dma_wait3A_253, %dma_wait3A_254] : memref<10000x64xf32, #tpu.memory_space<vmem_shared>> -> memref<10000x64xf32, #tpu.memory_space<vmem_shared>>
          tpu.wait_indirect_dma semaphore(%run_scoped3A_235 : memref<!tpu.dma_semaphore, #tpu.memory_space<semaphore_mem>>) src(%dma_wait3A_249 : memref<80x64xf32, #tpu.memory_space<vmem>>) dst(%dma_wait3A_255 : memref<10000x64xf32, #tpu.memory_space<vmem_shared>>)
          tpu.yield
        }) : () -> ()
        %add3A_147 = arith.constant 5 : i32
        %add3A_148 = arith.addi %add3A_130, %add3A_147 : i32
        %lt3A_149 = arith.constant 250 : i32
        %lt3A_150 = arith.cmpi slt, %add3A_148, %lt3A_149 : i32
        %convert_element_type3A_151 = arith.extui %lt3A_150 : i1 to i32
        %cond3A_152 = arith.constant 0 : i32
        %cond3A_153 = arith.cmpi ne, %convert_element_type3A_151, %cond3A_152 : i32
        scf.if %cond3A_153 {
          %dma_start3A_235 = arith.constant 1 : i32
          %dma_start3A_236 = arith.constant 0 : i32
          %dma_start3A_237 = arith.constant 0 : i32
          %dma_start3A_238 = tpu.memref_slice %arg12[%dma_start3A_235, %dma_start3A_236, %dma_start3A_237] : memref<5x80x64xf32, #tpu.memory_space<vmem>> -> memref<1x80x64xf32, #tpu.memory_space<vmem>>
          %dma_start3A_239 = tpu.memref_squeeze %dma_start3A_238 : memref<1x80x64xf32, #tpu.memory_space<vmem>> -> memref<80x64xf32, #tpu.memory_space<vmem>>
          %dma_start3A_240 = arith.constant 0 : i32
          %dma_start3A_241 = tpu.memref_slice %arg10[%add3A_148, %dma_start3A_240] : memref<250x80xi32, #tpu.memory_space<vmem>> -> memref<1x80xi32, #tpu.memory_space<vmem>>
          %dma_start3A_242 = tpu.memref_squeeze %dma_start3A_241 : memref<1x80xi32, #tpu.memory_space<vmem>> -> memref<80xi32, #tpu.memory_space<vmem>>
          %dma_start3A_243 = arith.constant 0 : i32
          %dma_start3A_244 = arith.constant 0 : i32
          %dma_start3A_245 = tpu.memref_slice %arg9[%dma_start3A_243, %dma_start3A_244] : memref<10000x64xf32, #tpu.memory_space<hbm>> -> memref<10000x64xf32, #tpu.memory_space<hbm>>
          tpu.enqueue_indirect_dma source(%dma_start3A_245 : memref<10000x64xf32, #tpu.memory_space<hbm>>) target(%dma_start3A_239 : memref<80x64xf32, #tpu.memory_space<vmem>>) offsets(%dma_start3A_242 : memref<80xi32, #tpu.memory_space<vmem>>) semaphore(%arg20 : memref<!tpu.dma_semaphore, #tpu.memory_space<semaphore_mem>>)
        } else {
        }
        %mul3A_154 = arith.constant 5 : i32
        %mul3A_155 = arith.muli %scan3A_102, %mul3A_154 : i32
        %add3A_156 = arith.constant 2 : i32
        %add3A_157 = arith.addi %mul3A_155, %add3A_156 : i32
        %dma_wait3A_158 = arith.constant 2 : i32
        %dma_wait3A_159 = arith.constant 0 : i32
        %dma_wait3A_160 = arith.constant 0 : i32
        %dma_wait3A_161 = tpu.memref_slice %arg12[%dma_wait3A_158, %dma_wait3A_159, %dma_wait3A_160] : memref<5x80x64xf32, #tpu.memory_space<vmem>> -> memref<1x80x64xf32, #tpu.memory_space<vmem>>
        %dma_wait3A_162 = tpu.memref_squeeze %dma_wait3A_161 : memref<1x80x64xf32, #tpu.memory_space<vmem>> -> memref<80x64xf32, #tpu.memory_space<vmem>>
        %dma_wait3A_163 = arith.constant 0 : i32
        %dma_wait3A_164 = arith.constant 0 : i32
        %dma_wait3A_165 = tpu.memref_slice %arg9[%dma_wait3A_163, %dma_wait3A_164] : memref<10000x64xf32, #tpu.memory_space<hbm>> -> memref<80x64xf32, #tpu.memory_space<hbm>>
        %dma_wait3A_166 = arith.constant 0 : i32
        %dma_wait3A_167 = arith.constant 0 : i32
        %dma_wait3A_168 = tpu.memref_slice %arg12[%dma_wait3A_158, %dma_wait3A_166, %dma_wait3A_167] : memref<5x80x64xf32, #tpu.memory_space<vmem>> -> memref<1x80x64xf32, #tpu.memory_space<vmem>>
        %dma_wait3A_169 = tpu.memref_squeeze %dma_wait3A_168 : memref<1x80x64xf32, #tpu.memory_space<vmem>> -> memref<80x64xf32, #tpu.memory_space<vmem>>
        %dma_wait3A_170 = arith.constant 0 : i32
        %dma_wait3A_171 = arith.constant 0 : i32
        %dma_wait3A_172 = tpu.memref_slice %arg9[%dma_wait3A_170, %dma_wait3A_171] : memref<10000x64xf32, #tpu.memory_space<hbm>> -> memref<80x64xf32, #tpu.memory_space<hbm>>
        tpu.wait_dma2 semaphore(%arg21 : memref<!tpu.dma_semaphore, #tpu.memory_space<semaphore_mem>>) src(%dma_wait3A_172 : memref<80x64xf32, #tpu.memory_space<hbm>>) dst(%dma_wait3A_169 : memref<80x64xf32, #tpu.memory_space<vmem>>)
        %run_scoped3A_173 = arith.constant 2 : i32
        "tpu.region"() ({
          %run_scoped3A_235 = tpu.sem_alloc : memref<!tpu.dma_semaphore, #tpu.memory_space<semaphore_mem>>
          %dma_start3A_236 = arith.constant 0 : i32
          %dma_start3A_237 = arith.constant 0 : i32
          %dma_start3A_238 = tpu.memref_slice %arg12[%run_scoped3A_173, %dma_start3A_236, %dma_start3A_237] : memref<5x80x64xf32, #tpu.memory_space<vmem>> -> memref<1x80x64xf32, #tpu.memory_space<vmem>>
          %dma_start3A_239 = tpu.memref_squeeze %dma_start3A_238 : memref<1x80x64xf32, #tpu.memory_space<vmem>> -> memref<80x64xf32, #tpu.memory_space<vmem>>
          %dma_start3A_240 = arith.constant 0 : i32
          %dma_start3A_241 = tpu.memref_slice %arg11[%add3A_157, %dma_start3A_240] : memref<250x80xi32, #tpu.memory_space<vmem>> -> memref<1x80xi32, #tpu.memory_space<vmem>>
          %dma_start3A_242 = tpu.memref_squeeze %dma_start3A_241 : memref<1x80xi32, #tpu.memory_space<vmem>> -> memref<80xi32, #tpu.memory_space<vmem>>
          %dma_start3A_243 = arith.constant 0 : i32
          %dma_start3A_244 = arith.constant 0 : i32
          %dma_start3A_245 = tpu.memref_slice %arg18[%dma_start3A_243, %dma_start3A_244] : memref<10000x64xf32, #tpu.memory_space<vmem_shared>> -> memref<10000x64xf32, #tpu.memory_space<vmem_shared>>
          tpu.enqueue_indirect_dma source(%dma_start3A_239 : memref<80x64xf32, #tpu.memory_space<vmem>>) target(%dma_start3A_245 : memref<10000x64xf32, #tpu.memory_space<vmem_shared>>) offsets(%dma_start3A_242 : memref<80xi32, #tpu.memory_space<vmem>>) semaphore(%run_scoped3A_235 : memref<!tpu.dma_semaphore, #tpu.memory_space<semaphore_mem>>) {add = true}
          %dma_wait3A_246 = arith.constant 0 : i32
          %dma_wait3A_247 = arith.constant 0 : i32
          %dma_wait3A_248 = tpu.memref_slice %arg12[%run_scoped3A_173, %dma_wait3A_246, %dma_wait3A_247] : memref<5x80x64xf32, #tpu.memory_space<vmem>> -> memref<1x80x64xf32, #tpu.memory_space<vmem>>
          %dma_wait3A_249 = tpu.memref_squeeze %dma_wait3A_248 : memref<1x80x64xf32, #tpu.memory_space<vmem>> -> memref<80x64xf32, #tpu.memory_space<vmem>>
          %dma_wait3A_250 = arith.constant 0 : i32
          %dma_wait3A_251 = tpu.memref_slice %arg11[%add3A_157, %dma_wait3A_250] : memref<250x80xi32, #tpu.memory_space<vmem>> -> memref<1x80xi32, #tpu.memory_space<vmem>>
          %dma_wait3A_252 = tpu.memref_squeeze %dma_wait3A_251 : memref<1x80xi32, #tpu.memory_space<vmem>> -> memref<80xi32, #tpu.memory_space<vmem>>
          %dma_wait3A_253 = arith.constant 0 : i32
          %dma_wait3A_254 = arith.constant 0 : i32
          %dma_wait3A_255 = tpu.memref_slice %arg18[%dma_wait3A_253, %dma_wait3A_254] : memref<10000x64xf32, #tpu.memory_space<vmem_shared>> -> memref<10000x64xf32, #tpu.memory_space<vmem_shared>>
          tpu.wait_indirect_dma semaphore(%run_scoped3A_235 : memref<!tpu.dma_semaphore, #tpu.memory_space<semaphore_mem>>) src(%dma_wait3A_249 : memref<80x64xf32, #tpu.memory_space<vmem>>) dst(%dma_wait3A_255 : memref<10000x64xf32, #tpu.memory_space<vmem_shared>>)
          tpu.yield
        }) : () -> ()
        %add3A_174 = arith.constant 5 : i32
        %add3A_175 = arith.addi %add3A_157, %add3A_174 : i32
        %lt3A_176 = arith.constant 250 : i32
        %lt3A_177 = arith.cmpi slt, %add3A_175, %lt3A_176 : i32
        %convert_element_type3A_178 = arith.extui %lt3A_177 : i1 to i32
        %cond3A_179 = arith.constant 0 : i32
        %cond3A_180 = arith.cmpi ne, %convert_element_type3A_178, %cond3A_179 : i32
        scf.if %cond3A_180 {
          %dma_start3A_235 = arith.constant 2 : i32
          %dma_start3A_236 = arith.constant 0 : i32
          %dma_start3A_237 = arith.constant 0 : i32
          %dma_start3A_238 = tpu.memref_slice %arg12[%dma_start3A_235, %dma_start3A_236, %dma_start3A_237] : memref<5x80x64xf32, #tpu.memory_space<vmem>> -> memref<1x80x64xf32, #tpu.memory_space<vmem>>
          %dma_start3A_239 = tpu.memref_squeeze %dma_start3A_238 : memref<1x80x64xf32, #tpu.memory_space<vmem>> -> memref<80x64xf32, #tpu.memory_space<vmem>>
          %dma_start3A_240 = arith.constant 0 : i32
          %dma_start3A_241 = tpu.memref_slice %arg10[%add3A_175, %dma_start3A_240] : memref<250x80xi32, #tpu.memory_space<vmem>> -> memref<1x80xi32, #tpu.memory_space<vmem>>
          %dma_start3A_242 = tpu.memref_squeeze %dma_start3A_241 : memref<1x80xi32, #tpu.memory_space<vmem>> -> memref<80xi32, #tpu.memory_space<vmem>>
          %dma_start3A_243 = arith.constant 0 : i32
          %dma_start3A_244 = arith.constant 0 : i32
          %dma_start3A_245 = tpu.memref_slice %arg9[%dma_start3A_243, %dma_start3A_244] : memref<10000x64xf32, #tpu.memory_space<hbm>> -> memref<10000x64xf32, #tpu.memory_space<hbm>>
          tpu.enqueue_indirect_dma source(%dma_start3A_245 : memref<10000x64xf32, #tpu.memory_space<hbm>>) target(%dma_start3A_239 : memref<80x64xf32, #tpu.memory_space<vmem>>) offsets(%dma_start3A_242 : memref<80xi32, #tpu.memory_space<vmem>>) semaphore(%arg21 : memref<!tpu.dma_semaphore, #tpu.memory_space<semaphore_mem>>)
        } else {
        }
        %mul3A_181 = arith.constant 5 : i32
        %mul3A_182 = arith.muli %scan3A_102, %mul3A_181 : i32
        %add3A_183 = arith.constant 3 : i32
        %add3A_184 = arith.addi %mul3A_182, %add3A_183 : i32
        %dma_wait3A_185 = arith.constant 3 : i32
        %dma_wait3A_186 = arith.constant 0 : i32
        %dma_wait3A_187 = arith.constant 0 : i32
        %dma_wait3A_188 = tpu.memref_slice %arg12[%dma_wait3A_185, %dma_wait3A_186, %dma_wait3A_187] : memref<5x80x64xf32, #tpu.memory_space<vmem>> -> memref<1x80x64xf32, #tpu.memory_space<vmem>>
        %dma_wait3A_189 = tpu.memref_squeeze %dma_wait3A_188 : memref<1x80x64xf32, #tpu.memory_space<vmem>> -> memref<80x64xf32, #tpu.memory_space<vmem>>
        %dma_wait3A_190 = arith.constant 0 : i32
        %dma_wait3A_191 = arith.constant 0 : i32
        %dma_wait3A_192 = tpu.memref_slice %arg9[%dma_wait3A_190, %dma_wait3A_191] : memref<10000x64xf32, #tpu.memory_space<hbm>> -> memref<80x64xf32, #tpu.memory_space<hbm>>
        %dma_wait3A_193 = arith.constant 0 : i32
        %dma_wait3A_194 = arith.constant 0 : i32
        %dma_wait3A_195 = tpu.memref_slice %arg12[%dma_wait3A_185, %dma_wait3A_193, %dma_wait3A_194] : memref<5x80x64xf32, #tpu.memory_space<vmem>> -> memref<1x80x64xf32, #tpu.memory_space<vmem>>
        %dma_wait3A_196 = tpu.memref_squeeze %dma_wait3A_195 : memref<1x80x64xf32, #tpu.memory_space<vmem>> -> memref<80x64xf32, #tpu.memory_space<vmem>>
        %dma_wait3A_197 = arith.constant 0 : i32
        %dma_wait3A_198 = arith.constant 0 : i32
        %dma_wait3A_199 = tpu.memref_slice %arg9[%dma_wait3A_197, %dma_wait3A_198] : memref<10000x64xf32, #tpu.memory_space<hbm>> -> memref<80x64xf32, #tpu.memory_space<hbm>>
        tpu.wait_dma2 semaphore(%arg22 : memref<!tpu.dma_semaphore, #tpu.memory_space<semaphore_mem>>) src(%dma_wait3A_199 : memref<80x64xf32, #tpu.memory_space<hbm>>) dst(%dma_wait3A_196 : memref<80x64xf32, #tpu.memory_space<vmem>>)
        %run_scoped3A_200 = arith.constant 3 : i32
        "tpu.region"() ({
          %run_scoped3A_235 = tpu.sem_alloc : memref<!tpu.dma_semaphore, #tpu.memory_space<semaphore_mem>>
          %dma_start3A_236 = arith.constant 0 : i32
          %dma_start3A_237 = arith.constant 0 : i32
          %dma_start3A_238 = tpu.memref_slice %arg12[%run_scoped3A_200, %dma_start3A_236, %dma_start3A_237] : memref<5x80x64xf32, #tpu.memory_space<vmem>> -> memref<1x80x64xf32, #tpu.memory_space<vmem>>
          %dma_start3A_239 = tpu.memref_squeeze %dma_start3A_238 : memref<1x80x64xf32, #tpu.memory_space<vmem>> -> memref<80x64xf32, #tpu.memory_space<vmem>>
          %dma_start3A_240 = arith.constant 0 : i32
          %dma_start3A_241 = tpu.memref_slice %arg11[%add3A_184, %dma_start3A_240] : memref<250x80xi32, #tpu.memory_space<vmem>> -> memref<1x80xi32, #tpu.memory_space<vmem>>
          %dma_start3A_242 = tpu.memref_squeeze %dma_start3A_241 : memref<1x80xi32, #tpu.memory_space<vmem>> -> memref<80xi32, #tpu.memory_space<vmem>>
          %dma_start3A_243 = arith.constant 0 : i32
          %dma_start3A_244 = arith.constant 0 : i32
          %dma_start3A_245 = tpu.memref_slice %arg18[%dma_start3A_243, %dma_start3A_244] : memref<10000x64xf32, #tpu.memory_space<vmem_shared>> -> memref<10000x64xf32, #tpu.memory_space<vmem_shared>>
          tpu.enqueue_indirect_dma source(%dma_start3A_239 : memref<80x64xf32, #tpu.memory_space<vmem>>) target(%dma_start3A_245 : memref<10000x64xf32, #tpu.memory_space<vmem_shared>>) offsets(%dma_start3A_242 : memref<80xi32, #tpu.memory_space<vmem>>) semaphore(%run_scoped3A_235 : memref<!tpu.dma_semaphore, #tpu.memory_space<semaphore_mem>>) {add = true}
          %dma_wait3A_246 = arith.constant 0 : i32
          %dma_wait3A_247 = arith.constant 0 : i32
          %dma_wait3A_248 = tpu.memref_slice %arg12[%run_scoped3A_200, %dma_wait3A_246, %dma_wait3A_247] : memref<5x80x64xf32, #tpu.memory_space<vmem>> -> memref<1x80x64xf32, #tpu.memory_space<vmem>>
          %dma_wait3A_249 = tpu.memref_squeeze %dma_wait3A_248 : memref<1x80x64xf32, #tpu.memory_space<vmem>> -> memref<80x64xf32, #tpu.memory_space<vmem>>
          %dma_wait3A_250 = arith.constant 0 : i32
          %dma_wait3A_251 = tpu.memref_slice %arg11[%add3A_184, %dma_wait3A_250] : memref<250x80xi32, #tpu.memory_space<vmem>> -> memref<1x80xi32, #tpu.memory_space<vmem>>
          %dma_wait3A_252 = tpu.memref_squeeze %dma_wait3A_251 : memref<1x80xi32, #tpu.memory_space<vmem>> -> memref<80xi32, #tpu.memory_space<vmem>>
          %dma_wait3A_253 = arith.constant 0 : i32
          %dma_wait3A_254 = arith.constant 0 : i32
          %dma_wait3A_255 = tpu.memref_slice %arg18[%dma_wait3A_253, %dma_wait3A_254] : memref<10000x64xf32, #tpu.memory_space<vmem_shared>> -> memref<10000x64xf32, #tpu.memory_space<vmem_shared>>
          tpu.wait_indirect_dma semaphore(%run_scoped3A_235 : memref<!tpu.dma_semaphore, #tpu.memory_space<semaphore_mem>>) src(%dma_wait3A_249 : memref<80x64xf32, #tpu.memory_space<vmem>>) dst(%dma_wait3A_255 : memref<10000x64xf32, #tpu.memory_space<vmem_shared>>)
          tpu.yield
        }) : () -> ()
        %add3A_201 = arith.constant 5 : i32
        %add3A_202 = arith.addi %add3A_184, %add3A_201 : i32
        %lt3A_203 = arith.constant 250 : i32
        %lt3A_204 = arith.cmpi slt, %add3A_202, %lt3A_203 : i32
        %convert_element_type3A_205 = arith.extui %lt3A_204 : i1 to i32
        %cond3A_206 = arith.constant 0 : i32
        %cond3A_207 = arith.cmpi ne, %convert_element_type3A_205, %cond3A_206 : i32
        scf.if %cond3A_207 {
          %dma_start3A_235 = arith.constant 3 : i32
          %dma_start3A_236 = arith.constant 0 : i32
          %dma_start3A_237 = arith.constant 0 : i32
          %dma_start3A_238 = tpu.memref_slice %arg12[%dma_start3A_235, %dma_start3A_236, %dma_start3A_237] : memref<5x80x64xf32, #tpu.memory_space<vmem>> -> memref<1x80x64xf32, #tpu.memory_space<vmem>>
          %dma_start3A_239 = tpu.memref_squeeze %dma_start3A_238 : memref<1x80x64xf32, #tpu.memory_space<vmem>> -> memref<80x64xf32, #tpu.memory_space<vmem>>
          %dma_start3A_240 = arith.constant 0 : i32
          %dma_start3A_241 = tpu.memref_slice %arg10[%add3A_202, %dma_start3A_240] : memref<250x80xi32, #tpu.memory_space<vmem>> -> memref<1x80xi32, #tpu.memory_space<vmem>>
          %dma_start3A_242 = tpu.memref_squeeze %dma_start3A_241 : memref<1x80xi32, #tpu.memory_space<vmem>> -> memref<80xi32, #tpu.memory_space<vmem>>
          %dma_start3A_243 = arith.constant 0 : i32
          %dma_start3A_244 = arith.constant 0 : i32
          %dma_start3A_245 = tpu.memref_slice %arg9[%dma_start3A_243, %dma_start3A_244] : memref<10000x64xf32, #tpu.memory_space<hbm>> -> memref<10000x64xf32, #tpu.memory_space<hbm>>
          tpu.enqueue_indirect_dma source(%dma_start3A_245 : memref<10000x64xf32, #tpu.memory_space<hbm>>) target(%dma_start3A_239 : memref<80x64xf32, #tpu.memory_space<vmem>>) offsets(%dma_start3A_242 : memref<80xi32, #tpu.memory_space<vmem>>) semaphore(%arg22 : memref<!tpu.dma_semaphore, #tpu.memory_space<semaphore_mem>>)
        } else {
        }
        %mul3A_208 = arith.constant 5 : i32
        %mul3A_209 = arith.muli %scan3A_102, %mul3A_208 : i32
        %add3A_210 = arith.constant 4 : i32
        %add3A_211 = arith.addi %mul3A_209, %add3A_210 : i32
        %dma_wait3A_212 = arith.constant 4 : i32
        %dma_wait3A_213 = arith.constant 0 : i32
        %dma_wait3A_214 = arith.constant 0 : i32
        %dma_wait3A_215 = tpu.memref_slice %arg12[%dma_wait3A_212, %dma_wait3A_213, %dma_wait3A_214] : memref<5x80x64xf32, #tpu.memory_space<vmem>> -> memref<1x80x64xf32, #tpu.memory_space<vmem>>
        %dma_wait3A_216 = tpu.memref_squeeze %dma_wait3A_215 : memref<1x80x64xf32, #tpu.memory_space<vmem>> -> memref<80x64xf32, #tpu.memory_space<vmem>>
        %dma_wait3A_217 = arith.constant 0 : i32
        %dma_wait3A_218 = arith.constant 0 : i32
        %dma_wait3A_219 = tpu.memref_slice %arg9[%dma_wait3A_217, %dma_wait3A_218] : memref<10000x64xf32, #tpu.memory_space<hbm>> -> memref<80x64xf32, #tpu.memory_space<hbm>>
        %dma_wait3A_220 = arith.constant 0 : i32
        %dma_wait3A_221 = arith.constant 0 : i32
        %dma_wait3A_222 = tpu.memref_slice %arg12[%dma_wait3A_212, %dma_wait3A_220, %dma_wait3A_221] : memref<5x80x64xf32, #tpu.memory_space<vmem>> -> memref<1x80x64xf32, #tpu.memory_space<vmem>>
        %dma_wait3A_223 = tpu.memref_squeeze %dma_wait3A_222 : memref<1x80x64xf32, #tpu.memory_space<vmem>> -> memref<80x64xf32, #tpu.memory_space<vmem>>
        %dma_wait3A_224 = arith.constant 0 : i32
        %dma_wait3A_225 = arith.constant 0 : i32
        %dma_wait3A_226 = tpu.memref_slice %arg9[%dma_wait3A_224, %dma_wait3A_225] : memref<10000x64xf32, #tpu.memory_space<hbm>> -> memref<80x64xf32, #tpu.memory_space<hbm>>
        tpu.wait_dma2 semaphore(%arg23 : memref<!tpu.dma_semaphore, #tpu.memory_space<semaphore_mem>>) src(%dma_wait3A_226 : memref<80x64xf32, #tpu.memory_space<hbm>>) dst(%dma_wait3A_223 : memref<80x64xf32, #tpu.memory_space<vmem>>)
        %run_scoped3A_227 = arith.constant 4 : i32
        "tpu.region"() ({
          %run_scoped3A_235 = tpu.sem_alloc : memref<!tpu.dma_semaphore, #tpu.memory_space<semaphore_mem>>
          %dma_start3A_236 = arith.constant 0 : i32
          %dma_start3A_237 = arith.constant 0 : i32
          %dma_start3A_238 = tpu.memref_slice %arg12[%run_scoped3A_227, %dma_start3A_236, %dma_start3A_237] : memref<5x80x64xf32, #tpu.memory_space<vmem>> -> memref<1x80x64xf32, #tpu.memory_space<vmem>>
          %dma_start3A_239 = tpu.memref_squeeze %dma_start3A_238 : memref<1x80x64xf32, #tpu.memory_space<vmem>> -> memref<80x64xf32, #tpu.memory_space<vmem>>
          %dma_start3A_240 = arith.constant 0 : i32
          %dma_start3A_241 = tpu.memref_slice %arg11[%add3A_211, %dma_start3A_240] : memref<250x80xi32, #tpu.memory_space<vmem>> -> memref<1x80xi32, #tpu.memory_space<vmem>>
          %dma_start3A_242 = tpu.memref_squeeze %dma_start3A_241 : memref<1x80xi32, #tpu.memory_space<vmem>> -> memref<80xi32, #tpu.memory_space<vmem>>
          %dma_start3A_243 = arith.constant 0 : i32
          %dma_start3A_244 = arith.constant 0 : i32
          %dma_start3A_245 = tpu.memref_slice %arg18[%dma_start3A_243, %dma_start3A_244] : memref<10000x64xf32, #tpu.memory_space<vmem_shared>> -> memref<10000x64xf32, #tpu.memory_space<vmem_shared>>
          tpu.enqueue_indirect_dma source(%dma_start3A_239 : memref<80x64xf32, #tpu.memory_space<vmem>>) target(%dma_start3A_245 : memref<10000x64xf32, #tpu.memory_space<vmem_shared>>) offsets(%dma_start3A_242 : memref<80xi32, #tpu.memory_space<vmem>>) semaphore(%run_scoped3A_235 : memref<!tpu.dma_semaphore, #tpu.memory_space<semaphore_mem>>) {add = true}
          %dma_wait3A_246 = arith.constant 0 : i32
          %dma_wait3A_247 = arith.constant 0 : i32
          %dma_wait3A_248 = tpu.memref_slice %arg12[%run_scoped3A_227, %dma_wait3A_246, %dma_wait3A_247] : memref<5x80x64xf32, #tpu.memory_space<vmem>> -> memref<1x80x64xf32, #tpu.memory_space<vmem>>
          %dma_wait3A_249 = tpu.memref_squeeze %dma_wait3A_248 : memref<1x80x64xf32, #tpu.memory_space<vmem>> -> memref<80x64xf32, #tpu.memory_space<vmem>>
          %dma_wait3A_250 = arith.constant 0 : i32
          %dma_wait3A_251 = tpu.memref_slice %arg11[%add3A_211, %dma_wait3A_250] : memref<250x80xi32, #tpu.memory_space<vmem>> -> memref<1x80xi32, #tpu.memory_space<vmem>>
          %dma_wait3A_252 = tpu.memref_squeeze %dma_wait3A_251 : memref<1x80xi32, #tpu.memory_space<vmem>> -> memref<80xi32, #tpu.memory_space<vmem>>
          %dma_wait3A_253 = arith.constant 0 : i32
          %dma_wait3A_254 = arith.constant 0 : i32
          %dma_wait3A_255 = tpu.memref_slice %arg18[%dma_wait3A_253, %dma_wait3A_254] : memref<10000x64xf32, #tpu.memory_space<vmem_shared>> -> memref<10000x64xf32, #tpu.memory_space<vmem_shared>>
          tpu.wait_indirect_dma semaphore(%run_scoped3A_235 : memref<!tpu.dma_semaphore, #tpu.memory_space<semaphore_mem>>) src(%dma_wait3A_249 : memref<80x64xf32, #tpu.memory_space<vmem>>) dst(%dma_wait3A_255 : memref<10000x64xf32, #tpu.memory_space<vmem_shared>>)
          tpu.yield
        }) : () -> ()
        %add3A_228 = arith.constant 5 : i32
        %add3A_229 = arith.addi %add3A_211, %add3A_228 : i32
        %lt3A_230 = arith.constant 250 : i32
        %lt3A_231 = arith.cmpi slt, %add3A_229, %lt3A_230 : i32
        %convert_element_type3A_232 = arith.extui %lt3A_231 : i1 to i32
        %cond3A_233 = arith.constant 0 : i32
        %cond3A_234 = arith.cmpi ne, %convert_element_type3A_232, %cond3A_233 : i32
        scf.if %cond3A_234 {
          %dma_start3A_235 = arith.constant 4 : i32
          %dma_start3A_236 = arith.constant 0 : i32
          %dma_start3A_237 = arith.constant 0 : i32
          %dma_start3A_238 = tpu.memref_slice %arg12[%dma_start3A_235, %dma_start3A_236, %dma_start3A_237] : memref<5x80x64xf32, #tpu.memory_space<vmem>> -> memref<1x80x64xf32, #tpu.memory_space<vmem>>
          %dma_start3A_239 = tpu.memref_squeeze %dma_start3A_238 : memref<1x80x64xf32, #tpu.memory_space<vmem>> -> memref<80x64xf32, #tpu.memory_space<vmem>>
          %dma_start3A_240 = arith.constant 0 : i32
          %dma_start3A_241 = tpu.memref_slice %arg10[%add3A_229, %dma_start3A_240] : memref<250x80xi32, #tpu.memory_space<vmem>> -> memref<1x80xi32, #tpu.memory_space<vmem>>
          %dma_start3A_242 = tpu.memref_squeeze %dma_start3A_241 : memref<1x80xi32, #tpu.memory_space<vmem>> -> memref<80xi32, #tpu.memory_space<vmem>>
          %dma_start3A_243 = arith.constant 0 : i32
          %dma_start3A_244 = arith.constant 0 : i32
          %dma_start3A_245 = tpu.memref_slice %arg9[%dma_start3A_243, %dma_start3A_244] : memref<10000x64xf32, #tpu.memory_space<hbm>> -> memref<10000x64xf32, #tpu.memory_space<hbm>>
          tpu.enqueue_indirect_dma source(%dma_start3A_245 : memref<10000x64xf32, #tpu.memory_space<hbm>>) target(%dma_start3A_239 : memref<80x64xf32, #tpu.memory_space<vmem>>) offsets(%dma_start3A_242 : memref<80xi32, #tpu.memory_space<vmem>>) semaphore(%arg23 : memref<!tpu.dma_semaphore, #tpu.memory_space<semaphore_mem>>)
        } else {
        }
      }
      %scan3A_95 = arith.constant 50 : i32
      %barrier3A_96 = arith.constant 0 : index
      tpu.barrier barrier_id(%barrier3A_96)
      %scan3A_97 = arith.constant 0 : i32
      %scan3A_98 = arith.constant 5 : i32
      %scan3A_99 = arith.addi %scan3A_97, %scan3A_98 : i32
      %scan3A_100 = arith.constant 1 : i32
      scf.for %scan3A_102 = %scan3A_97 to %scan3A_99 step %scan3A_100  : i32 {
        %mul3A_103 = arith.constant 625 : i32
        %mul3A_104 = arith.muli %arg1, %mul3A_103 : i32
        %mul3A_105 = arith.constant 125 : i32
        %mul3A_106 = arith.muli %scan3A_102, %mul3A_105 : i32
        %add3A = arith.addi %mul3A_104, %mul3A_106 : i32
        "tpu.region"() ({
          %run_scoped3A_112 = tpu.sem_alloc : memref<!tpu.dma_semaphore, #tpu.memory_space<semaphore_mem>>
          %dma_start3A_113 = arith.constant 0 : i32
          %dma_start3A_114 = tpu.memref_slice %arg18[%add3A, %dma_start3A_113] : memref<10000x64xf32, #tpu.memory_space<vmem_shared>> -> memref<125x64xf32, #tpu.memory_space<vmem_shared>>
          %dma_start3A_115 = arith.constant 0 : i32
          %dma_start3A_116 = tpu.memref_slice %arg18[%add3A, %dma_start3A_115] : memref<10000x64xf32, #tpu.memory_space<vmem_shared>> -> memref<125x64xf32, #tpu.memory_space<vmem_shared>>
          tpu.enqueue_dma source(%dma_start3A_116 : memref<125x64xf32, #tpu.memory_space<vmem_shared>>) target(%arg13 : memref<125x64xf32, #tpu.memory_space<vmem>>) target_semaphore(%run_scoped3A_112 : memref<!tpu.dma_semaphore, #tpu.memory_space<semaphore_mem>>)
          %dma_wait3A = arith.constant 0 : i32
          %dma_wait3A_117 = tpu.memref_slice %arg18[%add3A, %dma_wait3A] : memref<10000x64xf32, #tpu.memory_space<vmem_shared>> -> memref<125x64xf32, #tpu.memory_space<vmem_shared>>
          %dma_wait3A_118 = arith.constant 0 : i32
          %dma_wait3A_119 = tpu.memref_slice %arg18[%add3A, %dma_wait3A_118] : memref<10000x64xf32, #tpu.memory_space<vmem_shared>> -> memref<125x64xf32, #tpu.memory_space<vmem_shared>>
          tpu.wait_dma2 semaphore(%run_scoped3A_112 : memref<!tpu.dma_semaphore, #tpu.memory_space<semaphore_mem>>) src(%dma_wait3A_119 : memref<125x64xf32, #tpu.memory_space<vmem_shared>>) dst(%arg13 : memref<125x64xf32, #tpu.memory_space<vmem>>)
          tpu.yield
        }) : () -> ()
        "tpu.region"() ({
          %run_scoped3A_112 = tpu.sem_alloc : memref<!tpu.dma_semaphore, #tpu.memory_space<semaphore_mem>>
          %dma_start3A_113 = arith.constant 0 : i32
          %dma_start3A_114 = tpu.memref_slice %arg9[%add3A, %dma_start3A_113] : memref<10000x64xf32, #tpu.memory_space<hbm>> -> memref<125x64xf32, #tpu.memory_space<hbm>>
          %dma_start3A_115 = arith.constant 0 : i32
          %dma_start3A_116 = tpu.memref_slice %arg9[%add3A, %dma_start3A_115] : memref<10000x64xf32, #tpu.memory_space<hbm>> -> memref<125x64xf32, #tpu.memory_space<hbm>>
          tpu.enqueue_dma source(%dma_start3A_116 : memref<125x64xf32, #tpu.memory_space<hbm>>) target(%arg14 : memref<125x64xf32, #tpu.memory_space<vmem>>) target_semaphore(%run_scoped3A_112 : memref<!tpu.dma_semaphore, #tpu.memory_space<semaphore_mem>>)
          %dma_wait3A = arith.constant 0 : i32
          %dma_wait3A_117 = tpu.memref_slice %arg9[%add3A, %dma_wait3A] : memref<10000x64xf32, #tpu.memory_space<hbm>> -> memref<125x64xf32, #tpu.memory_space<hbm>>
          %dma_wait3A_118 = arith.constant 0 : i32
          %dma_wait3A_119 = tpu.memref_slice %arg9[%add3A, %dma_wait3A_118] : memref<10000x64xf32, #tpu.memory_space<hbm>> -> memref<125x64xf32, #tpu.memory_space<hbm>>
          tpu.wait_dma2 semaphore(%run_scoped3A_112 : memref<!tpu.dma_semaphore, #tpu.memory_space<semaphore_mem>>) src(%dma_wait3A_119 : memref<125x64xf32, #tpu.memory_space<hbm>>) dst(%arg14 : memref<125x64xf32, #tpu.memory_space<vmem>>)
          tpu.yield
        }) : () -> ()
        %scan3A_107 = arith.constant 0 : i32
        %scan3A_108 = arith.constant 125 : i32
        %scan3A_109 = arith.addi %scan3A_107, %scan3A_108 : i32
        %scan3A_110 = arith.constant 1 : i32
        scf.for %scan3A_112 = %scan3A_107 to %scan3A_109 step %scan3A_110  : i32 {
          %mul3A_113 = arith.constant 125 : i32
          %mul3A_114 = arith.muli %scan3A_102, %mul3A_113 : i32
          %add3A_115 = arith.addi %arg1, %mul3A_114 : i32
          %add3A_116 = arith.addi %add3A_115, %scan3A_112 : i32
          %get3A_117 = arith.index_cast %add3A_116 : i32 to index
          %get3A_118 = tpu.vector_load %arg16[%get3A_117] {strides = array<i32>} : memref<656xf32, #tpu.memory_space<vmem>>, vector<16xf32>,
          %slice3A = vector.extract_strided_slice %get3A_118 {offsets = [0], sizes = [1], strides = [1]} : vector<16xf32> to vector<1xf32>
          %squeeze3A = vector.extract %slice3A[0] : f32 from vector<1xf32>
          %get3A_119 = arith.index_cast %scan3A_112 : i32 to index
          %get3A_120 = arith.constant 0 : index
          %get3A_121 = tpu.vector_load %arg13[%get3A_119, %get3A_120] {strides = array<i32>} : memref<125x64xf32, #tpu.memory_space<vmem>>, vector<16xf32>,
          %get3A_122 = arith.index_cast %scan3A_112 : i32 to index
          %get3A_123 = arith.constant 0 : index
          %get3A_124 = tpu.vector_load %arg14[%get3A_122, %get3A_123] {strides = array<i32>} : memref<125x64xf32, #tpu.memory_space<vmem>>, vector<16xf32>,
          %add3A_125 = arith.addf %get3A_121, %get3A_124 : vector<16xf32>
          %mul3A_126 = vector.broadcast %squeeze3A : f32 to vector<16xf32>
          %mul3A_127 = arith.mulf %add3A_125, %mul3A_126 : vector<16xf32>
          %add3A_128 = arith.addf %mul3A_127, %get3A_13 : vector<16xf32>
          %swap3A = arith.index_cast %scan3A_112 : i32 to index
          %swap3A_129 = arith.constant 0 : index
          %swap3A_130 = tpu.vector_load %arg13[%swap3A, %swap3A_129] {strides = array<i32>} : memref<125x64xf32, #tpu.memory_space<vmem>>, vector<16xf32>,
          tpu.vector_store %arg13[%swap3A, %swap3A_129], %add3A_128 {strides = array<i32>} : memref<125x64xf32, #tpu.memory_space<vmem>>, vector<16xf32>,
          %get3A_131 = arith.index_cast %scan3A_112 : i32 to index
          %get3A_132 = arith.constant 16 : index
          %get3A_133 = tpu.vector_load %arg13[%get3A_131, %get3A_132] {strides = array<i32>} : memref<125x64xf32, #tpu.memory_space<vmem>>, vector<16xf32>,
          %get3A_134 = arith.index_cast %scan3A_112 : i32 to index
          %get3A_135 = arith.constant 16 : index
          %get3A_136 = tpu.vector_load %arg14[%get3A_134, %get3A_135] {strides = array<i32>} : memref<125x64xf32, #tpu.memory_space<vmem>>, vector<16xf32>,
          %add3A_137 = arith.addf %get3A_133, %get3A_136 : vector<16xf32>
          %mul3A_138 = vector.broadcast %squeeze3A : f32 to vector<16xf32>
          %mul3A_139 = arith.mulf %add3A_137, %mul3A_138 : vector<16xf32>
          %add3A_140 = arith.addf %mul3A_139, %get3A_15 : vector<16xf32>
          %swap3A_141 = arith.index_cast %scan3A_112 : i32 to index
          %swap3A_142 = arith.constant 16 : index
          %swap3A_143 = tpu.vector_load %arg13[%swap3A_141, %swap3A_142] {strides = array<i32>} : memref<125x64xf32, #tpu.memory_space<vmem>>, vector<16xf32>,
          tpu.vector_store %arg13[%swap3A_141, %swap3A_142], %add3A_140 {strides = array<i32>} : memref<125x64xf32, #tpu.memory_space<vmem>>, vector<16xf32>,
          %get3A_144 = arith.index_cast %scan3A_112 : i32 to index
          %get3A_145 = arith.constant 32 : index
          %get3A_146 = tpu.vector_load %arg13[%get3A_144, %get3A_145] {strides = array<i32>} : memref<125x64xf32, #tpu.memory_space<vmem>>, vector<16xf32>,
          %get3A_147 = arith.index_cast %scan3A_112 : i32 to index
          %get3A_148 = arith.constant 32 : index
          %get3A_149 = tpu.vector_load %arg14[%get3A_147, %get3A_148] {strides = array<i32>} : memref<125x64xf32, #tpu.memory_space<vmem>>, vector<16xf32>,
          %add3A_150 = arith.addf %get3A_146, %get3A_149 : vector<16xf32>
          %mul3A_151 = vector.broadcast %squeeze3A : f32 to vector<16xf32>
          %mul3A_152 = arith.mulf %add3A_150, %mul3A_151 : vector<16xf32>
          %add3A_153 = arith.addf %mul3A_152, %get3A_17 : vector<16xf32>
          %swap3A_154 = arith.index_cast %scan3A_112 : i32 to index
          %swap3A_155 = arith.constant 32 : index
          %swap3A_156 = tpu.vector_load %arg13[%swap3A_154, %swap3A_155] {strides = array<i32>} : memref<125x64xf32, #tpu.memory_space<vmem>>, vector<16xf32>,
          tpu.vector_store %arg13[%swap3A_154, %swap3A_155], %add3A_153 {strides = array<i32>} : memref<125x64xf32, #tpu.memory_space<vmem>>, vector<16xf32>,
          %get3A_157 = arith.index_cast %scan3A_112 : i32 to index
          %get3A_158 = arith.constant 48 : index
          %get3A_159 = tpu.vector_load %arg13[%get3A_157, %get3A_158] {strides = array<i32>} : memref<125x64xf32, #tpu.memory_space<vmem>>, vector<16xf32>,
          %get3A_160 = arith.index_cast %scan3A_112 : i32 to index
          %get3A_161 = arith.constant 48 : index
          %get3A_162 = tpu.vector_load %arg14[%get3A_160, %get3A_161] {strides = array<i32>} : memref<125x64xf32, #tpu.memory_space<vmem>>, vector<16xf32>,
          %add3A_163 = arith.addf %get3A_159, %get3A_162 : vector<16xf32>
          %mul3A_164 = vector.broadcast %squeeze3A : f32 to vector<16xf32>
          %mul3A_165 = arith.mulf %add3A_163, %mul3A_164 : vector<16xf32>
          %add3A_166 = arith.addf %mul3A_165, %get3A_19 : vector<16xf32>
          %swap3A_167 = arith.index_cast %scan3A_112 : i32 to index
          %swap3A_168 = arith.constant 48 : index
          %swap3A_169 = tpu.vector_load %arg13[%swap3A_167, %swap3A_168] {strides = array<i32>} : memref<125x64xf32, #tpu.memory_space<vmem>>, vector<16xf32>,
          tpu.vector_store %arg13[%swap3A_167, %swap3A_168], %add3A_166 {strides = array<i32>} : memref<125x64xf32, #tpu.memory_space<vmem>>, vector<16xf32>,
        }
        %scan3A_111 = arith.constant 125 : i32
        "tpu.region"() ({
          %run_scoped3A_112 = tpu.sem_alloc : memref<!tpu.dma_semaphore, #tpu.memory_space<semaphore_mem>>
          %dma_start3A_113 = arith.constant 0 : i32
          %dma_start3A_114 = tpu.memref_slice %arg9[%add3A, %dma_start3A_113] : memref<10000x64xf32, #tpu.memory_space<hbm>> -> memref<125x64xf32, #tpu.memory_space<hbm>>
          %dma_start3A_115 = arith.constant 0 : i32
          %dma_start3A_116 = tpu.memref_slice %arg9[%add3A, %dma_start3A_115] : memref<10000x64xf32, #tpu.memory_space<hbm>> -> memref<125x64xf32, #tpu.memory_space<hbm>>
          tpu.enqueue_dma source(%arg13 : memref<125x64xf32, #tpu.memory_space<vmem>>) target(%dma_start3A_116 : memref<125x64xf32, #tpu.memory_space<hbm>>) target_semaphore(%run_scoped3A_112 : memref<!tpu.dma_semaphore, #tpu.memory_space<semaphore_mem>>)
          %dma_wait3A = arith.constant 0 : i32
          %dma_wait3A_117 = tpu.memref_slice %arg9[%add3A, %dma_wait3A] : memref<10000x64xf32, #tpu.memory_space<hbm>> -> memref<125x64xf32, #tpu.memory_space<hbm>>
          %dma_wait3A_118 = arith.constant 0 : i32
          %dma_wait3A_119 = tpu.memref_slice %arg9[%add3A, %dma_wait3A_118] : memref<10000x64xf32, #tpu.memory_space<hbm>> -> memref<125x64xf32, #tpu.memory_space<hbm>>
          tpu.wait_dma2 semaphore(%run_scoped3A_112 : memref<!tpu.dma_semaphore, #tpu.memory_space<semaphore_mem>>) src(%arg13 : memref<125x64xf32, #tpu.memory_space<vmem>>) dst(%dma_wait3A_119 : memref<125x64xf32, #tpu.memory_space<hbm>>)
          tpu.yield
        }) : () -> ()
      }
      %scan3A_101 = arith.constant 5 : i32
    } else {
    }
    return
  }
}

module attributes {stable_mosaic.version = 14 : i64} {
  func.func @_mm_body(%arg0: memref<10000x128xf32, #tpu.memory_space<vmem>>, %arg1: memref<128x128xf32, #tpu.memory_space<vmem>>, %arg2: memref<20000x64xf32, #tpu.memory_space<vmem>>) attributes {dimension_semantics = [], scalar_prefetch = 0 : i64, scratch_operands = 0 : i64, tpu.core_type = #tpu.core_type<tc>} {
    %get3A = arith.constant 0 : index
    %get3A_0 = arith.constant 0 : index
    %get3A_1 = vector.load %arg0[%get3A, %get3A_0] : memref<10000x128xf32, #tpu.memory_space<vmem>>, vector<10000x128xf32>
    %get3A_2 = arith.constant 0 : index
    %get3A_3 = arith.constant 0 : index
    %get3A_4 = vector.load %arg1[%get3A_2, %get3A_3] : memref<128x128xf32, #tpu.memory_space<vmem>>, vector<128x128xf32>
    %dot_general3A = arith.constant dense<0.000000e+00> : vector<10000x128xf32>
    %dot_general3A_5 = tpu.matmul %get3A_1, %get3A_4, %dot_general3A {dimension_numbers = #tpu.dot_dimension_numbers<[1], [0], [0], [1], [0, 0, 1, 1], [], []>, transpose_lhs_hint = false} : vector<10000x128xf32>, vector<128x128xf32>, vector<10000x128xf32> -> vector<10000x128xf32>
    %slice3A = vector.extract_strided_slice %dot_general3A_5 {offsets = [0, 0], sizes = [10000, 64], strides = [1, 1]} : vector<10000x128xf32> to vector<10000x64xf32>
    %swap3A = arith.constant 0 : index
    %swap3A_6 = arith.constant 0 : index
    %swap3A_7 = vector.load %arg2[%swap3A, %swap3A_6] : memref<20000x64xf32, #tpu.memory_space<vmem>>, vector<10000x64xf32>
    tpu.vector_store %arg2[%swap3A, %swap3A_6], %slice3A {strides = array<i32>} : memref<20000x64xf32, #tpu.memory_space<vmem>>, vector<10000x64xf32>,
    %slice3A_8 = vector.extract_strided_slice %dot_general3A_5 {offsets = [0, 64], sizes = [10000, 64], strides = [1, 1]} : vector<10000x128xf32> to vector<10000x64xf32>
    %swap3A_9 = arith.constant 10000 : index
    %swap3A_10 = arith.constant 0 : index
    %swap3A_11 = vector.load %arg2[%swap3A_9, %swap3A_10] : memref<20000x64xf32, #tpu.memory_space<vmem>>, vector<10000x64xf32>
    tpu.vector_store %arg2[%swap3A_9, %swap3A_10], %slice3A_8 {strides = array<i32>} : memref<20000x64xf32, #tpu.memory_space<vmem>>, vector<10000x64xf32>,
    return
  }
}

</mosaic_0001>

<sc_bundles>
// kernel: kernel.5.cloned.1.call-start
scs
__scs_entry_jumppad:
0x0: {  	(pc) =	sbr.rel $0x88, $3  }
0x1: {  	(tag) =	ssettag $0x0;
	lr =	simm.s32 $0x1  }
0x2: {  	[smem:$0x3F9D] =	sst lr;
	_ =	strace $0xD0000000  }
0x3: {  	_ = 	snop  }
0x4: {  	_ = 	snop  }
0x5: {  	_ = 	snop  }
0x6: {  	_ = 	snop  }
0x7: {  	_ = 	snop  }
__scs_overlays_trampoline_lowered:
0x8: {  	[smem:$0x3FAC] =	sst s0  }
0x9: {  	[smem:$0x3FAD] =	sst s1  }
0xa: {  	[smem:$0x3FAE] =	sst s2  }
0xb: {  	[smem:$0x3FAF] =	sst s3  }
0xc: {  	[smem:$0x3FB0] =	sst s4  }
0xd: {  	[smem:$0x3FB1] =	sst s5  }
0xe: {  	[smem:$0x3FB2] =	sst s6  }
0xf: {  	[smem:$0x3FB3] =	sst s7  }
0x10: {  	[smem:$0x3FB4] =	sst s8  }
0x11: {  	[smem:$0x3FB5] =	sst s9;
	s0 =	simm.s32 @!p0 $0x0  }
0x12: {  	s1 =	sld [smem:$0x3F9B];
	s0 =	simm.s32 @p0 $0x1  }
0x13: {  	[smem:$0x3FB6] =	sst s0;
	s0 =	simm.s32 @!p1 $0x0  }
0x14: {  	s2 =	sld [smem:$0x3F9A];
	s0 =	simm.s32 @p1 $0x1  }
0x15: {  	[smem:$0x3FB7] =	sst s0;
	s0 =	simm.s32 @!p2 $0x0  }
0x16: {  	s3 =	sld [smem:$0x3FDB];
	s0 =	simm.s32 @p2 $0x1  }
0x17: {  	s4 =	simm.s32 $0x1BF5;
	[smem:$0x3FB9] =	sst s0  }
0x18: {  	s0 =	sld [smem:$0x3F9C];
	_ =	swait.ge [sflag:s4], $0x0  }
0x19: {  	s7 =	sld [smem:$0x3F9D]  }
0x1a: {  	s8 =	sadd.s32 $0xFFFFE003, lr  }
0x1b: {  	s9 =	sadd.s32 $0xFFFFFEF7, lr;
	s5 =	simm.s32 $0xFFFFFFFF;
	p2 =	slt.u32 s8, $0xFFFFF086  }
0x1c: {  	p1 =	slt.u32 s9, $0xF7A;
	s5 =	simm.s32 @!p2 $0x0  }
0x1d: {  	s5 =	simm.s32 @p1 $0x1;
	p0 =	seq.s32 s7, s2  }
0x1e: {  	s7 =	smul.u32 @!p0 $0xF7A, s2;
	p2 =	seq.s32 @!p0 s5, $0x0  }
0x1f: {  	s9 =	smul.u32 $0xF7A, s1;
	s8 =	simm.s32 @!p0 $0x1BF5;
	p2 =	por !p2, p0  }
0x20: {  	[sflag:s8] =	ssyncset.s32 @!p0 $0xFFFFF086;
	s6 =	sadd.s32 @!p0 s3, s7;
	s7 =	simm.s32 @!p0 $0x108  }
0x21: {  	s3 =	sadd.s32 s3, s9;
	s6 =	sadd.s32 @!p0 $0x88, s6;
	s7 =	simm.s32 @p2 $0x1082  }
0x22: {  	[simem:s7], [sflag:s8] =	dma.local @!p0 [hbm:s6], $0xF7A  }
0x23: {  	s9 =	sor.u32 $0xD0000000, s2;
	s6 =	simm.s32 $0x108;
	_ =	swait.ge @!p0 [sflag:s8], $0x0  }
0x24: {  	s3 =	sadd.s32 $0x88, s3;
	s6 =	simm.s32 @!p1 $0x1082;
	[sflag:s4] =	ssyncset.s32 $0xFFFFF086  }
0x25: {  	[simem:s6], [sflag:s4] =	dma.local [hbm:s3], $0xF7A  }
0x26: {  	[smem:$0x3F9D] =	sst s1;
	(tag) =	ssettag s2;
	_ =	strace s9  }
0x27: {  	s1 =	sld [smem:$0x3FAD]  }
0x28: {  	s2 =	sld [smem:$0x3FAE]  }
0x29: {  	s4 =	sld [smem:$0x3FB0]  }
0x2a: {  	p0 =	seq.s32 s5, $0x0;
	s5 =	sld [smem:$0x3FB1]  }
0x2b: {  	s6 =	sld [smem:$0x3FB2]  }
0x2c: {  	s7 =	sld [smem:$0x3FB3]  }
0x2d: {  	s3 =	simm.s32 $0x108;
	s8 =	sld [smem:$0x3FB4]  }
0x2e: {  	s3 =	simm.s32 @!p0 $0x1082;
	s9 =	sld [smem:$0x3FB5]  }
0x2f: {  	lr =	sadd.s32 s0, s3;
	s0 =	sld [smem:$0x3FAC]  }
0x30: {  	s3 =	sld [smem:$0x3FAF]  }
0x31: {  	[smem:$0x3FB8] =	sst s10  }
0x32: {  	s10 =	sld [smem:$0x3FB6];
	_ =	sdelay $0x3  }
0x33: {  	p0 =	seq.s32 s10, $0x1;
	s10 =	sld [smem:$0x3FB8];
	_ =	sdelay $0x3  }
0x34: {  	[smem:$0x3FB8] =	sst s10  }
0x35: {  	s10 =	sld [smem:$0x3FB7];
	_ =	sdelay $0x3  }
0x36: {  	p1 =	seq.s32 s10, $0x1;
	s10 =	sld [smem:$0x3FB8];
	_ =	sdelay $0x3  }
0x37: {  	[smem:$0x3FB8] =	sst s10  }
0x38: {  	s10 =	sld [smem:$0x3FB9]  }
0x39: {  	_ = 	snop;
	(pc) =	sbr.ind lr, $3  }
0x3a: {  	_ = 	snop  }
0x3b: {  	_ = 	snop  }
0x3c: {  	p2 =	seq.s32 s10, $0x1;
	s10 =	sld [smem:$0x3FB8]  }
0x3d: {  	_ =	shalt  }
0x3e: {  	_ =	shalt  }
0x3f: {  	_ =	shalt  }
0x40: {  	_ =	shalt  }
0x41: {  	_ =	shalt  }
0x42: {  	_ =	shalt  }
0x43: {  	_ =	shalt  }
0x44: {  	_ =	shalt  }
0x45: {  	_ =	shalt  }
0x46: {  	_ =	shalt  }
0x47: {  	_ =	shalt  }
0x48: {  	_ =	shalt  }
0x49: {  	_ =	shalt  }
0x4a: {  	_ =	shalt  }
0x4b: {  	_ =	shalt  }
0x4c: {  	_ =	shalt  }
0x4d: {  	_ =	shalt  }
0x4e: {  	_ =	shalt  }
0x4f: {  	_ =	shalt  }
0x50: {  	_ =	shalt  }
0x51: {  	_ =	shalt  }
0x52: {  	_ =	shalt  }
0x53: {  	_ =	shalt  }
0x54: {  	_ =	shalt  }
0x55: {  	_ =	shalt  }
0x56: {  	_ =	shalt  }
0x57: {  	_ =	shalt  }
0x58: {  	_ =	shalt  }
0x59: {  	_ =	shalt  }
0x5a: {  	_ =	shalt  }
0x5b: {  	_ =	shalt  }
0x5c: {  	_ =	shalt  }
0x5d: {  	_ =	shalt  }
0x5e: {  	_ =	shalt  }
0x5f: {  	_ =	shalt  }
0x60: {  	_ =	shalt  }
0x61: {  	_ =	shalt  }
0x62: {  	_ =	shalt  }
0x63: {  	_ =	shalt  }
0x64: {  	_ =	shalt  }
0x65: {  	_ =	shalt  }
0x66: {  	_ =	shalt  }
0x67: {  	_ =	shalt  }
0x68: {  	_ =	shalt  }
0x69: {  	_ =	shalt  }
0x6a: {  	_ =	shalt  }
0x6b: {  	_ =	shalt  }
0x6c: {  	_ =	shalt  }
0x6d: {  	_ =	shalt  }
0x6e: {  	_ =	shalt  }
0x6f: {  	_ =	shalt  }
0x70: {  	_ =	shalt  }
0x71: {  	_ =	shalt  }
0x72: {  	_ =	shalt  }
0x73: {  	_ =	shalt  }
0x74: {  	_ =	shalt  }
0x75: {  	_ =	shalt  }
0x76: {  	_ =	shalt  }
0x77: {  	_ =	shalt  }
0x78: {  	_ =	shalt  }
0x79: {  	_ =	shalt  }
0x7a: {  	_ =	shalt  }
0x7b: {  	_ =	shalt  }
0x7c: {  	_ =	shalt  }
0x7d: {  	_ =	shalt  }
0x7e: {  	_ =	shalt  }
0x7f: {  	_ =	shalt  }
0x80: {  	_ =	shalt  }
0x81: {  	_ =	shalt  }
0x82: {  	_ =	shalt  }
0x83: {  	_ =	shalt  }
0x84: {  	_ =	shalt  }
0x85: {  	_ =	shalt  }
0x86: {  	_ =	shalt  }
0x87: {  	_ =	shalt  }
.Lfunc_end0:
.L_simem_size_0:
called_computation_lowered:
.L_overlay_start_0:
0x88: {  	s2 =	sld [smem:$0x3FD9]  }
0x89: {  	s3 =	sld [smem:$0x3FFE];
	_ =	sdelay $0x1  }
0x8a: {  	s1 =	srdreg.scid  }
0x8b: {  	s0 =	sand.u32 $0x1, s1  }
0x8c: {  	s16 =	sshll.u32 s0, $0xA;
	s2 =	sadd.s32 s3, s2  }
0x8d: {  	s2 =	sadd.s32 s2, s16  }
0x8e: {  	[smem:$0x3FC4] =	sst s2  }
0x8f: {  	_ = 	snop  }
0x90: {  	(tm) =	ssettm $0x1  }
0x91: {  	s17 =	sld [smem:$0x3FFB];
	_ =	sdelay $0x3  }
0x92: {  	_ =	strace s17  }
0x93: {  	s2 =	sld [smem:$0x3FFC];
	_ =	sdelay $0x3  }
0x94: {  	_ =	strace s2  }
0x95: {  	s2 =	sld [smem:$0x3FFD];
	_ =	sdelay $0x3  }
0x96: {  	_ =	strace s2  }
0x97: {  	_ =	strace $0x8FFFFFFF  }
0x98: {  	s18 =	sld [smem:$0x3FDB];
	_ =	sdelay $0x1  }
0x99: {  	s19 =	simm.s32 $_scs_section_size  }
0x9a: {  	s4 =	simm.s32 $_size__tile_overlayer_lowered;
	s5 =	simm.s32 $_tile_overlayer_lowered  }
0x9b: {  	s22 =	simm.s32 $0x1BFF;
	s21 =	sshll.u32 s5, $0x1;
	s2 =	sadd.s32 s19, s18  }
0x9c: {  	s6 =	simm.s32 $0x0;
	s20 =	sshll.u32 s4, $0x1;
	s4 =	sadd.s32 s21, s2  }
0x9d: {  	[timem:s6], [sflag:s22] =	dma.local [hbm:s4], s20  }
0x9e: {  	_ =	swait.ge [sflag:s22], s20  }
0x9f: {  	s3 =	ssub.s32 $0x0, s20;
	[sflag:s22] =	ssyncset.done $0x0  }
0xa0: {  	[sflag:s22] =	ssyncadd.s32 s3;
	_ =	sdelay $0x1  }
0xa1: {  	s23 =	simm.s32 $0x1B8B  }
0xa2: {  	_ =	swait.ge [sflag:s23], $0x1  }
0xa3: {  	[sflag:s23] =	ssyncset.done $0x0  }
0xa4: {  	s25 =	simm.s32 $0x1B8E;
	s24 =	sld [smem:$0x3FFE];
	[sflag:s23] =	ssyncadd.s32 $0xFFFFFFFF  }
0xa5: {  	s26 =	simm.s32 $execute0_lowered;
	[smem:$0x3FD2] =	sst s25  }
0xa6: {  	s4 =	sshll.u32 s26, $0x1;
	_ =	strace $0x80000046;
	[dreg:$0x1] =	wrdreg $0xFFFFFFFF  }
0xa7: {  	s28 =	simm.s32 $_size_execute0_lowered;
	s2 =	sadd.s32 s2, s4;
	[dreg:$0x0] =	wrdreg $0x0  }
0xa8: {  	s4 =	sshll.u32 s28, $0x1;
	[dreg:$0x2] =	wrdreg s2  }
0xa9: {  	[dreg:$0x3] =	wrdreg s4  }
0xaa: {  	[dreg:$0x4] =	wrdreg $0xC0  }
0xab: {  	_ =	task [dreg:s6], $0x5FFFF  }
0xac: {  	[dreg:$0x1] =	wrdreg $0xFFFFFFFF  }
0xad: {  	[dreg:$0x0] =	wrdreg $0x60  }
0xae: {  	[dreg:$0x2] =	wrdreg s24  }
0xaf: {  	[dreg:$0x3] =	wrdreg $0x53400  }
0xb0: {  	[dreg:$0x4] =	wrdreg $0x9  }
0xb1: {  	_ =	task.clear_ibuf [dreg:s6], $0x5FFFF;
	_ =	strace $0x90000046  }
0xb2: {  	s29 =	simm.s32 $0x9;
	_ =	strace $0x80000048  }
0xb3: {  	_ =	swait.ge [sflag:s29], $0x1  }
0xb4: {  	[sflag:s29] =	ssyncadd.s32 $0xFFFFFFFF  }
0xb5: {  	_ =	strace $0x90000048  }
0xb6: {  	_ =	sfence  }
0xb7: {  	s30 =	sld [smem:$0x0];
	_ =	sdelay $0x2  }
0xb8: {  	s31 =	sshll.u32 s1, $0xD;
	s1 =	sshrl.u32 s1, $0x2  }
0xb9: {  	s3 =	sand.u32 $0x4000, s31;
	s1 =	sadd.s32 s1, s30  }
0xba: {  	s0 =	sor.u32 s3, s0;
	s1 =	sshll.u32 s1, $0x11  }
0xbb: {  	s0 =	sor.u32 s1, s0  }
0xbc: {  	s0 =	sadd.s32 $0x8F2B, s0  }
0xbd: {  	[sflag:s0] =	ssyncadd.remote.s32 $0x1  }
0xbe: {  	_ =	sfence.sel $0xFFFF  }
0xbf: {  	[dreg:$0x0] =	wrdreg $0xFFFFFFFF;
	(pc) =	sbr.abs _section_cstart, $3  }
0xc0: {  	[dreg:$0x1] =	wrdreg $0xFFFFFFFF  }
0xc1: {  	_ =	task.clear_ibuf [dreg:s6], $0x2FFFF;
	_ =	strace $0x9FFFFFFF  }
0xc2: {  	(tm) =	ssettm $0x7FFFFFFF  }
0xc3: {  	_ =	shalt  }
tec
execute0_lowered:
.L_overlay_start_1:
0x0: {  	(tag) =	ssettag $0x1  }
0x1: {  	s3 =	rddreg [dreg:$0x0]  }
0x2: {  	s5 =	rddreg [dreg:$0x1];
	s1 =	srdreg.scid  }
0x3: {  	s0 =	rddreg [dreg:$0x2];
	s4 =	sand.u32 $0x1, s1  }
0x4: {  	s2 =	simm.s32 $0x0;
	s1 =	stileid.u32;
	s7 =	smul.u32 $0x2900, s4  }
0x5: {  	s11 =	simm.s32 $0x50B0;
	s12 =	simm.s32 $0x0;
	s8 =	smul.u32 $0x290, s1  }
0x6: {  	[smem:$0x7FF] =	sst s2;
	s6 =	sshll.u32 s4, $0x4;
	s29 =	smul.u32 $0x9C80, s1  }
0x7: {  	s4 =	ssub.s32 $0x2, s4;
	s10 =	smul.u32 $0x9C0, s1;
	s6 =	sor.u32 s1, s6  }
0x8: {  	_ =	strace $0x80000047;
	s9 =	sshrl.u32 s4, $0x1;
	s6 =	smul.u32 $0x4E2, s6  }
0x9: {  	s7 =	sadd.s32 s8, s7;
	s9 =	ssub.s32 s4, s9;
	s30 =	sshrl.u32 s29, $0x2  }
0xa: {  	s31 =	sshrl.u32 s10, $0x2;
	s8 =	simm.s32 $0x1;
	s10 =	simm.s32 $0x4E20  }
0xb: {  	s7 =	sshrl.u32 s7, $0x3;
	s4 =	sadd.s32 s30, s5;
	s6 =	sadd.s32 s6, s3  }
0xc: {  	s5 =	sadd.s32 s31, s5;
	s7 =	sadd.s32 s7, s3;
	s3 =	sadd.s32 $0x1000, s6  }
0xd: {  	v0 =	vimm.f32 $0.0e+00;
	v1 =	vimm.f32 $1.000000000e+00;
	s6 =	sadd.s32 $0x14C00, s7;
	s7 =	smax.u32 s9, $0x1;
	s9 =	simm.s32 $0x2710  }
.LBB2_1:
0xe: {  	[tilespmem:s2], [sflag:$0x1] =	stream.linear.gather [hbm4b:s3+s2], $0x2710, $0x38;
	[tilespmem:$0x7A60] =	vst v63  }
0xf: {  	_ =	swait.ge [sflag:s8], $0x2710  }
0x10: {  	[sflag:s8] =	ssyncset.done $0x0  }
0x11: {  	s13 =	simm.s32 $0x0;
	[sflag:s8] =	ssyncadd.s32 $0xFFFFD8F0  }
.LBB2_2:
0x12: {  	p0 =	sne.s32 s13, $0x9C00  }
.Ltmp0:
0x13: {  	_ = 	snop;
	(pc) =	sbr.rel @p0 .LBB2_2-.Ltmp0, $3  }
0x14: {  	_ =	sdelay $0x1  }
0x15: {  	s14 =	sshra.s32 s13, $0x2  }
0x16: {  	s13 =	sadd.s32 $0x40, s13;
	[tilespmem:s14+$0x2710] =	vst v0  }
0x17: {  	s14 =	simm.s32 $0x0;
	s13 =	simm.s32 $0x40  }
.LBB2_4:
0x18: {  	p0 =	sne.s32 s13, $0x9C00;
	v2 =	vld [tilespmem:s14+$0x0];
	_ =	sdelay $0x3  }
.Ltmp1:
0x19: {  	(pc) =	sbr.rel @p0 .LBB2_4-.Ltmp1, $2  }
0x1a: {  	_ =	sdelay $0x2  }
0x1b: {  	s14 =	sshra.s32 s13, $0x2;
	s13 =	sadd.s32 $0x40, s13;
	[tilespmem:v2+s9+$0x0] =	vst.idx.add.f32.msk $0xffff, v1  }
0x1c: {  	v2 =	vld [tilespmem:s14+$0x0];
	_ =	sdelay $0x7  }
0x1d: {  	s13 =	simm.s32 $0x1;
	[tilespmem:v2+s9+$0x0] =	vst.idx.add.f32.msk $0xffff, v1  }
0x1e: {  	[spmem:s4] =	stream.linear.scatter [tilespmem:s9], [sflag:$0x1], $0x2710, $0x38;
	[tilespmem:$0x7A60] =	vst v63  }
0x1f: {  	_ =	swait.ge [sflag:s13], $0x2710  }
0x20: {  	[sflag:s13] =	ssyncset.done $0x0  }
0x21: {  	[sflag:s13] =	ssyncadd.s32 $0xFFFFD8F0  }
0x22: {  	[bflag:$0x0] =	sbarrier.arrive $0xFFFF  }
0x23: {  	[tilespmem:s10], [sflag:$0x1] =	stream.linear.gather [spmem:s5], $0x290, $0x38;
	[tilespmem:$0x7A60] =	vst v63  }
0x24: {  	_ =	swait.ge [sflag:s13], $0x290  }
0x25: {  	[sflag:s13] =	ssyncset.done $0x0  }
0x26: {  	[sflag:s13] =	ssyncadd.s32 $0xFFFFFD70  }
.LBB2_6:
0x27: {  	s14 =	smul.u32 $0x9C80, s13;
	_ =	sdelay $0x1  }
0x28: {  	s14 =	sshra.s32 s14, $0x2  }
0x29: {  	s14 =	sadd.s32 s14, s5  }
0x2a: {  	[tilespmem:s11], [sflag:$0x1] =	stream.linear.gather [spmem:s14], $0x290, $0x38;
	[tilespmem:$0x7A60] =	vst v63  }
0x2b: {  	_ =	swait.ge [sflag:s8], $0x290  }
0x2c: {  	[sflag:s8] =	ssyncset.done $0x0  }
0x2d: {  	s14 =	simm.s32 $0x0;
	[sflag:s8] =	ssyncadd.s32 $0xFFFFFD70  }
0x2e: {  	s15 =	simm.s32 $0x40;
	v2 =	vld [tilespmem:s14+$0x50B0]  }
.LBB2_7:
0x2f: {  	p0 =	sne.s32 s15, $0xA00;
	v3 =	vld [tilespmem:s14+$0x4E20];
	_ =	sdelay $0x2  }
.Ltmp2:
0x30: {  	(pc) =	sbr.rel @p0 .LBB2_7-.Ltmp2, $4  }
0x31: {  	_ = 	snop  }
0x32: {  	v3 =	vadd.f32 v2, v3  }
0x33: {  	s16 =	sshra.s32 s15, $0x2  }
0x34: {  	s15 =	sadd.s32 $0x40, s15;
	v2 =	vld [tilespmem:s16+$0x50B0];
	[tilespmem:s14+$0x4E20] =	vst v3;
	s14 =	smov.u32 s16  }
0x35: {  	v3 =	vld [tilespmem:s14+$0x4E20]  }
0x36: {  	s13 =	sadd.s32 $0x1, s13  }
0x37: {  	p0 =	sne.s32 s13, $0x10  }
.Ltmp3:
0x38: {  	_ = 	snop;
	(pc) =	sbr.rel @p0 .LBB2_6-.Ltmp3, $3  }
0x39: {  	_ = 	snop  }
0x3a: {  	v2 =	vadd.f32 v2, v3;
	_ =	sdelay $0x1  }
0x3b: {  	[tilespmem:s14+$0x4E20] =	vst v2  }
0x3c: {  	s12 =	sadd.s32 $0x1, s12  }
0x3d: {  	p0 =	sne.s32 s12, s7  }
.Ltmp4:
0x3e: {  	_ = 	snop;
	(pc) =	sbr.rel @p0 .LBB2_1-.Ltmp4, $4  }
0x3f: {  	[hbm4b:s6+s2] =	stream.linear.scatter [tilespmem:s10], [sflag:$0x1], $0x290, $0x38;
	[tilespmem:$0x7A60] =	vst v63  }
0x40: {  	_ =	swait.ge [sflag:s8], $0x290  }
0x41: {  	[sflag:s8] =	ssyncset.done $0x0  }
0x42: {  	[sflag:s8] =	ssyncadd.s32 $0xFFFFFD70  }
0x43: {  	_ =	sfence.sel $0x180000  }
0x44: {  	[bflag:$0x0] =	sbarrier.arrive $0xFFFF  }
0x45: {  	p0 =	sne.s32 s1, $0x0;
	_ =	strace $0x90000047  }
0x46: {  	s0 =	sadd.s32 @!p0 $0x100000, s0;
	[bflag:$0x2] =	sbarrier.arrive $0xFFFF  }
0x47: {  	[sflag:s0] =	ssyncadd.tile.s32 @!p0 $0x1;
	_ =	shalt  }
.Lfunc_end2:
_tile_overlayer_lowered:
.L_overlay_start_2:
0x48: {  	(tag) =	ssettag $0x2  }
0x49: {  	s0 =	rddreg [dreg:$0x0];
	s2 =	stileid.u32  }
0x4a: {  	s1 =	rddreg [dreg:$0x1];
	p0 =	sne.s32 s2, $0x0  }
0x4b: {  	s3 =	rddreg [dreg:$0x2];
	[bflag:$0x3] =	sbarrier.arrive $0xFFFF;
	s2 =	simm.s32 @!p0 $0x1C01  }
0x4c: {  	[timem:s3], [sflag:s2] =	dma.local @!p0 [hbm:s0], s1  }
0x4d: {  	s0 =	simm.s32 @!p0 $0x1  }
0x4e: {  	_ =	swait.ge @!p0 [sflag:s0], s1  }
0x4f: {  	s1 =	ssub.s32 @!p0 $0x0, s1;
	[sflag:s0] =	ssyncset.done @!p0 $0x0  }
0x50: {  	[sflag:s0] =	ssyncadd.s32 @!p0 s1  }
0x51: {  	[bflag:$0x3] =	sbarrier.arrive $0xFFFF  }
0x52: {  	_ =	shalt  }

// kernel: kernel.8.cloned.1.call-start
scs
__scs_entry_jumppad:
0x0: {  	(pc) =	sbr.rel $0x88, $3  }
0x1: {  	(tag) =	ssettag $0x0;
	lr =	simm.s32 $0x1  }
0x2: {  	[smem:$0x3F9D] =	sst lr;
	_ =	strace $0xD0000000  }
0x3: {  	_ = 	snop  }
0x4: {  	_ = 	snop  }
0x5: {  	_ = 	snop  }
0x6: {  	_ = 	snop  }
0x7: {  	_ = 	snop  }
__scs_overlays_trampoline_lowered:
0x8: {  	[smem:$0x3FAC] =	sst s0  }
0x9: {  	[smem:$0x3FAD] =	sst s1  }
0xa: {  	[smem:$0x3FAE] =	sst s2  }
0xb: {  	[smem:$0x3FAF] =	sst s3  }
0xc: {  	[smem:$0x3FB0] =	sst s4  }
0xd: {  	[smem:$0x3FB1] =	sst s5  }
0xe: {  	[smem:$0x3FB2] =	sst s6  }
0xf: {  	[smem:$0x3FB3] =	sst s7  }
0x10: {  	[smem:$0x3FB4] =	sst s8  }
0x11: {  	[smem:$0x3FB5] =	sst s9;
	s0 =	simm.s32 @!p0 $0x0  }
0x12: {  	s1 =	sld [smem:$0x3F9B];
	s0 =	simm.s32 @p0 $0x1  }
0x13: {  	[smem:$0x3FB6] =	sst s0;
	s0 =	simm.s32 @!p1 $0x0  }
0x14: {  	s2 =	sld [smem:$0x3F9A];
	s0 =	simm.s32 @p1 $0x1  }
0x15: {  	[smem:$0x3FB7] =	sst s0;
	s0 =	simm.s32 @!p2 $0x0  }
0x16: {  	s3 =	sld [smem:$0x3FDB];
	s0 =	simm.s32 @p2 $0x1  }
0x17: {  	s4 =	simm.s32 $0x1BF5;
	[smem:$0x3FB9] =	sst s0  }
0x18: {  	s0 =	sld [smem:$0x3F9C];
	_ =	swait.ge [sflag:s4], $0x0  }
0x19: {  	s7 =	sld [smem:$0x3F9D]  }
0x1a: {  	s8 =	sadd.s32 $0xFFFFE003, lr  }
0x1b: {  	s9 =	sadd.s32 $0xFFFFFEF7, lr;
	s5 =	simm.s32 $0xFFFFFFFF;
	p2 =	slt.u32 s8, $0xFFFFF086  }
0x1c: {  	p1 =	slt.u32 s9, $0xF7A;
	s5 =	simm.s32 @!p2 $0x0  }
0x1d: {  	s5 =	simm.s32 @p1 $0x1;
	p0 =	seq.s32 s7, s2  }
0x1e: {  	s7 =	smul.u32 @!p0 $0xF7A, s2;
	p2 =	seq.s32 @!p0 s5, $0x0  }
0x1f: {  	s9 =	smul.u32 $0xF7A, s1;
	s8 =	simm.s32 @!p0 $0x1BF5;
	p2 =	por !p2, p0  }
0x20: {  	[sflag:s8] =	ssyncset.s32 @!p0 $0xFFFFF086;
	s6 =	sadd.s32 @!p0 s3, s7;
	s7 =	simm.s32 @!p0 $0x108  }
0x21: {  	s3 =	sadd.s32 s3, s9;
	s6 =	sadd.s32 @!p0 $0x88, s6;
	s7 =	simm.s32 @p2 $0x1082  }
0x22: {  	[simem:s7], [sflag:s8] =	dma.local @!p0 [hbm:s6], $0xF7A  }
0x23: {  	s9 =	sor.u32 $0xD0000000, s2;
	s6 =	simm.s32 $0x108;
	_ =	swait.ge @!p0 [sflag:s8], $0x0  }
0x24: {  	s3 =	sadd.s32 $0x88, s3;
	s6 =	simm.s32 @!p1 $0x1082;
	[sflag:s4] =	ssyncset.s32 $0xFFFFF086  }
0x25: {  	[simem:s6], [sflag:s4] =	dma.local [hbm:s3], $0xF7A  }
0x26: {  	[smem:$0x3F9D] =	sst s1;
	(tag) =	ssettag s2;
	_ =	strace s9  }
0x27: {  	s1 =	sld [smem:$0x3FAD]  }
0x28: {  	s2 =	sld [smem:$0x3FAE]  }
0x29: {  	s4 =	sld [smem:$0x3FB0]  }
0x2a: {  	p0 =	seq.s32 s5, $0x0;
	s5 =	sld [smem:$0x3FB1]  }
0x2b: {  	s6 =	sld [smem:$0x3FB2]  }
0x2c: {  	s7 =	sld [smem:$0x3FB3]  }
0x2d: {  	s3 =	simm.s32 $0x108;
	s8 =	sld [smem:$0x3FB4]  }
0x2e: {  	s3 =	simm.s32 @!p0 $0x1082;
	s9 =	sld [smem:$0x3FB5]  }
0x2f: {  	lr =	sadd.s32 s0, s3;
	s0 =	sld [smem:$0x3FAC]  }
0x30: {  	s3 =	sld [smem:$0x3FAF]  }
0x31: {  	[smem:$0x3FB8] =	sst s10  }
0x32: {  	s10 =	sld [smem:$0x3FB6];
	_ =	sdelay $0x3  }
0x33: {  	p0 =	seq.s32 s10, $0x1;
	s10 =	sld [smem:$0x3FB8];
	_ =	sdelay $0x3  }
0x34: {  	[smem:$0x3FB8] =	sst s10  }
0x35: {  	s10 =	sld [smem:$0x3FB7];
	_ =	sdelay $0x3  }
0x36: {  	p1 =	seq.s32 s10, $0x1;
	s10 =	sld [smem:$0x3FB8];
	_ =	sdelay $0x3  }
0x37: {  	[smem:$0x3FB8] =	sst s10  }
0x38: {  	s10 =	sld [smem:$0x3FB9]  }
0x39: {  	_ = 	snop;
	(pc) =	sbr.ind lr, $3  }
0x3a: {  	_ = 	snop  }
0x3b: {  	_ = 	snop  }
0x3c: {  	p2 =	seq.s32 s10, $0x1;
	s10 =	sld [smem:$0x3FB8]  }
0x3d: {  	_ =	shalt  }
0x3e: {  	_ =	shalt  }
0x3f: {  	_ =	shalt  }
0x40: {  	_ =	shalt  }
0x41: {  	_ =	shalt  }
0x42: {  	_ =	shalt  }
0x43: {  	_ =	shalt  }
0x44: {  	_ =	shalt  }
0x45: {  	_ =	shalt  }
0x46: {  	_ =	shalt  }
0x47: {  	_ =	shalt  }
0x48: {  	_ =	shalt  }
0x49: {  	_ =	shalt  }
0x4a: {  	_ =	shalt  }
0x4b: {  	_ =	shalt  }
0x4c: {  	_ =	shalt  }
0x4d: {  	_ =	shalt  }
0x4e: {  	_ =	shalt  }
0x4f: {  	_ =	shalt  }
0x50: {  	_ =	shalt  }
0x51: {  	_ =	shalt  }
0x52: {  	_ =	shalt  }
0x53: {  	_ =	shalt  }
0x54: {  	_ =	shalt  }
0x55: {  	_ =	shalt  }
0x56: {  	_ =	shalt  }
0x57: {  	_ =	shalt  }
0x58: {  	_ =	shalt  }
0x59: {  	_ =	shalt  }
0x5a: {  	_ =	shalt  }
0x5b: {  	_ =	shalt  }
0x5c: {  	_ =	shalt  }
0x5d: {  	_ =	shalt  }
0x5e: {  	_ =	shalt  }
0x5f: {  	_ =	shalt  }
0x60: {  	_ =	shalt  }
0x61: {  	_ =	shalt  }
0x62: {  	_ =	shalt  }
0x63: {  	_ =	shalt  }
0x64: {  	_ =	shalt  }
0x65: {  	_ =	shalt  }
0x66: {  	_ =	shalt  }
0x67: {  	_ =	shalt  }
0x68: {  	_ =	shalt  }
0x69: {  	_ =	shalt  }
0x6a: {  	_ =	shalt  }
0x6b: {  	_ =	shalt  }
0x6c: {  	_ =	shalt  }
0x6d: {  	_ =	shalt  }
0x6e: {  	_ =	shalt  }
0x6f: {  	_ =	shalt  }
0x70: {  	_ =	shalt  }
0x71: {  	_ =	shalt  }
0x72: {  	_ =	shalt  }
0x73: {  	_ =	shalt  }
0x74: {  	_ =	shalt  }
0x75: {  	_ =	shalt  }
0x76: {  	_ =	shalt  }
0x77: {  	_ =	shalt  }
0x78: {  	_ =	shalt  }
0x79: {  	_ =	shalt  }
0x7a: {  	_ =	shalt  }
0x7b: {  	_ =	shalt  }
0x7c: {  	_ =	shalt  }
0x7d: {  	_ =	shalt  }
0x7e: {  	_ =	shalt  }
0x7f: {  	_ =	shalt  }
0x80: {  	_ =	shalt  }
0x81: {  	_ =	shalt  }
0x82: {  	_ =	shalt  }
0x83: {  	_ =	shalt  }
0x84: {  	_ =	shalt  }
0x85: {  	_ =	shalt  }
0x86: {  	_ =	shalt  }
0x87: {  	_ =	shalt  }
.Lfunc_end0:
.L_simem_size_0:
called_computation.1_lowered:
.L_overlay_start_0:
0x88: {  	s2 =	sld [smem:$0x3FD9]  }
0x89: {  	s3 =	sld [smem:$0x3FFE];
	_ =	sdelay $0x1  }
0x8a: {  	s1 =	srdreg.scid  }
0x8b: {  	s0 =	sand.u32 $0x1, s1  }
0x8c: {  	s17 =	sshll.u32 s0, $0xA;
	s2 =	sadd.s32 s3, s2  }
0x8d: {  	s2 =	sadd.s32 s2, s17  }
0x8e: {  	[smem:$0x3FC4] =	sst s2  }
0x8f: {  	_ = 	snop  }
0x90: {  	s2 =	sld [smem:$0x3FC6]  }
0x91: {  	s18 =	sld [smem:$0x3FD0];
	(tm) =	ssettm $0x1  }
0x92: {  	s4 =	sld [smem:$0x3FFB];
	_ =	sdelay $0x3  }
0x93: {  	_ =	strace s4  }
0x94: {  	s4 =	sld [smem:$0x3FFC];
	_ =	sdelay $0x3  }
0x95: {  	_ =	strace s4  }
0x96: {  	s4 =	sld [smem:$0x3FFD];
	_ =	sdelay $0x3  }
0x97: {  	_ =	strace s4  }
0x98: {  	_ =	strace $0x8FFFFFFF  }
0x99: {  	s19 =	sld [smem:$0x3FDB];
	_ =	sdelay $0x1  }
0x9a: {  	s5 =	simm.s32 $_scs_section_size  }
0x9b: {  	s6 =	simm.s32 $_size__tile_overlayer_lowered;
	s7 =	simm.s32 $_tile_overlayer_lowered  }
0x9c: {  	s22 =	simm.s32 $0x1BFF;
	s21 =	sshll.u32 s7, $0x1;
	s4 =	sadd.s32 s5, s19  }
0x9d: {  	s8 =	simm.s32 $0x0;
	s20 =	sshll.u32 s6, $0x1;
	s6 =	sadd.s32 s21, s4  }
0x9e: {  	[timem:s8], [sflag:s22] =	dma.local [hbm:s6], s20  }
0x9f: {  	_ =	swait.ge [sflag:s22], s20  }
0xa0: {  	s5 =	ssub.s32 $0x0, s20;
	[sflag:s22] =	ssyncset.done $0x0  }
0xa1: {  	[sflag:s22] =	ssyncadd.s32 s5;
	_ =	sdelay $0x1  }
0xa2: {  	s23 =	simm.s32 $0x1B8B  }
0xa3: {  	_ =	swait.ge [sflag:s23], $0x1  }
0xa4: {  	[sflag:s23] =	ssyncset.done $0x0  }
0xa5: {  	s25 =	simm.s32 $0x1B8E;
	s24 =	sld [smem:$0x3FFE];
	[sflag:s23] =	ssyncadd.s32 $0xFFFFFFFF  }
0xa6: {  	s26 =	simm.s32 $execute0_lowered;
	[smem:$0x3FD2] =	sst s25  }
0xa7: {  	s6 =	sshll.u32 s26, $0x1;
	_ =	strace $0x80000049;
	[dreg:$0x1] =	wrdreg $0xFFFFFFFF  }
0xa8: {  	s28 =	simm.s32 $_size_execute0_lowered;
	s4 =	sadd.s32 s4, s6;
	[dreg:$0x0] =	wrdreg $0x0  }
0xa9: {  	s6 =	sshll.u32 s28, $0x1;
	[dreg:$0x2] =	wrdreg s4  }
0xaa: {  	[dreg:$0x3] =	wrdreg s6  }
0xab: {  	[dreg:$0x4] =	wrdreg $0xC0  }
0xac: {  	_ =	task [dreg:s8], $0x5FFFF  }
0xad: {  	[dreg:$0x1] =	wrdreg $0xFFFFFFFF  }
0xae: {  	[dreg:$0x0] =	wrdreg $0x60  }
0xaf: {  	[dreg:$0x2] =	wrdreg s18  }
0xb0: {  	[dreg:$0x3] =	wrdreg s24  }
0xb1: {  	[dreg:$0x4] =	wrdreg s2  }
0xb2: {  	[dreg:$0x5] =	wrdreg $0x146B00  }
0xb3: {  	[dreg:$0x6] =	wrdreg $0x9  }
0xb4: {  	_ =	task.clear_ibuf [dreg:s8], $0x7FFFF;
	_ =	strace $0x90000049  }
0xb5: {  	s29 =	simm.s32 $0x9;
	_ =	strace $0x8000004B  }
0xb6: {  	_ =	swait.ge [sflag:s29], $0x1  }
0xb7: {  	[sflag:s29] =	ssyncadd.s32 $0xFFFFFFFF  }
0xb8: {  	_ =	strace $0x9000004B  }
0xb9: {  	_ =	sfence  }
0xba: {  	s30 =	sld [smem:$0x0];
	_ =	sdelay $0x2  }
0xbb: {  	s31 =	sshll.u32 s1, $0xD;
	s1 =	sshrl.u32 s1, $0x2  }
0xbc: {  	s3 =	sand.u32 $0x4000, s31;
	s1 =	sadd.s32 s1, s30  }
0xbd: {  	s0 =	sor.u32 s3, s0;
	s1 =	sshll.u32 s1, $0x11  }
0xbe: {  	s0 =	sor.u32 s1, s0  }
0xbf: {  	s0 =	sadd.s32 $0x8F2B, s0  }
0xc0: {  	[sflag:s0] =	ssyncadd.remote.s32 $0x1  }
0xc1: {  	_ =	sfence.sel $0xFFFF  }
0xc2: {  	[dreg:$0x0] =	wrdreg $0xFFFFFFFF;
	(pc) =	sbr.abs _section_cstart, $3  }
0xc3: {  	[dreg:$0x1] =	wrdreg $0xFFFFFFFF  }
0xc4: {  	_ =	task.clear_ibuf [dreg:s8], $0x2FFFF;
	_ =	strace $0x9FFFFFFF  }
0xc5: {  	(tm) =	ssettm $0x7FFFFFFF  }
tec
execute0_lowered:
.L_overlay_start_1:
0x0: {  	(tag) =	ssettag $0x1  }
0x1: {  	s2 =	rddreg [dreg:$0x0]  }
0x2: {  	s0 =	rddreg [dreg:$0x1]  }
0x3: {  	s1 =	rddreg [dreg:$0x2]  }
0x4: {  	s3 =	rddreg [dreg:$0x3];
	s13 =	stileid.u32;
	s4 =	simm.s32 $0x0  }
0x5: {  	s7 =	srdreg.scid;
	s28 =	simm.s32 $0xB040;
	s30 =	simm.s32 $0xC440  }
0x6: {  	s29 =	simm.s32 $0x4;
	s31 =	simm.s32 $0x5;
	s5 =	smul.u32 $0x9C4, s13  }
0x7: {  	[smem:$0x7FF] =	sst s4;
	s6 =	smul.u32 $0x290, s13;
	s8 =	sand.u32 $0x1, s7  }
0x8: {  	s17 =	sadd.s32 $0x15800, s0;
	s12 =	smul.u32 $0x27100, s13;
	s7 =	sadd.s32 $0x16C00, s0  }
0x9: {  	s15 =	sadd.s32 $0x13880, s2;
	s25 =	sshll.u32 s13, $0x6;
	_ =	strace $0x8000004A  }
0xa: {  	[dreg:$0x5] =	wrdreg s17;
	s10 =	ssub.s32 $0x2, s8;
	s20 =	sshll.u32 s8, $0x3  }
0xb: {  	p0 =	seq.s32 s8, $0x1;
	s17 =	simm.s32 $0x6;
	s5 =	sadd.s32 s5, s0  }
0xc: {  	s6 =	sshrl.u32 s6, $0x3;
	s11 =	sshrl.u32 s10, $0x1;
	s21 =	sshrl.u32 s12, $0x2  }
0xd: {  	s1 =	sadd.s32 s1, s20;
	s20 =	sor.u32 $0x143E0, s13;
	s9 =	sadd.s32 s6, s0  }
0xe: {  	s6 =	sadd.s32 $0x2A600, s0;
	s18 =	ssub.s32 s10, s11;
	s19 =	sadd.s32 $0xAE00, s5  }
0xf: {  	s5 =	sadd.s32 $0x1000, s5;
	[dreg:$0x8] =	wrdreg s1;
	s11 =	smul.u32 $0x271, s13  }
0x10: {  	s22 =	sadd.s32 s21, s3;
	s1 =	simm.s32 $0x10040;
	[dreg:$0x6] =	wrdreg s19  }
0x11: {  	[dreg:$0x7] =	wrdreg s5;
	s23 =	sadd.s32 $0x14C00, s9;
	s24 =	sadd.s32 $0x15120, s9  }
0x12: {  	s0 =	smax.u32 s18, $0x1;
	s26 =	sshrl.u32 s22, $0x3;
	[dreg:$0x9] =	wrdreg s23  }
.Ltmp0:
0x13: {  	s18 =	simm.s32 $0xEC40;
	[dreg:$0xa] =	wrdreg s24;
	(pc) =	sbr.rel .LBB2_1-.Ltmp0, $4  }
0x14: {  	s19 =	simm.s32 $0x1;
	s22 =	simm.s32 $0x2;
	[dreg:$0xb] =	wrdreg s0  }
0x15: {  	s5 =	simm.s32 $0x0;
	s0 =	sor.u32 $0x1C06, s25;
	[dreg:$0xd] =	wrdreg s26  }
0x16: {  	s24 =	simm.s32 $0x11F80;
	s25 =	simm.s32 $0x50;
	s26 =	simm.s32 $0x9C40  }
0x17: {  	s23 =	simm.s32 $0x3;
	[dreg:$0xc] =	wrdreg s0;
	s0 =	simm.s32 $0xD840  }
.LBB2_24:
0x18: {  	s5 =	sadd.s32 $0x1, s5;
	s8 =	rddreg [dreg:$0xb]  }
0x19: {  	p1 =	sne.s32 s5, s8  }
.Ltmp1:
0x1a: {  	_ = 	snop;
	(pc) =	sbr.rel @!p1 .LBB2_25-.Ltmp1, $1  }
0x1b: {  	_ =	sdelay $0x3  }
.LBB2_1:
0x1c: {  	s8 =	rddreg [dreg:$0x6]  }
0x1d: {  	[tilespmem:s4], [sflag:$0x6] =	stream.linear.gather [hbm4b:s8+s4], $0x4E20, $0x38;
	[tilespmem:$0x1E2F0] =	vst v63  }
0x1e: {  	_ =	swait.ge [sflag:s17], $0x4E20  }
0x1f: {  	[sflag:s17] =	ssyncset.done $0x0  }
0x20: {  	s9 =	simm.s32 $0x4E20;
	s14 =	rddreg [dreg:$0x7];
	[sflag:s17] =	ssyncadd.s32 $0xFFFFB1E0  }
0x21: {  	[tilespmem:s9], [sflag:$0x6] =	stream.linear.gather [hbm4b:s14+s4], $0x4E20, $0x38;
	[tilespmem:$0x1E2F0] =	vst v63  }
0x22: {  	_ =	swait.ge [sflag:s17], $0x4E20  }
0x23: {  	[sflag:s17] =	ssyncset.done $0x0  }
0x24: {  	s21 =	simm.s32 $0x14670;
	s16 =	rddreg [dreg:$0x8];
	[sflag:s17] =	ssyncadd.s32 $0xFFFFB1E0  }
0x25: {  	[tilespmem:s21], [sflag:$0x6] =	stream.linear.gather [hbm4b:s16+s4], $0x40, $0x38;
	[tilespmem:$0x1E2F0] =	vst v63  }
0x26: {  	_ =	swait.ge [sflag:s17], $0x40  }
0x27: {  	s9 =	rddreg [dreg:$0x5]  }
0x28: {  	[sflag:s17] =	ssyncset.done $0x0;
	s12 =	rddreg [dreg:$0xc]  }
0x29: {  	s10 =	rddreg [dreg:$0xd];
	[sflag:s17] =	ssyncadd.s32 $0xFFFFFFC0  }
0x2a: {  	[spmem:s10], [sflag:s12] =	dma.local [hbm:s9], $0x1388  }
0x2b: {  	_ =	swait.ge [sflag:s17], $0x1388  }
0x2c: {  	[sflag:s17] =	ssyncset.done $0x0  }
0x2d: {  	s14 =	simm.s32 $0x13EC0;
	s13 =	rddreg [dreg:$0x9];
	[sflag:s17] =	ssyncadd.s32 $0xFFFFEC78  }
0x2e: {  	[tilespmem:s14], [sflag:$0x6] =	stream.linear.gather [hbm4b:s13+s4], $0x290, $0x38;
	[tilespmem:$0x1E2F0] =	vst v63  }
0x2f: {  	_ =	swait.ge [sflag:s17], $0x290  }
0x30: {  	[sflag:s17] =	ssyncset.done $0x0  }
0x31: {  	s21 =	simm.s32 $0x14150;
	s16 =	rddreg [dreg:$0xa];
	[sflag:s17] =	ssyncadd.s32 $0xFFFFFD70  }
0x32: {  	[tilespmem:s21], [sflag:$0x6] =	stream.linear.gather [hbm4b:s16+s4], $0x290, $0x38;
	[tilespmem:$0x1E2F0] =	vst v63  }
0x33: {  	_ =	swait.ge [sflag:s17], $0x290  }
0x34: {  	[sflag:s17] =	ssyncset.done $0x0  }
0x35: {  	s8 =	simm.s32 $0x0;
	[sflag:s17] =	ssyncadd.s32 $0xFFFFFD70  }
0x36: {  	v0 =	vld [tilespmem:s8+$0x13EC0]  }
0x37: {  	s9 =	simm.s32 $0x40;
	v1 =	vld [tilespmem:s8+$0x14150]  }
.LBB2_2:
0x38: {  	_ = 	snop  }
0x39: {  	p1 =	sne.s32 s9, $0xA00  }
.Ltmp2:
0x3a: {  	_ = 	snop;
	(pc) =	sbr.rel @p1 .LBB2_2-.Ltmp2, $4  }
0x3b: {  	_ = 	snop  }
0x3c: {  	s10 =	sshra.s32 s9, $0x2;
	v2 =	vadd.f32 v1, v0  }
0x3d: {  	v0 =	vld [tilespmem:s10+$0x13EC0]  }
0x3e: {  	s9 =	sadd.s32 $0x40, s9;
	v1 =	vld [tilespmem:s10+$0x14150];
	[tilespmem:s8+$0x143E0] =	vst v2;
	s8 =	smov.u32 s10  }
0x3f: {  	_ =	sdelay $0x3  }
0x40: {  	v0 =	vadd.f32 v1, v0;
	_ =	sdelay $0x1  }
0x41: {  	s10 =	simm.s32 $0x40;
	[tilespmem:s8+$0x143E0] =	vst v0;
	s8 =	simm.s32 $0x0  }
.LBB2_4:
0x42: {  	p1 =	sne.s32 s10, $0xA00;
	v0 =	vld [tilespmem:s8+$0x143E0];
	_ =	sdelay $0x4  }
0x43: {  	v0 =	vadd.f32 $1.000000000e+00, v0;
	_ =	sdelay $0x1  }
0x44: {  	v1 =	vshra.s32 v0, $0x1;
	v0 =	vmul.f32 $5.000000000e-01, v0  }
0x45: {  	v1 =	vsub.s32 $0x5F3759DF, v1  }
0x46: {  	v2 =	vmul.f32 v1, v0;
	_ =	sdelay $0x1  }
0x47: {  	v2 =	vmul.f32 v1, v2;
	_ =	sdelay $0x1  }
0x48: {  	v2 =	vsub.f32 $1.500000000e+00, v2;
	_ =	sdelay $0x1  }
0x49: {  	v1 =	vmul.f32 v1, v2;
	_ =	sdelay $0x1  }
0x4a: {  	v2 =	vmul.f32 v1, v0;
	_ =	sdelay $0x1  }
0x4b: {  	v2 =	vmul.f32 v2, v1;
	_ =	sdelay $0x1  }
0x4c: {  	v2 =	vsub.f32 $1.500000000e+00, v2;
	_ =	sdelay $0x1  }
0x4d: {  	v1 =	vmul.f32 v2, v1;
	_ =	sdelay $0x1  }
0x4e: {  	v0 =	vmul.f32 v1, v0;
	_ =	sdelay $0x1  }
0x4f: {  	v0 =	vmul.f32 v0, v1;
	_ =	sdelay $0x1  }
.Ltmp3:
0x50: {  	v0 =	vsub.f32 $1.500000000e+00, v0;
	(pc) =	sbr.rel @p1 .LBB2_4-.Ltmp3, $3  }
0x51: {  	_ = 	snop  }
0x52: {  	v0 =	vmul.f32 v0, v1;
	_ =	sdelay $0x1  }
0x53: {  	[tilespmem:s8+$0x143E0] =	vst v0;
	s8 =	sshra.s32 s10, $0x2;
	s10 =	sadd.s32 $0x40, s10  }
0x54: {  	v0 =	vld [tilespmem:s8+$0x143E0];
	_ =	sdelay $0x4  }
0x55: {  	v0 =	vadd.f32 $1.000000000e+00, v0;
	_ =	sdelay $0x1  }
0x56: {  	v1 =	vshra.s32 v0, $0x1;
	v0 =	vmul.f32 $5.000000000e-01, v0  }
0x57: {  	v1 =	vsub.s32 $0x5F3759DF, v1  }
0x58: {  	v2 =	vmul.f32 v1, v0;
	_ =	sdelay $0x1  }
0x59: {  	v2 =	vmul.f32 v1, v2;
	_ =	sdelay $0x1  }
0x5a: {  	v2 =	vsub.f32 $1.500000000e+00, v2;
	_ =	sdelay $0x1  }
0x5b: {  	v1 =	vmul.f32 v1, v2;
	_ =	sdelay $0x1  }
0x5c: {  	v2 =	vmul.f32 v1, v0;
	_ =	sdelay $0x1  }
0x5d: {  	v2 =	vmul.f32 v2, v1;
	_ =	sdelay $0x1  }
0x5e: {  	v2 =	vsub.f32 $1.500000000e+00, v2;
	_ =	sdelay $0x1  }
0x5f: {  	v1 =	vmul.f32 v2, v1;
	_ =	sdelay $0x1  }
0x60: {  	v0 =	vmul.f32 v1, v0;
	_ =	sdelay $0x1  }
0x61: {  	v0 =	vmul.f32 v0, v1;
	_ =	sdelay $0x1  }
0x62: {  	v0 =	vsub.f32 $1.500000000e+00, v0;
	_ =	sdelay $0x1  }
0x63: {  	v0 =	vmul.f32 v0, v1;
	_ =	sdelay $0x1  }
.Ltmp4:
0x64: {  	[tilespmem:s8+$0x143E0] =	vst v0;
	(pc) =	sbr.rel @!p0 .LBB2_6-.Ltmp4, $4  }
0x65: {  	v0 =	vld [tilespmem:$0x14670]  }
0x66: {  	v1 =	vld [tilespmem:$0x14680]  }
0x67: {  	s10 =	smov.u32 s20;
	s12 =	simm.s32 $0x0;
	v2 =	vld [tilespmem:$0x14690]  }
0x68: {  	s14 =	smov.u32 s20;
	s13 =	simm.s32 $0x0;
	s8 =	simm.s32 $0x0;
	v3 =	vld [tilespmem:$0x146A0]  }
.LBB2_15:
0x69: {  	s9 =	smul.u32 $0x7D, s13;
	_ =	sdelay $0x1  }
0x6a: {  	s9 =	sadd.s32 s11, s9  }
0x6b: {  	s10 =	sshll.u32 s9, $0x3  }
0x6c: {  	s9 =	sadd.s32 s10, s15  }
0x6d: {  	[tilespmem:s24], [sflag:$0x6] =	stream.linear.gather [hbm4b:s9+s8], $0x1F40, $0x38;
	[tilespmem:$0x1E2F0] =	vst v63  }
0x6e: {  	_ =	swait.ge [sflag:s17], $0x1F40  }
0x6f: {  	[sflag:s17] =	ssyncset.done $0x0  }
0x70: {  	s12 =	simm.s32 $0x11FA0;
	[sflag:s17] =	ssyncadd.s32 $0xFFFFE0C0  }
0x71: {  	v4 =	vld [tilespmem:s12+$0xFFFFFFF0]  }
0x72: {  	s21 =	sadd.s32 $0x0, s14;
	v6 =	vld [tilespmem:s12+$0x10]  }
0x73: {  	v8 =	vld.msk [tilespmem:s21+$0x0 ss:$0x0], $0xffff  }
0x74: {  	v5 =	vld [tilespmem:s12+$0xFFFFFFE0]  }
0x75: {  	v9 =	vld [tilespmem:s12+$0x0];
	_ =	sdelay $0x3  }
0x76: {  	v5 =	vmul.f32 v8, v5;
	v7 =	vmul.f32 v6, v8  }
0x77: {  	s16 =	simm.s32 $0x11FA0;
	s9 =	simm.s32 $0x4;
	v6 =	vmul.f32 v4, v8;
	v4 =	vmul.f32 v9, v8  }
.LBB2_16:
0x78: {  	p1 =	sne.s32 s9, $0x1F0  }
0x79: {  	[tilespmem:s12+$0x10] =	vst v7;
	s16 =	sadd.s32 $0x40, s16;
	s21 =	smov.u32 s9;
	s9 =	sadd.s32 $0x4, s9  }
0x7a: {  	[tilespmem:s12+$0xFFFFFFE0] =	vst v5  }
0x7b: {  	s21 =	sshra.s32 s21, $0x2;
	v8 =	vld [tilespmem:s16+$0xFFFFFFF0];
	[tilespmem:s12+$0xFFFFFFF0] =	vst v6  }
0x7c: {  	s21 =	sadd.s32 s21, s14;
	v6 =	vld [tilespmem:s16+$0x10];
	[tilespmem:s12+$0x0] =	vst v4;
	s12 =	smov.u32 s16  }
0x7d: {  	v4 =	vld.msk [tilespmem:s21+$0x0 ss:$0x0], $0xffff  }
0x7e: {  	v5 =	vld [tilespmem:s16+$0xFFFFFFE0]  }
0x7f: {  	v9 =	vld [tilespmem:s16+$0x0]  }
.Ltmp5:
0x80: {  	(pc) =	sbr.rel @p1 .LBB2_16-.Ltmp5, $3  }
0x81: {  	_ =	sdelay $0x1  }
0x82: {  	v7 =	vmul.f32 v6, v4;
	v5 =	vmul.f32 v4, v5  }
0x83: {  	v6 =	vmul.f32 v8, v4;
	v4 =	vmul.f32 v9, v4  }
0x84: {  	[tilespmem:s12+$0x10] =	vst v7  }
0x85: {  	[tilespmem:s12+$0xFFFFFFE0] =	vst v5;
	s13 =	sadd.s32 $0x1, s13  }
0x86: {  	[tilespmem:s12+$0xFFFFFFF0] =	vst v6;
	p1 =	sne.s32 s13, $0x5  }
.Ltmp6:
0x87: {  	s9 =	sadd.s32 s7, s10;
	[tilespmem:s12+$0x0] =	vst v4;
	(pc) =	sbr.rel @p1 .LBB2_15-.Ltmp6, $4  }
0x88: {  	[hbm4b:s9+s4] =	stream.linear.scatter [tilespmem:s24], [sflag:$0x6], $0x1F40, $0x38;
	[tilespmem:$0x1E2F0] =	vst v63  }
0x89: {  	_ =	swait.ge [sflag:s17], $0x1F40  }
0x8a: {  	[sflag:s17] =	ssyncset.done $0x0  }
0x8b: {  	s14 =	sadd.s32 $0x7D, s14;
	[sflag:s17] =	ssyncadd.s32 $0xFFFFE0C0  }
0x8c: {  	[bflag:$0x0] =	sbarrier.arrive $0xFFFF;
	s8 =	simm.s32 $0x0  }
0x8d: {  	[tilespmem:s26], [sflag:$0x1] =	stream.indirect.gather [hbm4b:s7+s25], $0x40, s8, s25, $0xb8;
	[tilespmem:$0x1E2F0] =	vst v63  }
0x8e: {  	_ = 	snop  }
0x8f: {  	[tilespmem:s28], [sflag:$0x2] =	stream.indirect.gather [hbm4b:s7+s25], $0x40, s25, s25, $0xb8;
	[tilespmem:$0x1E2F0] =	vst v63  }
0x90: {  	s12 =	simm.s32 $0xA0  }
0x91: {  	[tilespmem:s30], [sflag:$0x3] =	stream.indirect.gather [hbm4b:s7+s25], $0x40, s12, s25, $0xb8;
	[tilespmem:$0x1E2F0] =	vst v63  }
0x92: {  	s13 =	simm.s32 $0xF0  }
0x93: {  	[tilespmem:s0], [sflag:$0x4] =	stream.indirect.gather [hbm4b:s7+s25], $0x40, s13, s25, $0xb8;
	[tilespmem:$0x1E2F0] =	vst v63  }
0x94: {  	s14 =	simm.s32 $0x140  }
0x95: {  	[tilespmem:s18], [sflag:$0x5] =	stream.indirect.gather [hbm4b:s7+s25], $0x40, s14, s25, $0xb8;
	[tilespmem:$0x1E2F0] =	vst v63  }
0x96: {  	_ =	swait.ge [sflag:s19], $0x1400  }
0x97: {  	[sflag:s19] =	ssyncset.done $0x0  }
0x98: {  	s16 =	simm.s32 $0x4E20;
	[sflag:s19] =	ssyncadd.s32 $0xFFFFEC00  }
0x99: {  	[spmem:s3] =	stream.indirect.scatter.add.f32 [tilespmem:s26], [sflag:$0x6], $0x40, s16, s25, $0xb8;
	[tilespmem:$0x1E2F0] =	vst v63  }
0x9a: {  	_ =	swait.ge [sflag:s17], $0x1400  }
0x9b: {  	[sflag:s17] =	ssyncset.done $0x0  }
0x9c: {  	s21 =	simm.s32 $0x190;
	[sflag:s17] =	ssyncadd.s32 $0xFFFFEC00  }
0x9d: {  	[tilespmem:s26], [sflag:$0x1] =	stream.indirect.gather [hbm4b:s7+s25], $0x40, s21, s25, $0xb8;
	[tilespmem:$0x1E2F0] =	vst v63  }
0x9e: {  	_ =	swait.ge [sflag:s22], $0x1400  }
0x9f: {  	[sflag:s22] =	ssyncset.done $0x0  }
0xa0: {  	s9 =	simm.s32 $0x4E70;
	[sflag:s22] =	ssyncadd.s32 $0xFFFFEC00  }
0xa1: {  	[spmem:s3] =	stream.indirect.scatter.add.f32 [tilespmem:s28], [sflag:$0x6], $0x40, s9, s25, $0xb8;
	[tilespmem:$0x1E2F0] =	vst v63  }
0xa2: {  	_ =	swait.ge [sflag:s17], $0x1400  }
0xa3: {  	[sflag:s17] =	ssyncset.done $0x0  }
0xa4: {  	s10 =	simm.s32 $0x1E0;
	[sflag:s17] =	ssyncadd.s32 $0xFFFFEC00  }
0xa5: {  	[tilespmem:s28], [sflag:$0x2] =	stream.indirect.gather [hbm4b:s7+s25], $0x40, s10, s25, $0xb8;
	[tilespmem:$0x1E2F0] =	vst v63  }
0xa6: {  	_ =	swait.ge [sflag:s23], $0x1400  }
0xa7: {  	[sflag:s23] =	ssyncset.done $0x0  }
0xa8: {  	s12 =	simm.s32 $0x4EC0;
	[sflag:s23] =	ssyncadd.s32 $0xFFFFEC00  }
0xa9: {  	[spmem:s3] =	stream.indirect.scatter.add.f32 [tilespmem:s30], [sflag:$0x6], $0x40, s12, s25, $0xb8;
	[tilespmem:$0x1E2F0] =	vst v63  }
0xaa: {  	_ =	swait.ge [sflag:s17], $0x1400  }
0xab: {  	[sflag:s17] =	ssyncset.done $0x0  }
0xac: {  	s13 =	simm.s32 $0x230;
	[sflag:s17] =	ssyncadd.s32 $0xFFFFEC00  }
0xad: {  	[tilespmem:s30], [sflag:$0x3] =	stream.indirect.gather [hbm4b:s7+s25], $0x40, s13, s25, $0xb8;
	[tilespmem:$0x1E2F0] =	vst v63  }
0xae: {  	_ =	swait.ge [sflag:s29], $0x1400  }
0xaf: {  	[sflag:s29] =	ssyncset.done $0x0  }
0xb0: {  	s14 =	simm.s32 $0x4F10;
	[sflag:s29] =	ssyncadd.s32 $0xFFFFEC00  }
0xb1: {  	[spmem:s3] =	stream.indirect.scatter.add.f32 [tilespmem:s0], [sflag:$0x6], $0x40, s14, s25, $0xb8;
	[tilespmem:$0x1E2F0] =	vst v63  }
0xb2: {  	_ =	swait.ge [sflag:s17], $0x1400  }
0xb3: {  	[sflag:s17] =	ssyncset.done $0x0  }
0xb4: {  	s16 =	simm.s32 $0x280;
	[sflag:s17] =	ssyncadd.s32 $0xFFFFEC00  }
0xb5: {  	[tilespmem:s0], [sflag:$0x4] =	stream.indirect.gather [hbm4b:s7+s25], $0x40, s16, s25, $0xb8;
	[tilespmem:$0x1E2F0] =	vst v63  }
0xb6: {  	_ =	swait.ge [sflag:s31], $0x1400  }
0xb7: {  	[sflag:s31] =	ssyncset.done $0x0  }
0xb8: {  	s21 =	simm.s32 $0x4F60;
	[sflag:s31] =	ssyncadd.s32 $0xFFFFEC00  }
0xb9: {  	[spmem:s3] =	stream.indirect.scatter.add.f32 [tilespmem:s18], [sflag:$0x6], $0x40, s21, s25, $0xb8;
	[tilespmem:$0x1E2F0] =	vst v63  }
0xba: {  	_ =	swait.ge [sflag:s17], $0x1400  }
0xbb: {  	[sflag:s17] =	ssyncset.done $0x0  }
0xbc: {  	s8 =	simm.s32 $0x640;
	s9 =	simm.s32 $0x2D0;
	[sflag:s17] =	ssyncadd.s32 $0xFFFFEC00  }
.LBB2_19:
0xbd: {  	[tilespmem:s18], [sflag:$0x5] =	stream.indirect.gather [hbm4b:s7+s25], $0x40, s9, s25, $0xb8;
	[tilespmem:$0x1E2F0] =	vst v63  }
0xbe: {  	s9 =	smov.u32 s8  }
0xbf: {  	p1 =	sne.s32 s8, $0x12C00;
	s8 =	sadd.s32 $0x640, s8;
	_ =	swait.ge [sflag:s19], $0x1400  }
0xc0: {  	s10 =	sshra.s32 s9, $0x2;
	[sflag:s19] =	ssyncset.done $0x0  }
0xc1: {  	s9 =	sadd.s32 $0x4E20, s10;
	[sflag:s19] =	ssyncadd.s32 $0xFFFFEC00  }
0xc2: {  	[spmem:s3] =	stream.indirect.scatter.add.f32 [tilespmem:s26], [sflag:$0x6], $0x40, s9, s25, $0xb8;
	[tilespmem:$0x1E2F0] =	vst v63  }
0xc3: {  	_ =	swait.ge [sflag:s17], $0x1400  }
0xc4: {  	[sflag:s17] =	ssyncset.done $0x0  }
0xc5: {  	s9 =	sadd.s32 $0x190, s10;
	[sflag:s17] =	ssyncadd.s32 $0xFFFFEC00  }
0xc6: {  	[tilespmem:s26], [sflag:$0x1] =	stream.indirect.gather [hbm4b:s7+s25], $0x40, s9, s25, $0xb8;
	[tilespmem:$0x1E2F0] =	vst v63  }
0xc7: {  	_ =	swait.ge [sflag:s22], $0x1400  }
0xc8: {  	[sflag:s22] =	ssyncset.done $0x0  }
0xc9: {  	s9 =	sadd.s32 $0x4E70, s10;
	[sflag:s22] =	ssyncadd.s32 $0xFFFFEC00  }
0xca: {  	[spmem:s3] =	stream.indirect.scatter.add.f32 [tilespmem:s28], [sflag:$0x6], $0x40, s9, s25, $0xb8;
	[tilespmem:$0x1E2F0] =	vst v63  }
0xcb: {  	_ =	swait.ge [sflag:s17], $0x1400  }
0xcc: {  	[sflag:s17] =	ssyncset.done $0x0  }
0xcd: {  	s9 =	sadd.s32 $0x1E0, s10;
	[sflag:s17] =	ssyncadd.s32 $0xFFFFEC00  }
0xce: {  	[tilespmem:s28], [sflag:$0x2] =	stream.indirect.gather [hbm4b:s7+s25], $0x40, s9, s25, $0xb8;
	[tilespmem:$0x1E2F0] =	vst v63  }
0xcf: {  	_ =	swait.ge [sflag:s23], $0x1400  }
0xd0: {  	[sflag:s23] =	ssyncset.done $0x0  }
0xd1: {  	s9 =	sadd.s32 $0x4EC0, s10;
	[sflag:s23] =	ssyncadd.s32 $0xFFFFEC00  }
0xd2: {  	[spmem:s3] =	stream.indirect.scatter.add.f32 [tilespmem:s30], [sflag:$0x6], $0x40, s9, s25, $0xb8;
	[tilespmem:$0x1E2F0] =	vst v63  }
0xd3: {  	_ =	swait.ge [sflag:s17], $0x1400  }
0xd4: {  	[sflag:s17] =	ssyncset.done $0x0  }
0xd5: {  	s9 =	sadd.s32 $0x230, s10;
	[sflag:s17] =	ssyncadd.s32 $0xFFFFEC00  }
0xd6: {  	[tilespmem:s30], [sflag:$0x3] =	stream.indirect.gather [hbm4b:s7+s25], $0x40, s9, s25, $0xb8;
	[tilespmem:$0x1E2F0] =	vst v63  }
0xd7: {  	_ =	swait.ge [sflag:s29], $0x1400  }
0xd8: {  	[sflag:s29] =	ssyncset.done $0x0  }
0xd9: {  	s9 =	sadd.s32 $0x4F10, s10;
	[sflag:s29] =	ssyncadd.s32 $0xFFFFEC00  }
0xda: {  	[spmem:s3] =	stream.indirect.scatter.add.f32 [tilespmem:s0], [sflag:$0x6], $0x40, s9, s25, $0xb8;
	[tilespmem:$0x1E2F0] =	vst v63  }
0xdb: {  	_ =	swait.ge [sflag:s17], $0x1400  }
0xdc: {  	[sflag:s17] =	ssyncset.done $0x0  }
0xdd: {  	s9 =	sadd.s32 $0x280, s10;
	[sflag:s17] =	ssyncadd.s32 $0xFFFFEC00  }
0xde: {  	[tilespmem:s0], [sflag:$0x4] =	stream.indirect.gather [hbm4b:s7+s25], $0x40, s9, s25, $0xb8;
	[tilespmem:$0x1E2F0] =	vst v63  }
0xdf: {  	_ =	swait.ge [sflag:s31], $0x1400  }
0xe0: {  	[sflag:s31] =	ssyncset.done $0x0  }
.Ltmp7:
0xe1: {  	s9 =	sadd.s32 $0x4F60, s10;
	[sflag:s31] =	ssyncadd.s32 $0xFFFFEC00;
	(pc) =	sbr.rel @p1 .LBB2_19-.Ltmp7, $4  }
0xe2: {  	[spmem:s3] =	stream.indirect.scatter.add.f32 [tilespmem:s18], [sflag:$0x6], $0x40, s9, s25, $0xb8;
	[tilespmem:$0x1E2F0] =	vst v63  }
0xe3: {  	_ =	swait.ge [sflag:s17], $0x1400  }
0xe4: {  	[sflag:s17] =	ssyncset.done $0x0  }
0xe5: {  	s9 =	sadd.s32 $0x2D0, s10;
	[sflag:s17] =	ssyncadd.s32 $0xFFFFEC00  }
0xe6: {  	[tilespmem:s18], [sflag:$0x5] =	stream.indirect.gather [hbm4b:s7+s25], $0x40, s9, s25, $0xb8;
	[tilespmem:$0x1E2F0] =	vst v63  }
0xe7: {  	_ =	swait.ge [sflag:s19], $0x1400  }
0xe8: {  	[sflag:s19] =	ssyncset.done $0x0  }
0xe9: {  	s8 =	simm.s32 $0x9AB0;
	[sflag:s19] =	ssyncadd.s32 $0xFFFFEC00  }
0xea: {  	[spmem:s3] =	stream.indirect.scatter.add.f32 [tilespmem:s26], [sflag:$0x6], $0x40, s8, s25, $0xb8;
	[tilespmem:$0x1E2F0] =	vst v63  }
0xeb: {  	_ =	swait.ge [sflag:s17], $0x1400  }
0xec: {  	[sflag:s17] =	ssyncset.done $0x0  }
0xed: {  	[sflag:s17] =	ssyncadd.s32 $0xFFFFEC00  }
0xee: {  	_ =	swait.ge [sflag:s22], $0x1400  }
0xef: {  	[sflag:s22] =	ssyncset.done $0x0  }
0xf0: {  	s13 =	simm.s32 $0x9B00;
	[sflag:s22] =	ssyncadd.s32 $0xFFFFEC00  }
0xf1: {  	[spmem:s3] =	stream.indirect.scatter.add.f32 [tilespmem:s28], [sflag:$0x6], $0x40, s13, s25, $0xb8;
	[tilespmem:$0x1E2F0] =	vst v63  }
0xf2: {  	_ =	swait.ge [sflag:s17], $0x1400  }
0xf3: {  	[sflag:s17] =	ssyncset.done $0x0  }
0xf4: {  	[sflag:s17] =	ssyncadd.s32 $0xFFFFEC00  }
0xf5: {  	_ =	swait.ge [sflag:s23], $0x1400  }
0xf6: {  	[sflag:s23] =	ssyncset.done $0x0  }
0xf7: {  	s14 =	simm.s32 $0x9B50;
	[sflag:s23] =	ssyncadd.s32 $0xFFFFEC00  }
0xf8: {  	[spmem:s3] =	stream.indirect.scatter.add.f32 [tilespmem:s30], [sflag:$0x6], $0x40, s14, s25, $0xb8;
	[tilespmem:$0x1E2F0] =	vst v63  }
0xf9: {  	_ =	swait.ge [sflag:s17], $0x1400  }
0xfa: {  	[sflag:s17] =	ssyncset.done $0x0  }
0xfb: {  	[sflag:s17] =	ssyncadd.s32 $0xFFFFEC00  }
0xfc: {  	_ =	swait.ge [sflag:s29], $0x1400  }
0xfd: {  	[sflag:s29] =	ssyncset.done $0x0  }
0xfe: {  	s16 =	simm.s32 $0x9BA0;
	[sflag:s29] =	ssyncadd.s32 $0xFFFFEC00  }
0xff: {  	[spmem:s3] =	stream.indirect.scatter.add.f32 [tilespmem:s0], [sflag:$0x6], $0x40, s16, s25, $0xb8;
	[tilespmem:$0x1E2F0] =	vst v63  }
0x100: {  	_ =	swait.ge [sflag:s17], $0x1400  }
0x101: {  	[sflag:s17] =	ssyncset.done $0x0  }
0x102: {  	[sflag:s17] =	ssyncadd.s32 $0xFFFFEC00  }
0x103: {  	_ =	swait.ge [sflag:s31], $0x1400  }
0x104: {  	[sflag:s31] =	ssyncset.done $0x0  }
0x105: {  	s21 =	simm.s32 $0x9BF0;
	[sflag:s31] =	ssyncadd.s32 $0xFFFFEC00  }
0x106: {  	[spmem:s3] =	stream.indirect.scatter.add.f32 [tilespmem:s18], [sflag:$0x6], $0x40, s21, s25, $0xb8;
	[tilespmem:$0x1E2F0] =	vst v63  }
0x107: {  	_ =	swait.ge [sflag:s17], $0x1400  }
0x108: {  	[sflag:s17] =	ssyncset.done $0x0  }
0x109: {  	s10 =	simm.s32 $0x0;
	[sflag:s17] =	ssyncadd.s32 $0xFFFFEC00  }
0x10a: {  	s8 =	simm.s32 $0x0;
	s14 =	smov.u32 s20;
	[bflag:$0x0] =	sbarrier.arrive $0xFFFF  }
.LBB2_21:
0x10b: {  	s9 =	smul.u32 $0x7D, s10;
	_ =	sdelay $0x1  }
0x10c: {  	s9 =	sadd.s32 s11, s9  }
0x10d: {  	s12 =	sshll.u32 s9, $0x6  }
0x10e: {  	s12 =	sand.u32 $0x3FFFFFC0, s12  }
0x10f: {  	s12 =	sadd.s32 s12, s3  }
0x110: {  	[tilespmem:s1], [sflag:$0x6] =	stream.linear.gather [spmem:s12], $0x1F40, $0x38;
	[tilespmem:$0x1E2F0] =	vst v63  }
0x111: {  	_ =	swait.ge [sflag:s17], $0x1F40  }
0x112: {  	s9 =	sshll.u32 s9, $0x3;
	[sflag:s17] =	ssyncset.done $0x0  }
0x113: {  	s12 =	sadd.s32 s7, s9;
	[sflag:s17] =	ssyncadd.s32 $0xFFFFE0C0  }
0x114: {  	[tilespmem:s24], [sflag:$0x6] =	stream.linear.gather [hbm4b:s12+s8], $0x1F40, $0x38;
	[tilespmem:$0x1E2F0] =	vst v63  }
0x115: {  	_ =	swait.ge [sflag:s17], $0x1F40  }
0x116: {  	[sflag:s17] =	ssyncset.done $0x0  }
0x117: {  	s13 =	simm.s32 $0x0;
	[sflag:s17] =	ssyncadd.s32 $0xFFFFE0C0  }
0x118: {  	v9 =	vld [tilespmem:s13+$0x11FB0]  }
0x119: {  	v11 =	vld [tilespmem:s13+$0x11FA0]  }
0x11a: {  	v10 =	vld [tilespmem:s13+$0x10070]  }
0x11b: {  	v12 =	vld [tilespmem:s13+$0x10060]  }
0x11c: {  	v5 =	vld [tilespmem:s13+$0x11F90]  }
0x11d: {  	v6 =	vld [tilespmem:s13+$0x11F80]  }
0x11e: {  	v4 =	vld.msk [tilespmem:s14+$0x0 ss:$0x0], $0xffff  }
0x11f: {  	v8 =	vld [tilespmem:s13+$0x10050]  }
0x120: {  	v7 =	vld [tilespmem:s13+$0x10040]  }
0x121: {  	s16 =	simm.s32 $0x100;
	s9 =	smov.u32 s14;
	v10 =	vadd.f32 v9, v10;
	v9 =	vadd.f32 v11, v12  }
.LBB2_22:
0x122: {  	p1 =	sne.s32 s16, $0x7C00  }
0x123: {  	s9 =	sadd.s32 $0x1, s9;
	s21 =	smov.u32 s16;
	s16 =	sadd.s32 $0x100, s16  }
0x124: {  	v5 =	vadd.f32 v5, v8;
	v8 =	vmul.f32 v10, v4  }
0x125: {  	s21 =	sshra.s32 s21, $0x2;
	v6 =	vadd.f32 v6, v7;
	v7 =	vmul.f32 v9, v4  }
0x126: {  	v9 =	vld [tilespmem:s21+$0x11FB0];
	v10 =	vmul.f32 v5, v4;
	v8 =	vadd.f32 v8, v3  }
0x127: {  	v11 =	vld [tilespmem:s21+$0x11FA0];
	v4 =	vmul.f32 v6, v4;
	v6 =	vadd.f32 v7, v2  }
0x128: {  	v5 =	vld [tilespmem:s21+$0x11F90];
	v7 =	vadd.f32 v10, v1;
	[tilespmem:s13+$0x10070] =	vst v8  }
0x129: {  	v10 =	vld [tilespmem:s21+$0x10070];
	v4 =	vadd.f32 v4, v0;
	[tilespmem:s13+$0x10060] =	vst v6  }
0x12a: {  	v12 =	vld [tilespmem:s21+$0x10060];
	[tilespmem:s13+$0x10050] =	vst v7  }
.Ltmp8:
0x12b: {  	v6 =	vld [tilespmem:s21+$0x11F80];
	[tilespmem:s13+$0x10040] =	vst v4;
	s13 =	smov.u32 s21;
	(pc) =	sbr.rel @p1 .LBB2_22-.Ltmp8, $4  }
0x12c: {  	v4 =	vld.msk [tilespmem:s9+$0x0 ss:$0x0], $0xffff  }
0x12d: {  	v8 =	vld [tilespmem:s13+$0x10050]  }
0x12e: {  	v7 =	vld [tilespmem:s13+$0x10040];
	v10 =	vadd.f32 v9, v10  }
0x12f: {  	v9 =	vadd.f32 v11, v12  }
0x130: {  	_ =	sdelay $0x1  }
0x131: {  	v61 =	vmul.f32 v10, v4;
	v5 =	vadd.f32 v5, v8  }
0x132: {  	v62 =	vmul.f32 v9, v4;
	v6 =	vadd.f32 v6, v7  }
0x133: {  	v8 =	vadd.f32 v61, v3;
	v5 =	vmul.f32 v5, v4  }
0x134: {  	v63 =	vadd.f32 v62, v2;
	v4 =	vmul.f32 v6, v4  }
0x135: {  	[tilespmem:s13+$0x10070] =	vst v8;
	v5 =	vadd.f32 v5, v1  }
0x136: {  	[tilespmem:s13+$0x10060] =	vst v63;
	v4 =	vadd.f32 v4, v0  }
0x137: {  	s10 =	sadd.s32 $0x1, s10;
	[tilespmem:s13+$0x10050] =	vst v5  }
0x138: {  	p1 =	sne.s32 s10, $0x5;
	[tilespmem:s13+$0x10040] =	vst v4  }
0x139: {  	[hbm4b:s12+s4] =	stream.linear.scatter [tilespmem:s1], [sflag:$0x6], $0x1F40, $0x38;
	[tilespmem:$0x1E2F0] =	vst v63  }
.Ltmp9:
0x13a: {  	_ = 	snop;
	(pc) =	sbr.rel @p1 .LBB2_21-.Ltmp9, $4  }
.Ltmp10:
0x13b: {  	_ = 	snop;
	(pc) =	sbr.rel @!p1 .LBB2_24-.Ltmp10, $4  }
0x13c: {  	_ =	swait.ge [sflag:s17], $0x1F40  }
0x13d: {  	[sflag:s17] =	ssyncset.done $0x0  }
0x13e: {  	s14 =	sadd.s32 $0x7D, s14;
	[sflag:s17] =	ssyncadd.s32 $0xFFFFE0C0  }
0x13f: {  	_ = 	snop  }
.LBB2_6:
0x140: {  	s9 =	smul.u32 $0x7D, s12;
	_ =	sdelay $0x1  }
0x141: {  	s9 =	sadd.s32 s11, s9  }
0x142: {  	s13 =	sshll.u32 s9, $0x3  }
0x143: {  	s9 =	sadd.s32 s2, s13  }
0x144: {  	[tilespmem:s24], [sflag:$0x6] =	stream.linear.gather [hbm4b:s9+s8], $0x1F40, $0x38;
	[tilespmem:$0x1E2F0] =	vst v63  }
0x145: {  	_ =	swait.ge [sflag:s17], $0x1F40  }
0x146: {  	[sflag:s17] =	ssyncset.done $0x0  }
0x147: {  	s14 =	simm.s32 $0x11FA0;
	[sflag:s17] =	ssyncadd.s32 $0xFFFFE0C0  }
0x148: {  	v4 =	vld [tilespmem:s14+$0xFFFFFFF0]  }
0x149: {  	s21 =	sadd.s32 $0x0, s10;
	v6 =	vld [tilespmem:s14+$0x10]  }
0x14a: {  	v8 =	vld.msk [tilespmem:s21+$0x0 ss:$0x0], $0xffff  }
0x14b: {  	v5 =	vld [tilespmem:s14+$0xFFFFFFE0]  }
0x14c: {  	v9 =	vld [tilespmem:s14+$0x0];
	_ =	sdelay $0x3  }
0x14d: {  	v5 =	vmul.f32 v8, v5;
	v7 =	vmul.f32 v6, v8  }
0x14e: {  	s16 =	simm.s32 $0x11FA0;
	s9 =	simm.s32 $0x4;
	v6 =	vmul.f32 v4, v8;
	v4 =	vmul.f32 v9, v8  }
.LBB2_7:
0x14f: {  	p1 =	sne.s32 s9, $0x1F0  }
0x150: {  	[tilespmem:s14+$0x10] =	vst v7;
	s16 =	sadd.s32 $0x40, s16;
	s21 =	smov.u32 s9;
	s9 =	sadd.s32 $0x4, s9  }
0x151: {  	[tilespmem:s14+$0xFFFFFFE0] =	vst v5  }
0x152: {  	s21 =	sshra.s32 s21, $0x2;
	v8 =	vld [tilespmem:s16+$0xFFFFFFF0];
	[tilespmem:s14+$0xFFFFFFF0] =	vst v6  }
0x153: {  	s21 =	sadd.s32 s21, s10;
	v6 =	vld [tilespmem:s16+$0x10];
	[tilespmem:s14+$0x0] =	vst v4;
	s14 =	smov.u32 s16  }
0x154: {  	v4 =	vld.msk [tilespmem:s21+$0x0 ss:$0x0], $0xffff  }
0x155: {  	v5 =	vld [tilespmem:s16+$0xFFFFFFE0]  }
0x156: {  	v9 =	vld [tilespmem:s16+$0x0]  }
.Ltmp11:
0x157: {  	(pc) =	sbr.rel @p1 .LBB2_7-.Ltmp11, $3  }
0x158: {  	_ =	sdelay $0x1  }
0x159: {  	v7 =	vmul.f32 v6, v4;
	v5 =	vmul.f32 v4, v5  }
0x15a: {  	v6 =	vmul.f32 v8, v4;
	v4 =	vmul.f32 v9, v4  }
0x15b: {  	[tilespmem:s14+$0x10] =	vst v7  }
0x15c: {  	[tilespmem:s14+$0xFFFFFFE0] =	vst v5;
	s12 =	sadd.s32 $0x1, s12  }
0x15d: {  	[tilespmem:s14+$0xFFFFFFF0] =	vst v6;
	p1 =	sne.s32 s12, $0x5  }
.Ltmp12:
0x15e: {  	s9 =	sadd.s32 s6, s13;
	[tilespmem:s14+$0x0] =	vst v4;
	(pc) =	sbr.rel @p1 .LBB2_6-.Ltmp12, $4  }
0x15f: {  	[hbm4b:s9+s4] =	stream.linear.scatter [tilespmem:s24], [sflag:$0x6], $0x1F40, $0x38;
	[tilespmem:$0x1E2F0] =	vst v63  }
0x160: {  	_ =	swait.ge [sflag:s17], $0x1F40  }
0x161: {  	[sflag:s17] =	ssyncset.done $0x0  }
0x162: {  	s10 =	sadd.s32 $0x7D, s10;
	[sflag:s17] =	ssyncadd.s32 $0xFFFFE0C0  }
0x163: {  	[bflag:$0x0] =	sbarrier.arrive $0xFFFF;
	s8 =	simm.s32 $0x0  }
0x164: {  	[tilespmem:s26], [sflag:$0x1] =	stream.indirect.gather [hbm4b:s6+s25], $0x40, s8, s25, $0xb8;
	[tilespmem:$0x1E2F0] =	vst v63  }
0x165: {  	_ = 	snop  }
0x166: {  	[tilespmem:s28], [sflag:$0x2] =	stream.indirect.gather [hbm4b:s6+s25], $0x40, s25, s25, $0xb8;
	[tilespmem:$0x1E2F0] =	vst v63  }
0x167: {  	s12 =	simm.s32 $0xA0  }
0x168: {  	[tilespmem:s30], [sflag:$0x3] =	stream.indirect.gather [hbm4b:s6+s25], $0x40, s12, s25, $0xb8;
	[tilespmem:$0x1E2F0] =	vst v63  }
0x169: {  	s13 =	simm.s32 $0xF0  }
0x16a: {  	[tilespmem:s0], [sflag:$0x4] =	stream.indirect.gather [hbm4b:s6+s25], $0x40, s13, s25, $0xb8;
	[tilespmem:$0x1E2F0] =	vst v63  }
0x16b: {  	s14 =	simm.s32 $0x140  }
0x16c: {  	[tilespmem:s18], [sflag:$0x5] =	stream.indirect.gather [hbm4b:s6+s25], $0x40, s14, s25, $0xb8;
	[tilespmem:$0x1E2F0] =	vst v63  }
0x16d: {  	_ =	swait.ge [sflag:s19], $0x1400  }
0x16e: {  	[sflag:s19] =	ssyncset.done $0x0  }
0x16f: {  	s16 =	simm.s32 $0x4E20;
	[sflag:s19] =	ssyncadd.s32 $0xFFFFEC00  }
0x170: {  	[spmem:s3] =	stream.indirect.scatter.add.f32 [tilespmem:s26], [sflag:$0x6], $0x40, s16, s25, $0xb8;
	[tilespmem:$0x1E2F0] =	vst v63  }
0x171: {  	_ =	swait.ge [sflag:s17], $0x1400  }
0x172: {  	[sflag:s17] =	ssyncset.done $0x0  }
0x173: {  	s21 =	simm.s32 $0x190;
	[sflag:s17] =	ssyncadd.s32 $0xFFFFEC00  }
0x174: {  	[tilespmem:s26], [sflag:$0x1] =	stream.indirect.gather [hbm4b:s6+s25], $0x40, s21, s25, $0xb8;
	[tilespmem:$0x1E2F0] =	vst v63  }
0x175: {  	_ =	swait.ge [sflag:s22], $0x1400  }
0x176: {  	[sflag:s22] =	ssyncset.done $0x0  }
0x177: {  	s9 =	simm.s32 $0x4E70;
	[sflag:s22] =	ssyncadd.s32 $0xFFFFEC00  }
0x178: {  	[spmem:s3] =	stream.indirect.scatter.add.f32 [tilespmem:s28], [sflag:$0x6], $0x40, s9, s25, $0xb8;
	[tilespmem:$0x1E2F0] =	vst v63  }
0x179: {  	_ =	swait.ge [sflag:s17], $0x1400  }
0x17a: {  	[sflag:s17] =	ssyncset.done $0x0  }
0x17b: {  	s10 =	simm.s32 $0x1E0;
	[sflag:s17] =	ssyncadd.s32 $0xFFFFEC00  }
0x17c: {  	[tilespmem:s28], [sflag:$0x2] =	stream.indirect.gather [hbm4b:s6+s25], $0x40, s10, s25, $0xb8;
	[tilespmem:$0x1E2F0] =	vst v63  }
0x17d: {  	_ =	swait.ge [sflag:s23], $0x1400  }
0x17e: {  	[sflag:s23] =	ssyncset.done $0x0  }
0x17f: {  	s12 =	simm.s32 $0x4EC0;
	[sflag:s23] =	ssyncadd.s32 $0xFFFFEC00  }
0x180: {  	[spmem:s3] =	stream.indirect.scatter.add.f32 [tilespmem:s30], [sflag:$0x6], $0x40, s12, s25, $0xb8;
	[tilespmem:$0x1E2F0] =	vst v63  }
0x181: {  	_ =	swait.ge [sflag:s17], $0x1400  }
0x182: {  	[sflag:s17] =	ssyncset.done $0x0  }
0x183: {  	s13 =	simm.s32 $0x230;
	[sflag:s17] =	ssyncadd.s32 $0xFFFFEC00  }
0x184: {  	[tilespmem:s30], [sflag:$0x3] =	stream.indirect.gather [hbm4b:s6+s25], $0x40, s13, s25, $0xb8;
	[tilespmem:$0x1E2F0] =	vst v63  }
0x185: {  	_ =	swait.ge [sflag:s29], $0x1400  }
0x186: {  	[sflag:s29] =	ssyncset.done $0x0  }
0x187: {  	s14 =	simm.s32 $0x4F10;
	[sflag:s29] =	ssyncadd.s32 $0xFFFFEC00  }
0x188: {  	[spmem:s3] =	stream.indirect.scatter.add.f32 [tilespmem:s0], [sflag:$0x6], $0x40, s14, s25, $0xb8;
	[tilespmem:$0x1E2F0] =	vst v63  }
0x189: {  	_ =	swait.ge [sflag:s17], $0x1400  }
0x18a: {  	[sflag:s17] =	ssyncset.done $0x0  }
0x18b: {  	s16 =	simm.s32 $0x280;
	[sflag:s17] =	ssyncadd.s32 $0xFFFFEC00  }
0x18c: {  	[tilespmem:s0], [sflag:$0x4] =	stream.indirect.gather [hbm4b:s6+s25], $0x40, s16, s25, $0xb8;
	[tilespmem:$0x1E2F0] =	vst v63  }
0x18d: {  	_ =	swait.ge [sflag:s31], $0x1400  }
0x18e: {  	[sflag:s31] =	ssyncset.done $0x0  }
0x18f: {  	s21 =	simm.s32 $0x4F60;
	[sflag:s31] =	ssyncadd.s32 $0xFFFFEC00  }
0x190: {  	[spmem:s3] =	stream.indirect.scatter.add.f32 [tilespmem:s18], [sflag:$0x6], $0x40, s21, s25, $0xb8;
	[tilespmem:$0x1E2F0] =	vst v63  }
0x191: {  	_ =	swait.ge [sflag:s17], $0x1400  }
0x192: {  	[sflag:s17] =	ssyncset.done $0x0  }
0x193: {  	s8 =	simm.s32 $0x640;
	s9 =	simm.s32 $0x2D0;
	[sflag:s17] =	ssyncadd.s32 $0xFFFFEC00  }
.LBB2_10:
0x194: {  	[tilespmem:s18], [sflag:$0x5] =	stream.indirect.gather [hbm4b:s6+s25], $0x40, s9, s25, $0xb8;
	[tilespmem:$0x1E2F0] =	vst v63  }
0x195: {  	s9 =	smov.u32 s8  }
0x196: {  	p1 =	sne.s32 s8, $0x12C00;
	s8 =	sadd.s32 $0x640, s8;
	_ =	swait.ge [sflag:s19], $0x1400  }
0x197: {  	s10 =	sshra.s32 s9, $0x2;
	[sflag:s19] =	ssyncset.done $0x0  }
0x198: {  	s9 =	sadd.s32 $0x4E20, s10;
	[sflag:s19] =	ssyncadd.s32 $0xFFFFEC00  }
0x199: {  	[spmem:s3] =	stream.indirect.scatter.add.f32 [tilespmem:s26], [sflag:$0x6], $0x40, s9, s25, $0xb8;
	[tilespmem:$0x1E2F0] =	vst v63  }
0x19a: {  	_ =	swait.ge [sflag:s17], $0x1400  }
0x19b: {  	[sflag:s17] =	ssyncset.done $0x0  }
0x19c: {  	s9 =	sadd.s32 $0x190, s10;
	[sflag:s17] =	ssyncadd.s32 $0xFFFFEC00  }
0x19d: {  	[tilespmem:s26], [sflag:$0x1] =	stream.indirect.gather [hbm4b:s6+s25], $0x40, s9, s25, $0xb8;
	[tilespmem:$0x1E2F0] =	vst v63  }
0x19e: {  	_ =	swait.ge [sflag:s22], $0x1400  }
0x19f: {  	[sflag:s22] =	ssyncset.done $0x0  }
0x1a0: {  	s9 =	sadd.s32 $0x4E70, s10;
	[sflag:s22] =	ssyncadd.s32 $0xFFFFEC00  }
0x1a1: {  	[spmem:s3] =	stream.indirect.scatter.add.f32 [tilespmem:s28], [sflag:$0x6], $0x40, s9, s25, $0xb8;
	[tilespmem:$0x1E2F0] =	vst v63  }
0x1a2: {  	_ =	swait.ge [sflag:s17], $0x1400  }
0x1a3: {  	[sflag:s17] =	ssyncset.done $0x0  }
0x1a4: {  	s9 =	sadd.s32 $0x1E0, s10;
	[sflag:s17] =	ssyncadd.s32 $0xFFFFEC00  }
0x1a5: {  	[tilespmem:s28], [sflag:$0x2] =	stream.indirect.gather [hbm4b:s6+s25], $0x40, s9, s25, $0xb8;
	[tilespmem:$0x1E2F0] =	vst v63  }
0x1a6: {  	_ =	swait.ge [sflag:s23], $0x1400  }
0x1a7: {  	[sflag:s23] =	ssyncset.done $0x0  }
0x1a8: {  	s9 =	sadd.s32 $0x4EC0, s10;
	[sflag:s23] =	ssyncadd.s32 $0xFFFFEC00  }
0x1a9: {  	[spmem:s3] =	stream.indirect.scatter.add.f32 [tilespmem:s30], [sflag:$0x6], $0x40, s9, s25, $0xb8;
	[tilespmem:$0x1E2F0] =	vst v63  }
0x1aa: {  	_ =	swait.ge [sflag:s17], $0x1400  }
0x1ab: {  	[sflag:s17] =	ssyncset.done $0x0  }
0x1ac: {  	s9 =	sadd.s32 $0x230, s10;
	[sflag:s17] =	ssyncadd.s32 $0xFFFFEC00  }
0x1ad: {  	[tilespmem:s30], [sflag:$0x3] =	stream.indirect.gather [hbm4b:s6+s25], $0x40, s9, s25, $0xb8;
	[tilespmem:$0x1E2F0] =	vst v63  }
0x1ae: {  	_ =	swait.ge [sflag:s29], $0x1400  }
0x1af: {  	[sflag:s29] =	ssyncset.done $0x0  }
0x1b0: {  	s9 =	sadd.s32 $0x4F10, s10;
	[sflag:s29] =	ssyncadd.s32 $0xFFFFEC00  }
0x1b1: {  	[spmem:s3] =	stream.indirect.scatter.add.f32 [tilespmem:s0], [sflag:$0x6], $0x40, s9, s25, $0xb8;
	[tilespmem:$0x1E2F0] =	vst v63  }
0x1b2: {  	_ =	swait.ge [sflag:s17], $0x1400  }
0x1b3: {  	[sflag:s17] =	ssyncset.done $0x0  }
0x1b4: {  	s9 =	sadd.s32 $0x280, s10;
	[sflag:s17] =	ssyncadd.s32 $0xFFFFEC00  }
0x1b5: {  	[tilespmem:s0], [sflag:$0x4] =	stream.indirect.gather [hbm4b:s6+s25], $0x40, s9, s25, $0xb8;
	[tilespmem:$0x1E2F0] =	vst v63  }
0x1b6: {  	_ =	swait.ge [sflag:s31], $0x1400  }
0x1b7: {  	[sflag:s31] =	ssyncset.done $0x0  }
.Ltmp13:
0x1b8: {  	s9 =	sadd.s32 $0x4F60, s10;
	[sflag:s31] =	ssyncadd.s32 $0xFFFFEC00;
	(pc) =	sbr.rel @p1 .LBB2_10-.Ltmp13, $4  }
0x1b9: {  	[spmem:s3] =	stream.indirect.scatter.add.f32 [tilespmem:s18], [sflag:$0x6], $0x40, s9, s25, $0xb8;
	[tilespmem:$0x1E2F0] =	vst v63  }
0x1ba: {  	_ =	swait.ge [sflag:s17], $0x1400  }
0x1bb: {  	[sflag:s17] =	ssyncset.done $0x0  }
0x1bc: {  	s9 =	sadd.s32 $0x2D0, s10;
	[sflag:s17] =	ssyncadd.s32 $0xFFFFEC00  }
0x1bd: {  	[tilespmem:s18], [sflag:$0x5] =	stream.indirect.gather [hbm4b:s6+s25], $0x40, s9, s25, $0xb8;
	[tilespmem:$0x1E2F0] =	vst v63  }
0x1be: {  	_ =	swait.ge [sflag:s19], $0x1400  }
0x1bf: {  	[sflag:s19] =	ssyncset.done $0x0  }
0x1c0: {  	s8 =	simm.s32 $0x9AB0;
	[sflag:s19] =	ssyncadd.s32 $0xFFFFEC00  }
0x1c1: {  	[spmem:s3] =	stream.indirect.scatter.add.f32 [tilespmem:s26], [sflag:$0x6], $0x40, s8, s25, $0xb8;
	[tilespmem:$0x1E2F0] =	vst v63  }
0x1c2: {  	_ =	swait.ge [sflag:s17], $0x1400  }
0x1c3: {  	[sflag:s17] =	ssyncset.done $0x0  }
0x1c4: {  	[sflag:s17] =	ssyncadd.s32 $0xFFFFEC00  }
0x1c5: {  	_ =	swait.ge [sflag:s22], $0x1400  }
0x1c6: {  	[sflag:s22] =	ssyncset.done $0x0  }
0x1c7: {  	s13 =	simm.s32 $0x9B00;
	[sflag:s22] =	ssyncadd.s32 $0xFFFFEC00  }
0x1c8: {  	[spmem:s3] =	stream.indirect.scatter.add.f32 [tilespmem:s28], [sflag:$0x6], $0x40, s13, s25, $0xb8;
	[tilespmem:$0x1E2F0] =	vst v63  }
0x1c9: {  	_ =	swait.ge [sflag:s17], $0x1400  }
0x1ca: {  	[sflag:s17] =	ssyncset.done $0x0  }
0x1cb: {  	[sflag:s17] =	ssyncadd.s32 $0xFFFFEC00  }
0x1cc: {  	_ =	swait.ge [sflag:s23], $0x1400  }
0x1cd: {  	[sflag:s23] =	ssyncset.done $0x0  }
0x1ce: {  	s14 =	simm.s32 $0x9B50;
	[sflag:s23] =	ssyncadd.s32 $0xFFFFEC00  }
0x1cf: {  	[spmem:s3] =	stream.indirect.scatter.add.f32 [tilespmem:s30], [sflag:$0x6], $0x40, s14, s25, $0xb8;
	[tilespmem:$0x1E2F0] =	vst v63  }
0x1d0: {  	_ =	swait.ge [sflag:s17], $0x1400  }
0x1d1: {  	[sflag:s17] =	ssyncset.done $0x0  }
0x1d2: {  	[sflag:s17] =	ssyncadd.s32 $0xFFFFEC00  }
0x1d3: {  	_ =	swait.ge [sflag:s29], $0x1400  }
0x1d4: {  	[sflag:s29] =	ssyncset.done $0x0  }
0x1d5: {  	s16 =	simm.s32 $0x9BA0;
	[sflag:s29] =	ssyncadd.s32 $0xFFFFEC00  }
0x1d6: {  	[spmem:s3] =	stream.indirect.scatter.add.f32 [tilespmem:s0], [sflag:$0x6], $0x40, s16, s25, $0xb8;
	[tilespmem:$0x1E2F0] =	vst v63  }
0x1d7: {  	_ =	swait.ge [sflag:s17], $0x1400  }
0x1d8: {  	[sflag:s17] =	ssyncset.done $0x0  }
0x1d9: {  	[sflag:s17] =	ssyncadd.s32 $0xFFFFEC00  }
0x1da: {  	_ =	swait.ge [sflag:s31], $0x1400  }
0x1db: {  	[sflag:s31] =	ssyncset.done $0x0  }
0x1dc: {  	s21 =	simm.s32 $0x9BF0;
	[sflag:s31] =	ssyncadd.s32 $0xFFFFEC00  }
0x1dd: {  	[spmem:s3] =	stream.indirect.scatter.add.f32 [tilespmem:s18], [sflag:$0x6], $0x40, s21, s25, $0xb8;
	[tilespmem:$0x1E2F0] =	vst v63  }
0x1de: {  	_ =	swait.ge [sflag:s17], $0x1400  }
0x1df: {  	[sflag:s17] =	ssyncset.done $0x0  }
0x1e0: {  	s9 =	smov.u32 s20;
	[sflag:s17] =	ssyncadd.s32 $0xFFFFEC00  }
0x1e1: {  	s10 =	simm.s32 $0x0;
	s8 =	simm.s32 $0x0;
	[bflag:$0x0] =	sbarrier.arrive $0xFFFF  }
.LBB2_12:
0x1e2: {  	s12 =	smul.u32 $0x7D, s10;
	_ =	sdelay $0x1  }
0x1e3: {  	s12 =	sadd.s32 s11, s12  }
0x1e4: {  	s13 =	sshll.u32 s12, $0x6  }
0x1e5: {  	s13 =	sand.u32 $0x3FFFFFC0, s13  }
0x1e6: {  	s13 =	sadd.s32 s13, s3  }
0x1e7: {  	[tilespmem:s1], [sflag:$0x6] =	stream.linear.gather [spmem:s13], $0x1F40, $0x38;
	[tilespmem:$0x1E2F0] =	vst v63  }
0x1e8: {  	_ =	swait.ge [sflag:s17], $0x1F40  }
0x1e9: {  	s12 =	sshll.u32 s12, $0x3;
	[sflag:s17] =	ssyncset.done $0x0  }
0x1ea: {  	s12 =	sadd.s32 s6, s12;
	[sflag:s17] =	ssyncadd.s32 $0xFFFFE0C0  }
0x1eb: {  	[tilespmem:s24], [sflag:$0x6] =	stream.linear.gather [hbm4b:s12+s8], $0x1F40, $0x38;
	[tilespmem:$0x1E2F0] =	vst v63  }
0x1ec: {  	_ =	swait.ge [sflag:s17], $0x1F40  }
0x1ed: {  	[sflag:s17] =	ssyncset.done $0x0  }
0x1ee: {  	s13 =	simm.s32 $0x0;
	[sflag:s17] =	ssyncadd.s32 $0xFFFFE0C0  }
0x1ef: {  	v9 =	vld [tilespmem:s13+$0x11FB0]  }
0x1f0: {  	v11 =	vld [tilespmem:s13+$0x11FA0]  }
0x1f1: {  	v10 =	vld [tilespmem:s13+$0x10070]  }
0x1f2: {  	v12 =	vld [tilespmem:s13+$0x10060]  }
0x1f3: {  	v5 =	vld [tilespmem:s13+$0x11F90]  }
0x1f4: {  	v6 =	vld [tilespmem:s13+$0x11F80]  }
0x1f5: {  	v4 =	vld.msk [tilespmem:s9+$0x0 ss:$0x0], $0xffff  }
0x1f6: {  	v8 =	vld [tilespmem:s13+$0x10050]  }
0x1f7: {  	v7 =	vld [tilespmem:s13+$0x10040]  }
0x1f8: {  	s16 =	simm.s32 $0x100;
	s14 =	smov.u32 s9;
	v10 =	vadd.f32 v9, v10;
	v9 =	vadd.f32 v11, v12  }
.LBB2_13:
0x1f9: {  	p1 =	sne.s32 s16, $0x7C00  }
0x1fa: {  	s14 =	sadd.s32 $0x1, s14;
	s21 =	smov.u32 s16;
	s16 =	sadd.s32 $0x100, s16  }
0x1fb: {  	v5 =	vadd.f32 v5, v8;
	v8 =	vmul.f32 v10, v4  }
0x1fc: {  	s21 =	sshra.s32 s21, $0x2;
	v6 =	vadd.f32 v6, v7;
	v7 =	vmul.f32 v9, v4  }
0x1fd: {  	v9 =	vld [tilespmem:s21+$0x11FB0];
	v10 =	vmul.f32 v5, v4;
	v8 =	vadd.f32 v8, v3  }
0x1fe: {  	v11 =	vld [tilespmem:s21+$0x11FA0];
	v4 =	vmul.f32 v6, v4;
	v6 =	vadd.f32 v7, v2  }
0x1ff: {  	v5 =	vld [tilespmem:s21+$0x11F90];
	v7 =	vadd.f32 v10, v1;
	[tilespmem:s13+$0x10070] =	vst v8  }
0x200: {  	v10 =	vld [tilespmem:s21+$0x10070];
	v4 =	vadd.f32 v4, v0;
	[tilespmem:s13+$0x10060] =	vst v6  }
0x201: {  	v12 =	vld [tilespmem:s21+$0x10060];
	[tilespmem:s13+$0x10050] =	vst v7  }
.Ltmp14:
0x202: {  	v6 =	vld [tilespmem:s21+$0x11F80];
	[tilespmem:s13+$0x10040] =	vst v4;
	s13 =	smov.u32 s21;
	(pc) =	sbr.rel @p1 .LBB2_13-.Ltmp14, $4  }
0x203: {  	v4 =	vld.msk [tilespmem:s14+$0x0 ss:$0x0], $0xffff  }
0x204: {  	v8 =	vld [tilespmem:s13+$0x10050]  }
0x205: {  	v7 =	vld [tilespmem:s13+$0x10040];
	v10 =	vadd.f32 v9, v10  }
0x206: {  	v9 =	vadd.f32 v11, v12  }
0x207: {  	_ =	sdelay $0x1  }
0x208: {  	v61 =	vmul.f32 v10, v4;
	v5 =	vadd.f32 v5, v8  }
0x209: {  	v62 =	vmul.f32 v9, v4;
	v6 =	vadd.f32 v6, v7  }
0x20a: {  	v8 =	vadd.f32 v61, v3;
	v5 =	vmul.f32 v5, v4  }
0x20b: {  	v63 =	vadd.f32 v62, v2;
	v4 =	vmul.f32 v6, v4  }
0x20c: {  	[tilespmem:s13+$0x10070] =	vst v8;
	v5 =	vadd.f32 v5, v1  }
0x20d: {  	[tilespmem:s13+$0x10060] =	vst v63;
	v4 =	vadd.f32 v4, v0  }
0x20e: {  	s10 =	sadd.s32 $0x1, s10;
	[tilespmem:s13+$0x10050] =	vst v5  }
0x20f: {  	p1 =	seq.s32 s10, $0x5;
	[tilespmem:s13+$0x10040] =	vst v4  }
0x210: {  	[hbm4b:s12+s4] =	stream.linear.scatter [tilespmem:s1], [sflag:$0x6], $0x1F40, $0x38;
	[tilespmem:$0x1E2F0] =	vst v63  }
.Ltmp15:
0x211: {  	_ = 	snop;
	(pc) =	sbr.rel @!p1 .LBB2_12-.Ltmp15, $4  }
.Ltmp16:
0x212: {  	_ = 	snop;
	(pc) =	sbr.rel @p1 .LBB2_24-.Ltmp16, $4  }
0x213: {  	_ =	swait.ge [sflag:s17], $0x1F40  }
0x214: {  	[sflag:s17] =	ssyncset.done $0x0  }
0x215: {  	s9 =	sadd.s32 $0x7D, s9;
	[sflag:s17] =	ssyncadd.s32 $0xFFFFE0C0  }
0x216: {  	_ = 	snop  }
.LBB2_25:
0x217: {  	_ =	sfence.sel $0x180000  }
0x218: {  	[bflag:$0x0] =	sbarrier.arrive $0xFFFF  }
0x219: {  	_ =	strace $0x9000004A  }
0x21a: {  	s0 =	stileid.u32;
	[bflag:$0x2] =	sbarrier.arrive $0xFFFF  }
0x21b: {  	p0 =	sne.s32 s0, $0x0;
	s0 =	rddreg [dreg:$0x4]  }
0x21c: {  	s0 =	sadd.s32 @!p0 $0x100000, s0  }
0x21d: {  	[sflag:s0] =	ssyncadd.tile.s32 @!p0 $0x1;
	_ =	shalt  }
.Lfunc_end2:
_tile_overlayer_lowered:
.L_overlay_start_2:
0x21e: {  	(tag) =	ssettag $0x2  }
0x21f: {  	s0 =	rddreg [dreg:$0x0];
	s2 =	stileid.u32  }
0x220: {  	s1 =	rddreg [dreg:$0x1];
	p0 =	sne.s32 s2, $0x0  }
0x221: {  	s3 =	rddreg [dreg:$0x2];
	[bflag:$0x3] =	sbarrier.arrive $0xFFFF;
	s2 =	simm.s32 @!p0 $0x1C06  }
0x222: {  	[timem:s3], [sflag:s2] =	dma.local @!p0 [hbm:s0], s1  }
0x223: {  	s0 =	simm.s32 @!p0 $0x6  }
0x224: {  	_ =	swait.ge @!p0 [sflag:s0], s1  }
0x225: {  	s1 =	ssub.s32 @!p0 $0x0, s1;
	[sflag:s0] =	ssyncset.done @!p0 $0x0  }
0x226: {  	[sflag:s0] =	ssyncadd.s32 @!p0 s1  }
0x227: {  	[bflag:$0x3] =	sbarrier.arrive $0xFFFF  }
0x228: {  	_ =	shalt  }

</sc_bundles>
